<compile_context>
chip_gen: v7x
topology: tpu7x:2x2x1
jax: 0.10.2.dev20260603
libtpu: 0.0.44.dev20260713+nightly
codegen_flags: <defaults>
</compile_context>

<pallas_src>
import functools

import jax
import jax.numpy as jnp
from jax import lax
from jax.experimental import pallas as pl
from jax.experimental.pallas import tpu as pltpu
from jax.experimental.pallas import tpu_sc as plsc

N = 10000
E = 160000
D = 256
C = 64
EB = 128
EPAD = 163840
NPAD = 10240
RPT_DEG = NPAD // 16


@functools.cache
def _make_deg():
    mesh = plsc.VectorSubcoreMesh(core_axis_name="c", subcore_axis_name="s")
    epw = EPAD // 32

    @functools.partial(
        pl.kernel,
        out_type=jax.ShapeDtypeStruct((2, NPAD, 16), jnp.float32),
        mesh=mesh,
        scratch_types=[
            pltpu.VMEM((epw,), jnp.int32),
            pltpu.VMEM((NPAD,), jnp.float32),
            pltpu.VMEM((16, RPT_DEG), jnp.float32),
            pltpu.VMEM((RPT_DEG, 16), jnp.float32),
            pltpu.VMEM_SHARED((16, 16, RPT_DEG), jnp.float32),
        ],
        compiler_params=pltpu.CompilerParams(use_tc_tiling_on_sc=False,
                                             needs_layout_passes=False),
    )
    def deg_kernel(dst_hbm, zeros_hbm, out_hbm, dst_v, hist, merge_v, bcast_v,
                   stage):
        c = lax.axis_index("c")
        s = lax.axis_index("s")
        wid = s * 2 + c
        pltpu.sync_copy(dst_hbm.at[wid], dst_v)
        pltpu.sync_copy(zeros_hbm, hist)
        ones16 = jnp.full((16,), 1.0, jnp.float32)

        def body(i, carry):
            idx = dst_v[pl.ds(i * 16, 16)]
            plsc.addupdate_scatter(hist, [idx], ones16)
            return carry

        lax.fori_loop(0, epw // 16, body, 0)
        for t in range(16):
            pltpu.sync_copy(hist.at[pl.ds(t * RPT_DEG, RPT_DEG)],
                            stage.at[t, s])
        plsc.subcore_barrier()
        pltpu.sync_copy(stage.at[s], merge_v)

        def merge(j, carry):
            tot = jnp.zeros((16,), jnp.float32)
            for t in range(16):
                tot = tot + merge_v[t, pl.ds(j * 16, 16)]
            r0 = j * 16
            for u in range(16):
                bcast_v[r0 + u, :] = jnp.broadcast_to(tot[u], (16,))
            return carry

        lax.fori_loop(0, RPT_DEG // 16, merge, 0)
        sl = pl.ds(s * RPT_DEG, RPT_DEG)
        pltpu.sync_copy(bcast_v, out_hbm.at[c, sl])

    return deg_kernel


@functools.cache
def _make_spmm(W, edge_split):
    nb = EPAD // (32 if edge_split else 16) // EB
    mesh = plsc.VectorSubcoreMesh(core_axis_name="c", subcore_axis_name="s")

    @functools.partial(
        pl.kernel,
        out_type=jax.ShapeDtypeStruct((2, NPAD, W), jnp.float32),
        mesh=mesh,
        scratch_types=[
            pltpu.VMEM((nb, EB), jnp.int32),
            pltpu.VMEM((nb, EB), jnp.int32),
            pltpu.VMEM((EB, W), jnp.float32),
            pltpu.VMEM_SHARED((NPAD, W), jnp.float32),
        ],
        compiler_params=pltpu.CompilerParams(use_tc_tiling_on_sc=(W == 128)),
    )
    def spmm(hs_hbm, src_hbm, dst_hbm, zeros_hbm, out_hbm, src_v, dst_v, buf,
             acc):
        c = lax.axis_index("c")
        s = lax.axis_index("s")
        if edge_split:
            wid = s * 2 + c
            pltpu.sync_copy(src_hbm.at[wid], src_v)
            pltpu.sync_copy(dst_hbm.at[wid], dst_v)
        else:
            pltpu.sync_copy(src_hbm.at[c, s], src_v)
            pltpu.sync_copy(dst_hbm.at[s], dst_v)
        sl = pl.ds(s * RPT_DEG, RPT_DEG)
        pltpu.sync_copy(zeros_hbm, acc.at[sl])
        plsc.subcore_barrier()

        def body(b, carry):
            pltpu.sync_copy(hs_hbm.at[src_v.at[b]], buf)
            pltpu.sync_copy(buf, acc.at[dst_v.at[b]], add=True)
            return carry

        lax.fori_loop(0, nb, body, 0)
        plsc.subcore_barrier()
        pltpu.sync_copy(acc.at[sl], out_hbm.at[c, sl])

    return spmm



RB = 1000
GRID = N // RB


def _tc1_body(x_ref, w_ref, degp_ref, o_ref, dinv_ref):
    dcol = lax.rsqrt(degp_ref[0, :, 0:1] + degp_ref[1, :, 0:1] + 1.0)
    dinv_ref[...] = jnp.broadcast_to(dcol, dinv_ref.shape)
    h = jnp.dot(x_ref[...], w_ref[...], preferred_element_type=jnp.float32)
    hs = h * dcol
    o_ref[0] = hs[:, :128]
    o_ref[1] = hs[:, 128:]


def _tc1(x, w1, degp):
    return pl.pallas_call(
        _tc1_body,
        grid=(GRID,),
        in_specs=[
            pl.BlockSpec((RB, D), lambda i: (i, 0)),
            pl.BlockSpec((D, D), lambda i: (0, 0)),
            pl.BlockSpec((2, RB, 16), lambda i: (0, i, 0)),
        ],
        out_specs=[
            pl.BlockSpec((2, RB, 128), lambda i: (0, i, 0)),
            pl.BlockSpec((RB, 128), lambda i: (i, 0)),
        ],
        out_shape=[
            jax.ShapeDtypeStruct((2, N, 128), jnp.float32),
            jax.ShapeDtypeStruct((N, 128), jnp.float32),
        ],
    )(x, w1, degp)


def _tc_mid_body(dn, s_ref, hs_ref, dinv_ref, b_ref, w_ref, o_ref):
    d = dinv_ref[...]
    z0 = jax.nn.relu((s_ref[0] + hs_ref[0]) * d + b_ref[0, :128])
    z1 = jax.nn.relu((s_ref[1] + hs_ref[1]) * d + b_ref[0, 128:])
    z = jnp.concatenate([z0, z1], axis=1)
    h = jnp.dot(z, w_ref[...], preferred_element_type=jnp.float32)
    hs = h * d[:, 0:1]
    if dn == D:
        o_ref[0] = hs[:, :128]
        o_ref[1] = hs[:, 128:]
    else:
        o_ref[...] = hs


def _tc_mid(s_part, hs_prev, dinv_b, b_vec, w_next):
    dn = w_next.shape[1]
    if dn == D:
        out_spec = pl.BlockSpec((2, RB, 128), lambda i: (0, i, 0))
        out_shape = jax.ShapeDtypeStruct((2, N, 128), jnp.float32)
    else:
        out_spec = pl.BlockSpec((RB, dn), lambda i: (i, 0))
        out_shape = jax.ShapeDtypeStruct((N, dn), jnp.float32)
    return pl.pallas_call(
        functools.partial(_tc_mid_body, dn),
        grid=(GRID,),
        in_specs=[
            pl.BlockSpec((2, RB, 128), lambda i: (0, i, 0)),
            pl.BlockSpec((2, RB, 128), lambda i: (0, i, 0)),
            pl.BlockSpec((RB, 128), lambda i: (i, 0)),
            pl.BlockSpec((1, D), lambda i: (0, 0)),
            pl.BlockSpec((D, dn), lambda i: (0, 0)),
        ],
        out_specs=out_spec,
        out_shape=out_shape,
    )(s_part, hs_prev, dinv_b, b_vec, w_next)


def _tc_out_body(s_ref, hs_ref, dinv_ref, b_ref, o_ref):
    val = (s_ref[0] + s_ref[1] + hs_ref[...]) * dinv_ref[:, 0:1]
    o_ref[...] = val + b_ref[0, :]


def _tc_out(s3, hs3, dinv_b, b3):
    return pl.pallas_call(
        _tc_out_body,
        grid=(GRID,),
        in_specs=[
            pl.BlockSpec((2, RB, C), lambda i: (0, i, 0)),
            pl.BlockSpec((RB, C), lambda i: (i, 0)),
            pl.BlockSpec((RB, 128), lambda i: (i, 0)),
            pl.BlockSpec((1, C), lambda i: (0, 0)),
        ],
        out_specs=pl.BlockSpec((RB, C), lambda i: (i, 0)),
        out_shape=jax.ShapeDtypeStruct((N, C), jnp.float32),
    )(s3, hs3, dinv_b, b3)



def kernel(x, edge_index, W1, b1, W2, b2, W3, b3):
    src = edge_index[0].astype(jnp.int32)
    dst = edge_index[1].astype(jnp.int32)
    pad = EPAD - E
    src_p = jnp.concatenate([src, jnp.zeros((pad,), jnp.int32)])
    dst_p = jnp.concatenate([dst, jnp.full((pad,), N, jnp.int32)])
    src_fs = jnp.stack([src_p, src_p + N]).reshape(2, 16, EPAD // 16 // EB, EB)
    dst_fs = dst_p.reshape(16, EPAD // 16 // EB, EB)
    src_es = src_p.reshape(32, EPAD // 32 // EB, EB)
    dst_es = dst_p.reshape(32, EPAD // 32 // EB, EB)

    zeros_hist = jnp.zeros((NPAD,), jnp.float32)
    zeros_deg = jnp.zeros((RPT_DEG, 128), jnp.float32)
    dst_deg = dst_p.reshape(32, EPAD // 32)
    zeros64 = jnp.zeros((RPT_DEG, C), jnp.float32)

    degp = _make_deg()(dst_deg, zeros_hist)

    b1r = b1.reshape(1, D)
    b2r = b2.reshape(1, D)
    b3r = b3.reshape(1, C)


    spmm_fs = _make_spmm(128, False)
    spmm_es = _make_spmm(C, True)

    hs1, dinv_b = _tc1(x, W1, degp)
    s1 = spmm_fs(hs1.reshape(2 * N, 128), src_fs, dst_fs, zeros_deg)
    hs2 = _tc_mid(s1, hs1, dinv_b, b1r, W2)
    s2 = spmm_fs(hs2.reshape(2 * N, 128), src_fs, dst_fs, zeros_deg)
    hs3 = _tc_mid(s2, hs2, dinv_b, b2r, W3)
    s3 = spmm_es(hs3, src_es, dst_es, zeros64)
    return _tc_out(s3, hs3, dinv_b, b3r)

# --- scband reference (transcript-rebuilt; emitter-appended) ---
"""Pipeline reference for scband-gmnn-94489280547 (READ-ONLY COPY).

The authoritative reference and input builder live on the scoring server;
editing this copy changes nothing except your own understanding.
"""

import jax, jax.numpy as jnp
import numpy as np

N_NODES = 10000
N_EDGES = 160000
IN_CH = 256
HIDDEN = 256
NUM_CLASSES = 64


def _gcn_conv(x, src, dst, W, b, n):
    # x: [n, d_in], W: [d_in, d_out], b: [d_out]
    h = x @ W
    deg = jnp.zeros((n,), x.dtype).at[dst].add(1.0)
    dinv = jax.lax.rsqrt(jnp.maximum(deg, 1e-12))
    norm = dinv[src] * dinv[dst]
    msg = h[src] * norm[:, None]
    out = jnp.zeros((n, W.shape[1]), x.dtype).at[dst].add(msg)
    return out + b


def setup_inputs(seed: int = 0) -> dict:
    key = jax.random.key(seed)
    ks = jax.random.split(key, 8)
    x = jax.random.normal(ks[0], (N_NODES, IN_CH), dtype=jnp.float32)
    edge_index = jax.random.randint(ks[1], (2, N_EDGES), 0, N_NODES, dtype=jnp.int64)
    def glorot(k, fan_in, fan_out):
        limit = jnp.sqrt(6.0 / (fan_in + fan_out))
        return jax.random.uniform(k, (fan_in, fan_out), jnp.float32, -limit, limit)
    W1 = glorot(ks[2], IN_CH, HIDDEN)
    b1 = jnp.zeros((HIDDEN,), jnp.float32)
    W2 = glorot(ks[3], HIDDEN, HIDDEN)
    b2 = jnp.zeros((HIDDEN,), jnp.float32)
    W3 = glorot(ks[4], HIDDEN, NUM_CLASSES)
    b3 = jnp.zeros((NUM_CLASSES,), jnp.float32)
    return {"x": x, "edge_index": edge_index, "W1": W1, "b1": b1, "W2": W2, "b2": b2, "W3": W3, "b3": b3}


def reference(x, edge_index, W1, b1, W2, b2, W3, b3):
    # GMNN with args.inference == 'q': forward is just gnnq (a 3-layer GCN).
    # GCNConv semantics: add self-loops + symmetric normalization D^-1/2 (A+I) D^-1/2 X W + b.
    # drop_rate = 0.0 so dropout is identity.
    n = x.shape[0]
    loops = jnp.arange(n, dtype=edge_index.dtype)
    src = jnp.concatenate([edge_index[0], loops])
    dst = jnp.concatenate([edge_index[1], loops])
    h = jax.nn.relu(_gcn_conv(x, src, dst, W1, b1, n))
    h = jax.nn.relu(_gcn_conv(h, src, dst, W2, b2, n))
    out = _gcn_conv(h, src, dst, W3, b3, n)
    return out

if __name__ == "__main__":
    import jax
    _d = setup_inputs()
    print(jax.jit(kernel)(*tuple(_d.values())))

</pallas_src>

<mosaic_0001>
#map = affine_map<(d0, d1) -> (0, 0)>
#map1 = affine_map<(d0, d1) -> (0)>
#map2 = affine_map<(d0, d1) -> (0, 0, 0)>
module attributes {stable_mosaic.version = 14 : i64} {
  func.func @deg_kernel(%arg0: i32, %arg1: i32, %arg2: memref<32x5120xi32, #tpu.memory_space<hbm>>, %arg3: memref<10240xf32, #tpu.memory_space<hbm>>, %arg4: memref<2x10240x16xf32, #tpu.memory_space<hbm>>, %arg5: memref<5120xi32, #tpu.memory_space<vmem>>, %arg6: memref<10240xf32, #tpu.memory_space<vmem>>, %arg7: memref<16x640xf32, #tpu.memory_space<vmem>>, %arg8: memref<640x16xf32, #tpu.memory_space<vmem>>, %arg9: memref<16x16x640xf32, #tpu.memory_space<vmem_shared>>) attributes {dimension_semantics = [#tpu.dimension_semantics<core_parallel>, #tpu.dimension_semantics<subcore_parallel>], iteration_bounds = array<i64: 2, 16>, scalar_prefetch = 0 : i64, scratch_operands = 5 : i64, tpu.core_type = #tpu.core_type<sc_vector_subcore>, window_params = [{transform_indices = #map}, {transform_indices = #map1}, {transform_indices = #map2}]} {
    %mul3A = arith.constant 2 : i32
    %mul3A_0 = arith.muli %arg1, %mul3A : i32
    %add3A = arith.addi %mul3A_0, %arg0 : i32
    "tpu.region"() ({
      %run_scoped3A_30 = tpu.sem_alloc : memref<!tpu.dma_semaphore, #tpu.memory_space<semaphore_mem>>
      %dma_start3A = arith.constant 0 : i32
      %dma_start3A_31 = tpu.memref_slice %arg2[%add3A, %dma_start3A] : memref<32x5120xi32, #tpu.memory_space<hbm>> -> memref<1x5120xi32, #tpu.memory_space<hbm>>
      %dma_start3A_32 = tpu.memref_squeeze %dma_start3A_31 : memref<1x5120xi32, #tpu.memory_space<hbm>> -> memref<5120xi32, #tpu.memory_space<hbm>>
      %dma_start3A_33 = arith.constant 0 : i32
      %dma_start3A_34 = tpu.memref_slice %arg2[%add3A, %dma_start3A_33] : memref<32x5120xi32, #tpu.memory_space<hbm>> -> memref<1x5120xi32, #tpu.memory_space<hbm>>
      %dma_start3A_35 = tpu.memref_squeeze %dma_start3A_34 : memref<1x5120xi32, #tpu.memory_space<hbm>> -> memref<5120xi32, #tpu.memory_space<hbm>>
      tpu.enqueue_dma source(%dma_start3A_35 : memref<5120xi32, #tpu.memory_space<hbm>>) target(%arg5 : memref<5120xi32, #tpu.memory_space<vmem>>) target_semaphore(%run_scoped3A_30 : memref<!tpu.dma_semaphore, #tpu.memory_space<semaphore_mem>>)
      %dma_wait3A = arith.constant 0 : i32
      %dma_wait3A_36 = tpu.memref_slice %arg2[%add3A, %dma_wait3A] : memref<32x5120xi32, #tpu.memory_space<hbm>> -> memref<1x5120xi32, #tpu.memory_space<hbm>>
      %dma_wait3A_37 = tpu.memref_squeeze %dma_wait3A_36 : memref<1x5120xi32, #tpu.memory_space<hbm>> -> memref<5120xi32, #tpu.memory_space<hbm>>
      %dma_wait3A_38 = arith.constant 0 : i32
      %dma_wait3A_39 = tpu.memref_slice %arg2[%add3A, %dma_wait3A_38] : memref<32x5120xi32, #tpu.memory_space<hbm>> -> memref<1x5120xi32, #tpu.memory_space<hbm>>
      %dma_wait3A_40 = tpu.memref_squeeze %dma_wait3A_39 : memref<1x5120xi32, #tpu.memory_space<hbm>> -> memref<5120xi32, #tpu.memory_space<hbm>>
      tpu.wait_dma2 semaphore(%run_scoped3A_30 : memref<!tpu.dma_semaphore, #tpu.memory_space<semaphore_mem>>) src(%dma_wait3A_40 : memref<5120xi32, #tpu.memory_space<hbm>>) dst(%arg5 : memref<5120xi32, #tpu.memory_space<vmem>>)
      tpu.yield
    }) : () -> ()
    "tpu.region"() ({
      %run_scoped3A_30 = tpu.sem_alloc : memref<!tpu.dma_semaphore, #tpu.memory_space<semaphore_mem>>
      tpu.enqueue_dma source(%arg3 : memref<10240xf32, #tpu.memory_space<hbm>>) target(%arg6 : memref<10240xf32, #tpu.memory_space<vmem>>) target_semaphore(%run_scoped3A_30 : memref<!tpu.dma_semaphore, #tpu.memory_space<semaphore_mem>>)
      tpu.wait_dma2 semaphore(%run_scoped3A_30 : memref<!tpu.dma_semaphore, #tpu.memory_space<semaphore_mem>>) src(%arg3 : memref<10240xf32, #tpu.memory_space<hbm>>) dst(%arg6 : memref<10240xf32, #tpu.memory_space<vmem>>)
      tpu.yield
    }) : () -> ()
    %broadcast_in_dim3A = arith.constant 1.000000e+00 : f32
    %broadcast_in_dim3A_1 = vector.broadcast %broadcast_in_dim3A : f32 to vector<16xf32>
    %scan3A = arith.constant 0 : i32
    %scan3A_2 = arith.constant 0 : i32
    %scan3A_3 = arith.constant 320 : i32
    %scan3A_4 = arith.addi %scan3A_2, %scan3A_3 : i32
    %scan3A_5 = arith.constant 1 : i32
    scf.for %scan3A_30 = %scan3A_2 to %scan3A_4 step %scan3A_5  : i32 {
      %mul3A_31 = arith.constant 16 : i32
      %mul3A_32 = arith.muli %scan3A_30, %mul3A_31 : i32
      %get3A = arith.index_cast %mul3A_32 : i32 to index
      %get3A_33 = tpu.vector_load %arg5[%get3A] {strides = array<i32>} : memref<5120xi32, #tpu.memory_space<vmem>>, vector<16xi32>,
      tpu.vector_store_idx %arg6[%get3A_33], %broadcast_in_dim3A_1 {add = true} : memref<10240xf32, #tpu.memory_space<vmem>>[vector<16xi32>], vector<16xf32>,
    }
    %scan3A_6 = arith.constant 320 : i32
    %run_scoped3A = arith.constant 0 : i32
    "tpu.region"() ({
      %run_scoped3A_30 = tpu.sem_alloc : memref<!tpu.dma_semaphore, #tpu.memory_space<semaphore_mem>>
      %dma_start3A = arith.constant 0 : i32
      %dma_start3A_31 = tpu.memref_slice %arg6[%dma_start3A] : memref<10240xf32, #tpu.memory_space<vmem>> -> memref<640xf32, #tpu.memory_space<vmem>>
      %dma_start3A_32 = arith.constant 0 : i32
      %dma_start3A_33 = tpu.memref_slice %arg9[%run_scoped3A, %arg1, %dma_start3A_32] : memref<16x16x640xf32, #tpu.memory_space<vmem_shared>> -> memref<1x1x640xf32, #tpu.memory_space<vmem_shared>>
      %dma_start3A_34 = tpu.memref_squeeze %dma_start3A_33 : memref<1x1x640xf32, #tpu.memory_space<vmem_shared>> -> memref<640xf32, #tpu.memory_space<vmem_shared>>
      %dma_start3A_35 = arith.constant 0 : i32
      %dma_start3A_36 = tpu.memref_slice %arg9[%run_scoped3A, %arg1, %dma_start3A_35] : memref<16x16x640xf32, #tpu.memory_space<vmem_shared>> -> memref<1x1x640xf32, #tpu.memory_space<vmem_shared>>
      %dma_start3A_37 = tpu.memref_squeeze %dma_start3A_36 : memref<1x1x640xf32, #tpu.memory_space<vmem_shared>> -> memref<640xf32, #tpu.memory_space<vmem_shared>>
      %dma_start3A_38 = arith.constant 0 : i32
      %dma_start3A_39 = tpu.memref_slice %arg6[%dma_start3A_38] : memref<10240xf32, #tpu.memory_space<vmem>> -> memref<640xf32, #tpu.memory_space<vmem>>
      tpu.enqueue_dma source(%dma_start3A_39 : memref<640xf32, #tpu.memory_space<vmem>>) target(%dma_start3A_37 : memref<640xf32, #tpu.memory_space<vmem_shared>>) target_semaphore(%run_scoped3A_30 : memref<!tpu.dma_semaphore, #tpu.memory_space<semaphore_mem>>)
      %dma_wait3A = arith.constant 0 : i32
      %dma_wait3A_40 = tpu.memref_slice %arg6[%dma_wait3A] : memref<10240xf32, #tpu.memory_space<vmem>> -> memref<640xf32, #tpu.memory_space<vmem>>
      %dma_wait3A_41 = arith.constant 0 : i32
      %dma_wait3A_42 = tpu.memref_slice %arg9[%run_scoped3A, %arg1, %dma_wait3A_41] : memref<16x16x640xf32, #tpu.memory_space<vmem_shared>> -> memref<1x1x640xf32, #tpu.memory_space<vmem_shared>>
      %dma_wait3A_43 = tpu.memref_squeeze %dma_wait3A_42 : memref<1x1x640xf32, #tpu.memory_space<vmem_shared>> -> memref<640xf32, #tpu.memory_space<vmem_shared>>
      %dma_wait3A_44 = arith.constant 0 : i32
      %dma_wait3A_45 = tpu.memref_slice %arg9[%run_scoped3A, %arg1, %dma_wait3A_44] : memref<16x16x640xf32, #tpu.memory_space<vmem_shared>> -> memref<1x1x640xf32, #tpu.memory_space<vmem_shared>>
      %dma_wait3A_46 = tpu.memref_squeeze %dma_wait3A_45 : memref<1x1x640xf32, #tpu.memory_space<vmem_shared>> -> memref<640xf32, #tpu.memory_space<vmem_shared>>
      %dma_wait3A_47 = arith.constant 0 : i32
      %dma_wait3A_48 = tpu.memref_slice %arg6[%dma_wait3A_47] : memref<10240xf32, #tpu.memory_space<vmem>> -> memref<640xf32, #tpu.memory_space<vmem>>
      tpu.wait_dma2 semaphore(%run_scoped3A_30 : memref<!tpu.dma_semaphore, #tpu.memory_space<semaphore_mem>>) src(%dma_wait3A_48 : memref<640xf32, #tpu.memory_space<vmem>>) dst(%dma_wait3A_46 : memref<640xf32, #tpu.memory_space<vmem_shared>>)
      tpu.yield
    }) : () -> ()
    %run_scoped3A_7 = arith.constant 1 : i32
    "tpu.region"() ({
      %run_scoped3A_30 = tpu.sem_alloc : memref<!tpu.dma_semaphore, #tpu.memory_space<semaphore_mem>>
      %dma_start3A = arith.constant 640 : i32
      %dma_start3A_31 = tpu.memref_slice %arg6[%dma_start3A] : memref<10240xf32, #tpu.memory_space<vmem>> -> memref<640xf32, #tpu.memory_space<vmem>>
      %dma_start3A_32 = arith.constant 0 : i32
      %dma_start3A_33 = tpu.memref_slice %arg9[%run_scoped3A_7, %arg1, %dma_start3A_32] : memref<16x16x640xf32, #tpu.memory_space<vmem_shared>> -> memref<1x1x640xf32, #tpu.memory_space<vmem_shared>>
      %dma_start3A_34 = tpu.memref_squeeze %dma_start3A_33 : memref<1x1x640xf32, #tpu.memory_space<vmem_shared>> -> memref<640xf32, #tpu.memory_space<vmem_shared>>
      %dma_start3A_35 = arith.constant 0 : i32
      %dma_start3A_36 = tpu.memref_slice %arg9[%run_scoped3A_7, %arg1, %dma_start3A_35] : memref<16x16x640xf32, #tpu.memory_space<vmem_shared>> -> memref<1x1x640xf32, #tpu.memory_space<vmem_shared>>
      %dma_start3A_37 = tpu.memref_squeeze %dma_start3A_36 : memref<1x1x640xf32, #tpu.memory_space<vmem_shared>> -> memref<640xf32, #tpu.memory_space<vmem_shared>>
      %dma_start3A_38 = arith.constant 640 : i32
      %dma_start3A_39 = tpu.memref_slice %arg6[%dma_start3A_38] : memref<10240xf32, #tpu.memory_space<vmem>> -> memref<640xf32, #tpu.memory_space<vmem>>
      tpu.enqueue_dma source(%dma_start3A_39 : memref<640xf32, #tpu.memory_space<vmem>>) target(%dma_start3A_37 : memref<640xf32, #tpu.memory_space<vmem_shared>>) target_semaphore(%run_scoped3A_30 : memref<!tpu.dma_semaphore, #tpu.memory_space<semaphore_mem>>)
      %dma_wait3A = arith.constant 640 : i32
      %dma_wait3A_40 = tpu.memref_slice %arg6[%dma_wait3A] : memref<10240xf32, #tpu.memory_space<vmem>> -> memref<640xf32, #tpu.memory_space<vmem>>
      %dma_wait3A_41 = arith.constant 0 : i32
      %dma_wait3A_42 = tpu.memref_slice %arg9[%run_scoped3A_7, %arg1, %dma_wait3A_41] : memref<16x16x640xf32, #tpu.memory_space<vmem_shared>> -> memref<1x1x640xf32, #tpu.memory_space<vmem_shared>>
      %dma_wait3A_43 = tpu.memref_squeeze %dma_wait3A_42 : memref<1x1x640xf32, #tpu.memory_space<vmem_shared>> -> memref<640xf32, #tpu.memory_space<vmem_shared>>
      %dma_wait3A_44 = arith.constant 0 : i32
      %dma_wait3A_45 = tpu.memref_slice %arg9[%run_scoped3A_7, %arg1, %dma_wait3A_44] : memref<16x16x640xf32, #tpu.memory_space<vmem_shared>> -> memref<1x1x640xf32, #tpu.memory_space<vmem_shared>>
      %dma_wait3A_46 = tpu.memref_squeeze %dma_wait3A_45 : memref<1x1x640xf32, #tpu.memory_space<vmem_shared>> -> memref<640xf32, #tpu.memory_space<vmem_shared>>
      %dma_wait3A_47 = arith.constant 640 : i32
      %dma_wait3A_48 = tpu.memref_slice %arg6[%dma_wait3A_47] : memref<10240xf32, #tpu.memory_space<vmem>> -> memref<640xf32, #tpu.memory_space<vmem>>
      tpu.wait_dma2 semaphore(%run_scoped3A_30 : memref<!tpu.dma_semaphore, #tpu.memory_space<semaphore_mem>>) src(%dma_wait3A_48 : memref<640xf32, #tpu.memory_space<vmem>>) dst(%dma_wait3A_46 : memref<640xf32, #tpu.memory_space<vmem_shared>>)
      tpu.yield
    }) : () -> ()
    %run_scoped3A_8 = arith.constant 2 : i32
    "tpu.region"() ({
      %run_scoped3A_30 = tpu.sem_alloc : memref<!tpu.dma_semaphore, #tpu.memory_space<semaphore_mem>>
      %dma_start3A = arith.constant 1280 : i32
      %dma_start3A_31 = tpu.memref_slice %arg6[%dma_start3A] : memref<10240xf32, #tpu.memory_space<vmem>> -> memref<640xf32, #tpu.memory_space<vmem>>
      %dma_start3A_32 = arith.constant 0 : i32
      %dma_start3A_33 = tpu.memref_slice %arg9[%run_scoped3A_8, %arg1, %dma_start3A_32] : memref<16x16x640xf32, #tpu.memory_space<vmem_shared>> -> memref<1x1x640xf32, #tpu.memory_space<vmem_shared>>
      %dma_start3A_34 = tpu.memref_squeeze %dma_start3A_33 : memref<1x1x640xf32, #tpu.memory_space<vmem_shared>> -> memref<640xf32, #tpu.memory_space<vmem_shared>>
      %dma_start3A_35 = arith.constant 0 : i32
      %dma_start3A_36 = tpu.memref_slice %arg9[%run_scoped3A_8, %arg1, %dma_start3A_35] : memref<16x16x640xf32, #tpu.memory_space<vmem_shared>> -> memref<1x1x640xf32, #tpu.memory_space<vmem_shared>>
      %dma_start3A_37 = tpu.memref_squeeze %dma_start3A_36 : memref<1x1x640xf32, #tpu.memory_space<vmem_shared>> -> memref<640xf32, #tpu.memory_space<vmem_shared>>
      %dma_start3A_38 = arith.constant 1280 : i32
      %dma_start3A_39 = tpu.memref_slice %arg6[%dma_start3A_38] : memref<10240xf32, #tpu.memory_space<vmem>> -> memref<640xf32, #tpu.memory_space<vmem>>
      tpu.enqueue_dma source(%dma_start3A_39 : memref<640xf32, #tpu.memory_space<vmem>>) target(%dma_start3A_37 : memref<640xf32, #tpu.memory_space<vmem_shared>>) target_semaphore(%run_scoped3A_30 : memref<!tpu.dma_semaphore, #tpu.memory_space<semaphore_mem>>)
      %dma_wait3A = arith.constant 1280 : i32
      %dma_wait3A_40 = tpu.memref_slice %arg6[%dma_wait3A] : memref<10240xf32, #tpu.memory_space<vmem>> -> memref<640xf32, #tpu.memory_space<vmem>>
      %dma_wait3A_41 = arith.constant 0 : i32
      %dma_wait3A_42 = tpu.memref_slice %arg9[%run_scoped3A_8, %arg1, %dma_wait3A_41] : memref<16x16x640xf32, #tpu.memory_space<vmem_shared>> -> memref<1x1x640xf32, #tpu.memory_space<vmem_shared>>
      %dma_wait3A_43 = tpu.memref_squeeze %dma_wait3A_42 : memref<1x1x640xf32, #tpu.memory_space<vmem_shared>> -> memref<640xf32, #tpu.memory_space<vmem_shared>>
      %dma_wait3A_44 = arith.constant 0 : i32
      %dma_wait3A_45 = tpu.memref_slice %arg9[%run_scoped3A_8, %arg1, %dma_wait3A_44] : memref<16x16x640xf32, #tpu.memory_space<vmem_shared>> -> memref<1x1x640xf32, #tpu.memory_space<vmem_shared>>
      %dma_wait3A_46 = tpu.memref_squeeze %dma_wait3A_45 : memref<1x1x640xf32, #tpu.memory_space<vmem_shared>> -> memref<640xf32, #tpu.memory_space<vmem_shared>>
      %dma_wait3A_47 = arith.constant 1280 : i32
      %dma_wait3A_48 = tpu.memref_slice %arg6[%dma_wait3A_47] : memref<10240xf32, #tpu.memory_space<vmem>> -> memref<640xf32, #tpu.memory_space<vmem>>
      tpu.wait_dma2 semaphore(%run_scoped3A_30 : memref<!tpu.dma_semaphore, #tpu.memory_space<semaphore_mem>>) src(%dma_wait3A_48 : memref<640xf32, #tpu.memory_space<vmem>>) dst(%dma_wait3A_46 : memref<640xf32, #tpu.memory_space<vmem_shared>>)
      tpu.yield
    }) : () -> ()
    %run_scoped3A_9 = arith.constant 3 : i32
    "tpu.region"() ({
      %run_scoped3A_30 = tpu.sem_alloc : memref<!tpu.dma_semaphore, #tpu.memory_space<semaphore_mem>>
      %dma_start3A = arith.constant 1920 : i32
      %dma_start3A_31 = tpu.memref_slice %arg6[%dma_start3A] : memref<10240xf32, #tpu.memory_space<vmem>> -> memref<640xf32, #tpu.memory_space<vmem>>
      %dma_start3A_32 = arith.constant 0 : i32
      %dma_start3A_33 = tpu.memref_slice %arg9[%run_scoped3A_9, %arg1, %dma_start3A_32] : memref<16x16x640xf32, #tpu.memory_space<vmem_shared>> -> memref<1x1x640xf32, #tpu.memory_space<vmem_shared>>
      %dma_start3A_34 = tpu.memref_squeeze %dma_start3A_33 : memref<1x1x640xf32, #tpu.memory_space<vmem_shared>> -> memref<640xf32, #tpu.memory_space<vmem_shared>>
      %dma_start3A_35 = arith.constant 0 : i32
      %dma_start3A_36 = tpu.memref_slice %arg9[%run_scoped3A_9, %arg1, %dma_start3A_35] : memref<16x16x640xf32, #tpu.memory_space<vmem_shared>> -> memref<1x1x640xf32, #tpu.memory_space<vmem_shared>>
      %dma_start3A_37 = tpu.memref_squeeze %dma_start3A_36 : memref<1x1x640xf32, #tpu.memory_space<vmem_shared>> -> memref<640xf32, #tpu.memory_space<vmem_shared>>
      %dma_start3A_38 = arith.constant 1920 : i32
      %dma_start3A_39 = tpu.memref_slice %arg6[%dma_start3A_38] : memref<10240xf32, #tpu.memory_space<vmem>> -> memref<640xf32, #tpu.memory_space<vmem>>
      tpu.enqueue_dma source(%dma_start3A_39 : memref<640xf32, #tpu.memory_space<vmem>>) target(%dma_start3A_37 : memref<640xf32, #tpu.memory_space<vmem_shared>>) target_semaphore(%run_scoped3A_30 : memref<!tpu.dma_semaphore, #tpu.memory_space<semaphore_mem>>)
      %dma_wait3A = arith.constant 1920 : i32
      %dma_wait3A_40 = tpu.memref_slice %arg6[%dma_wait3A] : memref<10240xf32, #tpu.memory_space<vmem>> -> memref<640xf32, #tpu.memory_space<vmem>>
      %dma_wait3A_41 = arith.constant 0 : i32
      %dma_wait3A_42 = tpu.memref_slice %arg9[%run_scoped3A_9, %arg1, %dma_wait3A_41] : memref<16x16x640xf32, #tpu.memory_space<vmem_shared>> -> memref<1x1x640xf32, #tpu.memory_space<vmem_shared>>
      %dma_wait3A_43 = tpu.memref_squeeze %dma_wait3A_42 : memref<1x1x640xf32, #tpu.memory_space<vmem_shared>> -> memref<640xf32, #tpu.memory_space<vmem_shared>>
      %dma_wait3A_44 = arith.constant 0 : i32
      %dma_wait3A_45 = tpu.memref_slice %arg9[%run_scoped3A_9, %arg1, %dma_wait3A_44] : memref<16x16x640xf32, #tpu.memory_space<vmem_shared>> -> memref<1x1x640xf32, #tpu.memory_space<vmem_shared>>
      %dma_wait3A_46 = tpu.memref_squeeze %dma_wait3A_45 : memref<1x1x640xf32, #tpu.memory_space<vmem_shared>> -> memref<640xf32, #tpu.memory_space<vmem_shared>>
      %dma_wait3A_47 = arith.constant 1920 : i32
      %dma_wait3A_48 = tpu.memref_slice %arg6[%dma_wait3A_47] : memref<10240xf32, #tpu.memory_space<vmem>> -> memref<640xf32, #tpu.memory_space<vmem>>
      tpu.wait_dma2 semaphore(%run_scoped3A_30 : memref<!tpu.dma_semaphore, #tpu.memory_space<semaphore_mem>>) src(%dma_wait3A_48 : memref<640xf32, #tpu.memory_space<vmem>>) dst(%dma_wait3A_46 : memref<640xf32, #tpu.memory_space<vmem_shared>>)
      tpu.yield
    }) : () -> ()
    %run_scoped3A_10 = arith.constant 4 : i32
    "tpu.region"() ({
      %run_scoped3A_30 = tpu.sem_alloc : memref<!tpu.dma_semaphore, #tpu.memory_space<semaphore_mem>>
      %dma_start3A = arith.constant 2560 : i32
      %dma_start3A_31 = tpu.memref_slice %arg6[%dma_start3A] : memref<10240xf32, #tpu.memory_space<vmem>> -> memref<640xf32, #tpu.memory_space<vmem>>
      %dma_start3A_32 = arith.constant 0 : i32
      %dma_start3A_33 = tpu.memref_slice %arg9[%run_scoped3A_10, %arg1, %dma_start3A_32] : memref<16x16x640xf32, #tpu.memory_space<vmem_shared>> -> memref<1x1x640xf32, #tpu.memory_space<vmem_shared>>
      %dma_start3A_34 = tpu.memref_squeeze %dma_start3A_33 : memref<1x1x640xf32, #tpu.memory_space<vmem_shared>> -> memref<640xf32, #tpu.memory_space<vmem_shared>>
      %dma_start3A_35 = arith.constant 0 : i32
      %dma_start3A_36 = tpu.memref_slice %arg9[%run_scoped3A_10, %arg1, %dma_start3A_35] : memref<16x16x640xf32, #tpu.memory_space<vmem_shared>> -> memref<1x1x640xf32, #tpu.memory_space<vmem_shared>>
      %dma_start3A_37 = tpu.memref_squeeze %dma_start3A_36 : memref<1x1x640xf32, #tpu.memory_space<vmem_shared>> -> memref<640xf32, #tpu.memory_space<vmem_shared>>
      %dma_start3A_38 = arith.constant 2560 : i32
      %dma_start3A_39 = tpu.memref_slice %arg6[%dma_start3A_38] : memref<10240xf32, #tpu.memory_space<vmem>> -> memref<640xf32, #tpu.memory_space<vmem>>
      tpu.enqueue_dma source(%dma_start3A_39 : memref<640xf32, #tpu.memory_space<vmem>>) target(%dma_start3A_37 : memref<640xf32, #tpu.memory_space<vmem_shared>>) target_semaphore(%run_scoped3A_30 : memref<!tpu.dma_semaphore, #tpu.memory_space<semaphore_mem>>)
      %dma_wait3A = arith.constant 2560 : i32
      %dma_wait3A_40 = tpu.memref_slice %arg6[%dma_wait3A] : memref<10240xf32, #tpu.memory_space<vmem>> -> memref<640xf32, #tpu.memory_space<vmem>>
      %dma_wait3A_41 = arith.constant 0 : i32
      %dma_wait3A_42 = tpu.memref_slice %arg9[%run_scoped3A_10, %arg1, %dma_wait3A_41] : memref<16x16x640xf32, #tpu.memory_space<vmem_shared>> -> memref<1x1x640xf32, #tpu.memory_space<vmem_shared>>
      %dma_wait3A_43 = tpu.memref_squeeze %dma_wait3A_42 : memref<1x1x640xf32, #tpu.memory_space<vmem_shared>> -> memref<640xf32, #tpu.memory_space<vmem_shared>>
      %dma_wait3A_44 = arith.constant 0 : i32
      %dma_wait3A_45 = tpu.memref_slice %arg9[%run_scoped3A_10, %arg1, %dma_wait3A_44] : memref<16x16x640xf32, #tpu.memory_space<vmem_shared>> -> memref<1x1x640xf32, #tpu.memory_space<vmem_shared>>
      %dma_wait3A_46 = tpu.memref_squeeze %dma_wait3A_45 : memref<1x1x640xf32, #tpu.memory_space<vmem_shared>> -> memref<640xf32, #tpu.memory_space<vmem_shared>>
      %dma_wait3A_47 = arith.constant 2560 : i32
      %dma_wait3A_48 = tpu.memref_slice %arg6[%dma_wait3A_47] : memref<10240xf32, #tpu.memory_space<vmem>> -> memref<640xf32, #tpu.memory_space<vmem>>
      tpu.wait_dma2 semaphore(%run_scoped3A_30 : memref<!tpu.dma_semaphore, #tpu.memory_space<semaphore_mem>>) src(%dma_wait3A_48 : memref<640xf32, #tpu.memory_space<vmem>>) dst(%dma_wait3A_46 : memref<640xf32, #tpu.memory_space<vmem_shared>>)
      tpu.yield
    }) : () -> ()
    %run_scoped3A_11 = arith.constant 5 : i32
    "tpu.region"() ({
      %run_scoped3A_30 = tpu.sem_alloc : memref<!tpu.dma_semaphore, #tpu.memory_space<semaphore_mem>>
      %dma_start3A = arith.constant 3200 : i32
      %dma_start3A_31 = tpu.memref_slice %arg6[%dma_start3A] : memref<10240xf32, #tpu.memory_space<vmem>> -> memref<640xf32, #tpu.memory_space<vmem>>
      %dma_start3A_32 = arith.constant 0 : i32
      %dma_start3A_33 = tpu.memref_slice %arg9[%run_scoped3A_11, %arg1, %dma_start3A_32] : memref<16x16x640xf32, #tpu.memory_space<vmem_shared>> -> memref<1x1x640xf32, #tpu.memory_space<vmem_shared>>
      %dma_start3A_34 = tpu.memref_squeeze %dma_start3A_33 : memref<1x1x640xf32, #tpu.memory_space<vmem_shared>> -> memref<640xf32, #tpu.memory_space<vmem_shared>>
      %dma_start3A_35 = arith.constant 0 : i32
      %dma_start3A_36 = tpu.memref_slice %arg9[%run_scoped3A_11, %arg1, %dma_start3A_35] : memref<16x16x640xf32, #tpu.memory_space<vmem_shared>> -> memref<1x1x640xf32, #tpu.memory_space<vmem_shared>>
      %dma_start3A_37 = tpu.memref_squeeze %dma_start3A_36 : memref<1x1x640xf32, #tpu.memory_space<vmem_shared>> -> memref<640xf32, #tpu.memory_space<vmem_shared>>
      %dma_start3A_38 = arith.constant 3200 : i32
      %dma_start3A_39 = tpu.memref_slice %arg6[%dma_start3A_38] : memref<10240xf32, #tpu.memory_space<vmem>> -> memref<640xf32, #tpu.memory_space<vmem>>
      tpu.enqueue_dma source(%dma_start3A_39 : memref<640xf32, #tpu.memory_space<vmem>>) target(%dma_start3A_37 : memref<640xf32, #tpu.memory_space<vmem_shared>>) target_semaphore(%run_scoped3A_30 : memref<!tpu.dma_semaphore, #tpu.memory_space<semaphore_mem>>)
      %dma_wait3A = arith.constant 3200 : i32
      %dma_wait3A_40 = tpu.memref_slice %arg6[%dma_wait3A] : memref<10240xf32, #tpu.memory_space<vmem>> -> memref<640xf32, #tpu.memory_space<vmem>>
      %dma_wait3A_41 = arith.constant 0 : i32
      %dma_wait3A_42 = tpu.memref_slice %arg9[%run_scoped3A_11, %arg1, %dma_wait3A_41] : memref<16x16x640xf32, #tpu.memory_space<vmem_shared>> -> memref<1x1x640xf32, #tpu.memory_space<vmem_shared>>
      %dma_wait3A_43 = tpu.memref_squeeze %dma_wait3A_42 : memref<1x1x640xf32, #tpu.memory_space<vmem_shared>> -> memref<640xf32, #tpu.memory_space<vmem_shared>>
      %dma_wait3A_44 = arith.constant 0 : i32
      %dma_wait3A_45 = tpu.memref_slice %arg9[%run_scoped3A_11, %arg1, %dma_wait3A_44] : memref<16x16x640xf32, #tpu.memory_space<vmem_shared>> -> memref<1x1x640xf32, #tpu.memory_space<vmem_shared>>
      %dma_wait3A_46 = tpu.memref_squeeze %dma_wait3A_45 : memref<1x1x640xf32, #tpu.memory_space<vmem_shared>> -> memref<640xf32, #tpu.memory_space<vmem_shared>>
      %dma_wait3A_47 = arith.constant 3200 : i32
      %dma_wait3A_48 = tpu.memref_slice %arg6[%dma_wait3A_47] : memref<10240xf32, #tpu.memory_space<vmem>> -> memref<640xf32, #tpu.memory_space<vmem>>
      tpu.wait_dma2 semaphore(%run_scoped3A_30 : memref<!tpu.dma_semaphore, #tpu.memory_space<semaphore_mem>>) src(%dma_wait3A_48 : memref<640xf32, #tpu.memory_space<vmem>>) dst(%dma_wait3A_46 : memref<640xf32, #tpu.memory_space<vmem_shared>>)
      tpu.yield
    }) : () -> ()
    %run_scoped3A_12 = arith.constant 6 : i32
    "tpu.region"() ({
      %run_scoped3A_30 = tpu.sem_alloc : memref<!tpu.dma_semaphore, #tpu.memory_space<semaphore_mem>>
      %dma_start3A = arith.constant 3840 : i32
      %dma_start3A_31 = tpu.memref_slice %arg6[%dma_start3A] : memref<10240xf32, #tpu.memory_space<vmem>> -> memref<640xf32, #tpu.memory_space<vmem>>
      %dma_start3A_32 = arith.constant 0 : i32
      %dma_start3A_33 = tpu.memref_slice %arg9[%run_scoped3A_12, %arg1, %dma_start3A_32] : memref<16x16x640xf32, #tpu.memory_space<vmem_shared>> -> memref<1x1x640xf32, #tpu.memory_space<vmem_shared>>
      %dma_start3A_34 = tpu.memref_squeeze %dma_start3A_33 : memref<1x1x640xf32, #tpu.memory_space<vmem_shared>> -> memref<640xf32, #tpu.memory_space<vmem_shared>>
      %dma_start3A_35 = arith.constant 0 : i32
      %dma_start3A_36 = tpu.memref_slice %arg9[%run_scoped3A_12, %arg1, %dma_start3A_35] : memref<16x16x640xf32, #tpu.memory_space<vmem_shared>> -> memref<1x1x640xf32, #tpu.memory_space<vmem_shared>>
      %dma_start3A_37 = tpu.memref_squeeze %dma_start3A_36 : memref<1x1x640xf32, #tpu.memory_space<vmem_shared>> -> memref<640xf32, #tpu.memory_space<vmem_shared>>
      %dma_start3A_38 = arith.constant 3840 : i32
      %dma_start3A_39 = tpu.memref_slice %arg6[%dma_start3A_38] : memref<10240xf32, #tpu.memory_space<vmem>> -> memref<640xf32, #tpu.memory_space<vmem>>
      tpu.enqueue_dma source(%dma_start3A_39 : memref<640xf32, #tpu.memory_space<vmem>>) target(%dma_start3A_37 : memref<640xf32, #tpu.memory_space<vmem_shared>>) target_semaphore(%run_scoped3A_30 : memref<!tpu.dma_semaphore, #tpu.memory_space<semaphore_mem>>)
      %dma_wait3A = arith.constant 3840 : i32
      %dma_wait3A_40 = tpu.memref_slice %arg6[%dma_wait3A] : memref<10240xf32, #tpu.memory_space<vmem>> -> memref<640xf32, #tpu.memory_space<vmem>>
      %dma_wait3A_41 = arith.constant 0 : i32
      %dma_wait3A_42 = tpu.memref_slice %arg9[%run_scoped3A_12, %arg1, %dma_wait3A_41] : memref<16x16x640xf32, #tpu.memory_space<vmem_shared>> -> memref<1x1x640xf32, #tpu.memory_space<vmem_shared>>
      %dma_wait3A_43 = tpu.memref_squeeze %dma_wait3A_42 : memref<1x1x640xf32, #tpu.memory_space<vmem_shared>> -> memref<640xf32, #tpu.memory_space<vmem_shared>>
      %dma_wait3A_44 = arith.constant 0 : i32
      %dma_wait3A_45 = tpu.memref_slice %arg9[%run_scoped3A_12, %arg1, %dma_wait3A_44] : memref<16x16x640xf32, #tpu.memory_space<vmem_shared>> -> memref<1x1x640xf32, #tpu.memory_space<vmem_shared>>
      %dma_wait3A_46 = tpu.memref_squeeze %dma_wait3A_45 : memref<1x1x640xf32, #tpu.memory_space<vmem_shared>> -> memref<640xf32, #tpu.memory_space<vmem_shared>>
      %dma_wait3A_47 = arith.constant 3840 : i32
      %dma_wait3A_48 = tpu.memref_slice %arg6[%dma_wait3A_47] : memref<10240xf32, #tpu.memory_space<vmem>> -> memref<640xf32, #tpu.memory_space<vmem>>
      tpu.wait_dma2 semaphore(%run_scoped3A_30 : memref<!tpu.dma_semaphore, #tpu.memory_space<semaphore_mem>>) src(%dma_wait3A_48 : memref<640xf32, #tpu.memory_space<vmem>>) dst(%dma_wait3A_46 : memref<640xf32, #tpu.memory_space<vmem_shared>>)
      tpu.yield
    }) : () -> ()
    %run_scoped3A_13 = arith.constant 7 : i32
    "tpu.region"() ({
      %run_scoped3A_30 = tpu.sem_alloc : memref<!tpu.dma_semaphore, #tpu.memory_space<semaphore_mem>>
      %dma_start3A = arith.constant 4480 : i32
      %dma_start3A_31 = tpu.memref_slice %arg6[%dma_start3A] : memref<10240xf32, #tpu.memory_space<vmem>> -> memref<640xf32, #tpu.memory_space<vmem>>
      %dma_start3A_32 = arith.constant 0 : i32
      %dma_start3A_33 = tpu.memref_slice %arg9[%run_scoped3A_13, %arg1, %dma_start3A_32] : memref<16x16x640xf32, #tpu.memory_space<vmem_shared>> -> memref<1x1x640xf32, #tpu.memory_space<vmem_shared>>
      %dma_start3A_34 = tpu.memref_squeeze %dma_start3A_33 : memref<1x1x640xf32, #tpu.memory_space<vmem_shared>> -> memref<640xf32, #tpu.memory_space<vmem_shared>>
      %dma_start3A_35 = arith.constant 0 : i32
      %dma_start3A_36 = tpu.memref_slice %arg9[%run_scoped3A_13, %arg1, %dma_start3A_35] : memref<16x16x640xf32, #tpu.memory_space<vmem_shared>> -> memref<1x1x640xf32, #tpu.memory_space<vmem_shared>>
      %dma_start3A_37 = tpu.memref_squeeze %dma_start3A_36 : memref<1x1x640xf32, #tpu.memory_space<vmem_shared>> -> memref<640xf32, #tpu.memory_space<vmem_shared>>
      %dma_start3A_38 = arith.constant 4480 : i32
      %dma_start3A_39 = tpu.memref_slice %arg6[%dma_start3A_38] : memref<10240xf32, #tpu.memory_space<vmem>> -> memref<640xf32, #tpu.memory_space<vmem>>
      tpu.enqueue_dma source(%dma_start3A_39 : memref<640xf32, #tpu.memory_space<vmem>>) target(%dma_start3A_37 : memref<640xf32, #tpu.memory_space<vmem_shared>>) target_semaphore(%run_scoped3A_30 : memref<!tpu.dma_semaphore, #tpu.memory_space<semaphore_mem>>)
      %dma_wait3A = arith.constant 4480 : i32
      %dma_wait3A_40 = tpu.memref_slice %arg6[%dma_wait3A] : memref<10240xf32, #tpu.memory_space<vmem>> -> memref<640xf32, #tpu.memory_space<vmem>>
      %dma_wait3A_41 = arith.constant 0 : i32
      %dma_wait3A_42 = tpu.memref_slice %arg9[%run_scoped3A_13, %arg1, %dma_wait3A_41] : memref<16x16x640xf32, #tpu.memory_space<vmem_shared>> -> memref<1x1x640xf32, #tpu.memory_space<vmem_shared>>
      %dma_wait3A_43 = tpu.memref_squeeze %dma_wait3A_42 : memref<1x1x640xf32, #tpu.memory_space<vmem_shared>> -> memref<640xf32, #tpu.memory_space<vmem_shared>>
      %dma_wait3A_44 = arith.constant 0 : i32
      %dma_wait3A_45 = tpu.memref_slice %arg9[%run_scoped3A_13, %arg1, %dma_wait3A_44] : memref<16x16x640xf32, #tpu.memory_space<vmem_shared>> -> memref<1x1x640xf32, #tpu.memory_space<vmem_shared>>
      %dma_wait3A_46 = tpu.memref_squeeze %dma_wait3A_45 : memref<1x1x640xf32, #tpu.memory_space<vmem_shared>> -> memref<640xf32, #tpu.memory_space<vmem_shared>>
      %dma_wait3A_47 = arith.constant 4480 : i32
      %dma_wait3A_48 = tpu.memref_slice %arg6[%dma_wait3A_47] : memref<10240xf32, #tpu.memory_space<vmem>> -> memref<640xf32, #tpu.memory_space<vmem>>
      tpu.wait_dma2 semaphore(%run_scoped3A_30 : memref<!tpu.dma_semaphore, #tpu.memory_space<semaphore_mem>>) src(%dma_wait3A_48 : memref<640xf32, #tpu.memory_space<vmem>>) dst(%dma_wait3A_46 : memref<640xf32, #tpu.memory_space<vmem_shared>>)
      tpu.yield
    }) : () -> ()
    %run_scoped3A_14 = arith.constant 8 : i32
    "tpu.region"() ({
      %run_scoped3A_30 = tpu.sem_alloc : memref<!tpu.dma_semaphore, #tpu.memory_space<semaphore_mem>>
      %dma_start3A = arith.constant 5120 : i32
      %dma_start3A_31 = tpu.memref_slice %arg6[%dma_start3A] : memref<10240xf32, #tpu.memory_space<vmem>> -> memref<640xf32, #tpu.memory_space<vmem>>
      %dma_start3A_32 = arith.constant 0 : i32
      %dma_start3A_33 = tpu.memref_slice %arg9[%run_scoped3A_14, %arg1, %dma_start3A_32] : memref<16x16x640xf32, #tpu.memory_space<vmem_shared>> -> memref<1x1x640xf32, #tpu.memory_space<vmem_shared>>
      %dma_start3A_34 = tpu.memref_squeeze %dma_start3A_33 : memref<1x1x640xf32, #tpu.memory_space<vmem_shared>> -> memref<640xf32, #tpu.memory_space<vmem_shared>>
      %dma_start3A_35 = arith.constant 0 : i32
      %dma_start3A_36 = tpu.memref_slice %arg9[%run_scoped3A_14, %arg1, %dma_start3A_35] : memref<16x16x640xf32, #tpu.memory_space<vmem_shared>> -> memref<1x1x640xf32, #tpu.memory_space<vmem_shared>>
      %dma_start3A_37 = tpu.memref_squeeze %dma_start3A_36 : memref<1x1x640xf32, #tpu.memory_space<vmem_shared>> -> memref<640xf32, #tpu.memory_space<vmem_shared>>
      %dma_start3A_38 = arith.constant 5120 : i32
      %dma_start3A_39 = tpu.memref_slice %arg6[%dma_start3A_38] : memref<10240xf32, #tpu.memory_space<vmem>> -> memref<640xf32, #tpu.memory_space<vmem>>
      tpu.enqueue_dma source(%dma_start3A_39 : memref<640xf32, #tpu.memory_space<vmem>>) target(%dma_start3A_37 : memref<640xf32, #tpu.memory_space<vmem_shared>>) target_semaphore(%run_scoped3A_30 : memref<!tpu.dma_semaphore, #tpu.memory_space<semaphore_mem>>)
      %dma_wait3A = arith.constant 5120 : i32
      %dma_wait3A_40 = tpu.memref_slice %arg6[%dma_wait3A] : memref<10240xf32, #tpu.memory_space<vmem>> -> memref<640xf32, #tpu.memory_space<vmem>>
      %dma_wait3A_41 = arith.constant 0 : i32
      %dma_wait3A_42 = tpu.memref_slice %arg9[%run_scoped3A_14, %arg1, %dma_wait3A_41] : memref<16x16x640xf32, #tpu.memory_space<vmem_shared>> -> memref<1x1x640xf32, #tpu.memory_space<vmem_shared>>
      %dma_wait3A_43 = tpu.memref_squeeze %dma_wait3A_42 : memref<1x1x640xf32, #tpu.memory_space<vmem_shared>> -> memref<640xf32, #tpu.memory_space<vmem_shared>>
      %dma_wait3A_44 = arith.constant 0 : i32
      %dma_wait3A_45 = tpu.memref_slice %arg9[%run_scoped3A_14, %arg1, %dma_wait3A_44] : memref<16x16x640xf32, #tpu.memory_space<vmem_shared>> -> memref<1x1x640xf32, #tpu.memory_space<vmem_shared>>
      %dma_wait3A_46 = tpu.memref_squeeze %dma_wait3A_45 : memref<1x1x640xf32, #tpu.memory_space<vmem_shared>> -> memref<640xf32, #tpu.memory_space<vmem_shared>>
      %dma_wait3A_47 = arith.constant 5120 : i32
      %dma_wait3A_48 = tpu.memref_slice %arg6[%dma_wait3A_47] : memref<10240xf32, #tpu.memory_space<vmem>> -> memref<640xf32, #tpu.memory_space<vmem>>
      tpu.wait_dma2 semaphore(%run_scoped3A_30 : memref<!tpu.dma_semaphore, #tpu.memory_space<semaphore_mem>>) src(%dma_wait3A_48 : memref<640xf32, #tpu.memory_space<vmem>>) dst(%dma_wait3A_46 : memref<640xf32, #tpu.memory_space<vmem_shared>>)
      tpu.yield
    }) : () -> ()
    %run_scoped3A_15 = arith.constant 9 : i32
    "tpu.region"() ({
      %run_scoped3A_30 = tpu.sem_alloc : memref<!tpu.dma_semaphore, #tpu.memory_space<semaphore_mem>>
      %dma_start3A = arith.constant 5760 : i32
      %dma_start3A_31 = tpu.memref_slice %arg6[%dma_start3A] : memref<10240xf32, #tpu.memory_space<vmem>> -> memref<640xf32, #tpu.memory_space<vmem>>
      %dma_start3A_32 = arith.constant 0 : i32
      %dma_start3A_33 = tpu.memref_slice %arg9[%run_scoped3A_15, %arg1, %dma_start3A_32] : memref<16x16x640xf32, #tpu.memory_space<vmem_shared>> -> memref<1x1x640xf32, #tpu.memory_space<vmem_shared>>
      %dma_start3A_34 = tpu.memref_squeeze %dma_start3A_33 : memref<1x1x640xf32, #tpu.memory_space<vmem_shared>> -> memref<640xf32, #tpu.memory_space<vmem_shared>>
      %dma_start3A_35 = arith.constant 0 : i32
      %dma_start3A_36 = tpu.memref_slice %arg9[%run_scoped3A_15, %arg1, %dma_start3A_35] : memref<16x16x640xf32, #tpu.memory_space<vmem_shared>> -> memref<1x1x640xf32, #tpu.memory_space<vmem_shared>>
      %dma_start3A_37 = tpu.memref_squeeze %dma_start3A_36 : memref<1x1x640xf32, #tpu.memory_space<vmem_shared>> -> memref<640xf32, #tpu.memory_space<vmem_shared>>
      %dma_start3A_38 = arith.constant 5760 : i32
      %dma_start3A_39 = tpu.memref_slice %arg6[%dma_start3A_38] : memref<10240xf32, #tpu.memory_space<vmem>> -> memref<640xf32, #tpu.memory_space<vmem>>
      tpu.enqueue_dma source(%dma_start3A_39 : memref<640xf32, #tpu.memory_space<vmem>>) target(%dma_start3A_37 : memref<640xf32, #tpu.memory_space<vmem_shared>>) target_semaphore(%run_scoped3A_30 : memref<!tpu.dma_semaphore, #tpu.memory_space<semaphore_mem>>)
      %dma_wait3A = arith.constant 5760 : i32
      %dma_wait3A_40 = tpu.memref_slice %arg6[%dma_wait3A] : memref<10240xf32, #tpu.memory_space<vmem>> -> memref<640xf32, #tpu.memory_space<vmem>>
      %dma_wait3A_41 = arith.constant 0 : i32
      %dma_wait3A_42 = tpu.memref_slice %arg9[%run_scoped3A_15, %arg1, %dma_wait3A_41] : memref<16x16x640xf32, #tpu.memory_space<vmem_shared>> -> memref<1x1x640xf32, #tpu.memory_space<vmem_shared>>
      %dma_wait3A_43 = tpu.memref_squeeze %dma_wait3A_42 : memref<1x1x640xf32, #tpu.memory_space<vmem_shared>> -> memref<640xf32, #tpu.memory_space<vmem_shared>>
      %dma_wait3A_44 = arith.constant 0 : i32
      %dma_wait3A_45 = tpu.memref_slice %arg9[%run_scoped3A_15, %arg1, %dma_wait3A_44] : memref<16x16x640xf32, #tpu.memory_space<vmem_shared>> -> memref<1x1x640xf32, #tpu.memory_space<vmem_shared>>
      %dma_wait3A_46 = tpu.memref_squeeze %dma_wait3A_45 : memref<1x1x640xf32, #tpu.memory_space<vmem_shared>> -> memref<640xf32, #tpu.memory_space<vmem_shared>>
      %dma_wait3A_47 = arith.constant 5760 : i32
      %dma_wait3A_48 = tpu.memref_slice %arg6[%dma_wait3A_47] : memref<10240xf32, #tpu.memory_space<vmem>> -> memref<640xf32, #tpu.memory_space<vmem>>
      tpu.wait_dma2 semaphore(%run_scoped3A_30 : memref<!tpu.dma_semaphore, #tpu.memory_space<semaphore_mem>>) src(%dma_wait3A_48 : memref<640xf32, #tpu.memory_space<vmem>>) dst(%dma_wait3A_46 : memref<640xf32, #tpu.memory_space<vmem_shared>>)
      tpu.yield
    }) : () -> ()
    %run_scoped3A_16 = arith.constant 10 : i32
    "tpu.region"() ({
      %run_scoped3A_30 = tpu.sem_alloc : memref<!tpu.dma_semaphore, #tpu.memory_space<semaphore_mem>>
      %dma_start3A = arith.constant 6400 : i32
      %dma_start3A_31 = tpu.memref_slice %arg6[%dma_start3A] : memref<10240xf32, #tpu.memory_space<vmem>> -> memref<640xf32, #tpu.memory_space<vmem>>
      %dma_start3A_32 = arith.constant 0 : i32
      %dma_start3A_33 = tpu.memref_slice %arg9[%run_scoped3A_16, %arg1, %dma_start3A_32] : memref<16x16x640xf32, #tpu.memory_space<vmem_shared>> -> memref<1x1x640xf32, #tpu.memory_space<vmem_shared>>
      %dma_start3A_34 = tpu.memref_squeeze %dma_start3A_33 : memref<1x1x640xf32, #tpu.memory_space<vmem_shared>> -> memref<640xf32, #tpu.memory_space<vmem_shared>>
      %dma_start3A_35 = arith.constant 0 : i32
      %dma_start3A_36 = tpu.memref_slice %arg9[%run_scoped3A_16, %arg1, %dma_start3A_35] : memref<16x16x640xf32, #tpu.memory_space<vmem_shared>> -> memref<1x1x640xf32, #tpu.memory_space<vmem_shared>>
      %dma_start3A_37 = tpu.memref_squeeze %dma_start3A_36 : memref<1x1x640xf32, #tpu.memory_space<vmem_shared>> -> memref<640xf32, #tpu.memory_space<vmem_shared>>
      %dma_start3A_38 = arith.constant 6400 : i32
      %dma_start3A_39 = tpu.memref_slice %arg6[%dma_start3A_38] : memref<10240xf32, #tpu.memory_space<vmem>> -> memref<640xf32, #tpu.memory_space<vmem>>
      tpu.enqueue_dma source(%dma_start3A_39 : memref<640xf32, #tpu.memory_space<vmem>>) target(%dma_start3A_37 : memref<640xf32, #tpu.memory_space<vmem_shared>>) target_semaphore(%run_scoped3A_30 : memref<!tpu.dma_semaphore, #tpu.memory_space<semaphore_mem>>)
      %dma_wait3A = arith.constant 6400 : i32
      %dma_wait3A_40 = tpu.memref_slice %arg6[%dma_wait3A] : memref<10240xf32, #tpu.memory_space<vmem>> -> memref<640xf32, #tpu.memory_space<vmem>>
      %dma_wait3A_41 = arith.constant 0 : i32
      %dma_wait3A_42 = tpu.memref_slice %arg9[%run_scoped3A_16, %arg1, %dma_wait3A_41] : memref<16x16x640xf32, #tpu.memory_space<vmem_shared>> -> memref<1x1x640xf32, #tpu.memory_space<vmem_shared>>
      %dma_wait3A_43 = tpu.memref_squeeze %dma_wait3A_42 : memref<1x1x640xf32, #tpu.memory_space<vmem_shared>> -> memref<640xf32, #tpu.memory_space<vmem_shared>>
      %dma_wait3A_44 = arith.constant 0 : i32
      %dma_wait3A_45 = tpu.memref_slice %arg9[%run_scoped3A_16, %arg1, %dma_wait3A_44] : memref<16x16x640xf32, #tpu.memory_space<vmem_shared>> -> memref<1x1x640xf32, #tpu.memory_space<vmem_shared>>
      %dma_wait3A_46 = tpu.memref_squeeze %dma_wait3A_45 : memref<1x1x640xf32, #tpu.memory_space<vmem_shared>> -> memref<640xf32, #tpu.memory_space<vmem_shared>>
      %dma_wait3A_47 = arith.constant 6400 : i32
      %dma_wait3A_48 = tpu.memref_slice %arg6[%dma_wait3A_47] : memref<10240xf32, #tpu.memory_space<vmem>> -> memref<640xf32, #tpu.memory_space<vmem>>
      tpu.wait_dma2 semaphore(%run_scoped3A_30 : memref<!tpu.dma_semaphore, #tpu.memory_space<semaphore_mem>>) src(%dma_wait3A_48 : memref<640xf32, #tpu.memory_space<vmem>>) dst(%dma_wait3A_46 : memref<640xf32, #tpu.memory_space<vmem_shared>>)
      tpu.yield
    }) : () -> ()
    %run_scoped3A_17 = arith.constant 11 : i32
    "tpu.region"() ({
      %run_scoped3A_30 = tpu.sem_alloc : memref<!tpu.dma_semaphore, #tpu.memory_space<semaphore_mem>>
      %dma_start3A = arith.constant 7040 : i32
      %dma_start3A_31 = tpu.memref_slice %arg6[%dma_start3A] : memref<10240xf32, #tpu.memory_space<vmem>> -> memref<640xf32, #tpu.memory_space<vmem>>
      %dma_start3A_32 = arith.constant 0 : i32
      %dma_start3A_33 = tpu.memref_slice %arg9[%run_scoped3A_17, %arg1, %dma_start3A_32] : memref<16x16x640xf32, #tpu.memory_space<vmem_shared>> -> memref<1x1x640xf32, #tpu.memory_space<vmem_shared>>
      %dma_start3A_34 = tpu.memref_squeeze %dma_start3A_33 : memref<1x1x640xf32, #tpu.memory_space<vmem_shared>> -> memref<640xf32, #tpu.memory_space<vmem_shared>>
      %dma_start3A_35 = arith.constant 0 : i32
      %dma_start3A_36 = tpu.memref_slice %arg9[%run_scoped3A_17, %arg1, %dma_start3A_35] : memref<16x16x640xf32, #tpu.memory_space<vmem_shared>> -> memref<1x1x640xf32, #tpu.memory_space<vmem_shared>>
      %dma_start3A_37 = tpu.memref_squeeze %dma_start3A_36 : memref<1x1x640xf32, #tpu.memory_space<vmem_shared>> -> memref<640xf32, #tpu.memory_space<vmem_shared>>
      %dma_start3A_38 = arith.constant 7040 : i32
      %dma_start3A_39 = tpu.memref_slice %arg6[%dma_start3A_38] : memref<10240xf32, #tpu.memory_space<vmem>> -> memref<640xf32, #tpu.memory_space<vmem>>
      tpu.enqueue_dma source(%dma_start3A_39 : memref<640xf32, #tpu.memory_space<vmem>>) target(%dma_start3A_37 : memref<640xf32, #tpu.memory_space<vmem_shared>>) target_semaphore(%run_scoped3A_30 : memref<!tpu.dma_semaphore, #tpu.memory_space<semaphore_mem>>)
      %dma_wait3A = arith.constant 7040 : i32
      %dma_wait3A_40 = tpu.memref_slice %arg6[%dma_wait3A] : memref<10240xf32, #tpu.memory_space<vmem>> -> memref<640xf32, #tpu.memory_space<vmem>>
      %dma_wait3A_41 = arith.constant 0 : i32
      %dma_wait3A_42 = tpu.memref_slice %arg9[%run_scoped3A_17, %arg1, %dma_wait3A_41] : memref<16x16x640xf32, #tpu.memory_space<vmem_shared>> -> memref<1x1x640xf32, #tpu.memory_space<vmem_shared>>
      %dma_wait3A_43 = tpu.memref_squeeze %dma_wait3A_42 : memref<1x1x640xf32, #tpu.memory_space<vmem_shared>> -> memref<640xf32, #tpu.memory_space<vmem_shared>>
      %dma_wait3A_44 = arith.constant 0 : i32
      %dma_wait3A_45 = tpu.memref_slice %arg9[%run_scoped3A_17, %arg1, %dma_wait3A_44] : memref<16x16x640xf32, #tpu.memory_space<vmem_shared>> -> memref<1x1x640xf32, #tpu.memory_space<vmem_shared>>
      %dma_wait3A_46 = tpu.memref_squeeze %dma_wait3A_45 : memref<1x1x640xf32, #tpu.memory_space<vmem_shared>> -> memref<640xf32, #tpu.memory_space<vmem_shared>>
      %dma_wait3A_47 = arith.constant 7040 : i32
      %dma_wait3A_48 = tpu.memref_slice %arg6[%dma_wait3A_47] : memref<10240xf32, #tpu.memory_space<vmem>> -> memref<640xf32, #tpu.memory_space<vmem>>
      tpu.wait_dma2 semaphore(%run_scoped3A_30 : memref<!tpu.dma_semaphore, #tpu.memory_space<semaphore_mem>>) src(%dma_wait3A_48 : memref<640xf32, #tpu.memory_space<vmem>>) dst(%dma_wait3A_46 : memref<640xf32, #tpu.memory_space<vmem_shared>>)
      tpu.yield
    }) : () -> ()
    %run_scoped3A_18 = arith.constant 12 : i32
    "tpu.region"() ({
      %run_scoped3A_30 = tpu.sem_alloc : memref<!tpu.dma_semaphore, #tpu.memory_space<semaphore_mem>>
      %dma_start3A = arith.constant 7680 : i32
      %dma_start3A_31 = tpu.memref_slice %arg6[%dma_start3A] : memref<10240xf32, #tpu.memory_space<vmem>> -> memref<640xf32, #tpu.memory_space<vmem>>
      %dma_start3A_32 = arith.constant 0 : i32
      %dma_start3A_33 = tpu.memref_slice %arg9[%run_scoped3A_18, %arg1, %dma_start3A_32] : memref<16x16x640xf32, #tpu.memory_space<vmem_shared>> -> memref<1x1x640xf32, #tpu.memory_space<vmem_shared>>
      %dma_start3A_34 = tpu.memref_squeeze %dma_start3A_33 : memref<1x1x640xf32, #tpu.memory_space<vmem_shared>> -> memref<640xf32, #tpu.memory_space<vmem_shared>>
      %dma_start3A_35 = arith.constant 0 : i32
      %dma_start3A_36 = tpu.memref_slice %arg9[%run_scoped3A_18, %arg1, %dma_start3A_35] : memref<16x16x640xf32, #tpu.memory_space<vmem_shared>> -> memref<1x1x640xf32, #tpu.memory_space<vmem_shared>>
      %dma_start3A_37 = tpu.memref_squeeze %dma_start3A_36 : memref<1x1x640xf32, #tpu.memory_space<vmem_shared>> -> memref<640xf32, #tpu.memory_space<vmem_shared>>
      %dma_start3A_38 = arith.constant 7680 : i32
      %dma_start3A_39 = tpu.memref_slice %arg6[%dma_start3A_38] : memref<10240xf32, #tpu.memory_space<vmem>> -> memref<640xf32, #tpu.memory_space<vmem>>
      tpu.enqueue_dma source(%dma_start3A_39 : memref<640xf32, #tpu.memory_space<vmem>>) target(%dma_start3A_37 : memref<640xf32, #tpu.memory_space<vmem_shared>>) target_semaphore(%run_scoped3A_30 : memref<!tpu.dma_semaphore, #tpu.memory_space<semaphore_mem>>)
      %dma_wait3A = arith.constant 7680 : i32
      %dma_wait3A_40 = tpu.memref_slice %arg6[%dma_wait3A] : memref<10240xf32, #tpu.memory_space<vmem>> -> memref<640xf32, #tpu.memory_space<vmem>>
      %dma_wait3A_41 = arith.constant 0 : i32
      %dma_wait3A_42 = tpu.memref_slice %arg9[%run_scoped3A_18, %arg1, %dma_wait3A_41] : memref<16x16x640xf32, #tpu.memory_space<vmem_shared>> -> memref<1x1x640xf32, #tpu.memory_space<vmem_shared>>
      %dma_wait3A_43 = tpu.memref_squeeze %dma_wait3A_42 : memref<1x1x640xf32, #tpu.memory_space<vmem_shared>> -> memref<640xf32, #tpu.memory_space<vmem_shared>>
      %dma_wait3A_44 = arith.constant 0 : i32
      %dma_wait3A_45 = tpu.memref_slice %arg9[%run_scoped3A_18, %arg1, %dma_wait3A_44] : memref<16x16x640xf32, #tpu.memory_space<vmem_shared>> -> memref<1x1x640xf32, #tpu.memory_space<vmem_shared>>
      %dma_wait3A_46 = tpu.memref_squeeze %dma_wait3A_45 : memref<1x1x640xf32, #tpu.memory_space<vmem_shared>> -> memref<640xf32, #tpu.memory_space<vmem_shared>>
      %dma_wait3A_47 = arith.constant 7680 : i32
      %dma_wait3A_48 = tpu.memref_slice %arg6[%dma_wait3A_47] : memref<10240xf32, #tpu.memory_space<vmem>> -> memref<640xf32, #tpu.memory_space<vmem>>
      tpu.wait_dma2 semaphore(%run_scoped3A_30 : memref<!tpu.dma_semaphore, #tpu.memory_space<semaphore_mem>>) src(%dma_wait3A_48 : memref<640xf32, #tpu.memory_space<vmem>>) dst(%dma_wait3A_46 : memref<640xf32, #tpu.memory_space<vmem_shared>>)
      tpu.yield
    }) : () -> ()
    %run_scoped3A_19 = arith.constant 13 : i32
    "tpu.region"() ({
      %run_scoped3A_30 = tpu.sem_alloc : memref<!tpu.dma_semaphore, #tpu.memory_space<semaphore_mem>>
      %dma_start3A = arith.constant 8320 : i32
      %dma_start3A_31 = tpu.memref_slice %arg6[%dma_start3A] : memref<10240xf32, #tpu.memory_space<vmem>> -> memref<640xf32, #tpu.memory_space<vmem>>
      %dma_start3A_32 = arith.constant 0 : i32
      %dma_start3A_33 = tpu.memref_slice %arg9[%run_scoped3A_19, %arg1, %dma_start3A_32] : memref<16x16x640xf32, #tpu.memory_space<vmem_shared>> -> memref<1x1x640xf32, #tpu.memory_space<vmem_shared>>
      %dma_start3A_34 = tpu.memref_squeeze %dma_start3A_33 : memref<1x1x640xf32, #tpu.memory_space<vmem_shared>> -> memref<640xf32, #tpu.memory_space<vmem_shared>>
      %dma_start3A_35 = arith.constant 0 : i32
      %dma_start3A_36 = tpu.memref_slice %arg9[%run_scoped3A_19, %arg1, %dma_start3A_35] : memref<16x16x640xf32, #tpu.memory_space<vmem_shared>> -> memref<1x1x640xf32, #tpu.memory_space<vmem_shared>>
      %dma_start3A_37 = tpu.memref_squeeze %dma_start3A_36 : memref<1x1x640xf32, #tpu.memory_space<vmem_shared>> -> memref<640xf32, #tpu.memory_space<vmem_shared>>
      %dma_start3A_38 = arith.constant 8320 : i32
      %dma_start3A_39 = tpu.memref_slice %arg6[%dma_start3A_38] : memref<10240xf32, #tpu.memory_space<vmem>> -> memref<640xf32, #tpu.memory_space<vmem>>
      tpu.enqueue_dma source(%dma_start3A_39 : memref<640xf32, #tpu.memory_space<vmem>>) target(%dma_start3A_37 : memref<640xf32, #tpu.memory_space<vmem_shared>>) target_semaphore(%run_scoped3A_30 : memref<!tpu.dma_semaphore, #tpu.memory_space<semaphore_mem>>)
      %dma_wait3A = arith.constant 8320 : i32
      %dma_wait3A_40 = tpu.memref_slice %arg6[%dma_wait3A] : memref<10240xf32, #tpu.memory_space<vmem>> -> memref<640xf32, #tpu.memory_space<vmem>>
      %dma_wait3A_41 = arith.constant 0 : i32
      %dma_wait3A_42 = tpu.memref_slice %arg9[%run_scoped3A_19, %arg1, %dma_wait3A_41] : memref<16x16x640xf32, #tpu.memory_space<vmem_shared>> -> memref<1x1x640xf32, #tpu.memory_space<vmem_shared>>
      %dma_wait3A_43 = tpu.memref_squeeze %dma_wait3A_42 : memref<1x1x640xf32, #tpu.memory_space<vmem_shared>> -> memref<640xf32, #tpu.memory_space<vmem_shared>>
      %dma_wait3A_44 = arith.constant 0 : i32
      %dma_wait3A_45 = tpu.memref_slice %arg9[%run_scoped3A_19, %arg1, %dma_wait3A_44] : memref<16x16x640xf32, #tpu.memory_space<vmem_shared>> -> memref<1x1x640xf32, #tpu.memory_space<vmem_shared>>
      %dma_wait3A_46 = tpu.memref_squeeze %dma_wait3A_45 : memref<1x1x640xf32, #tpu.memory_space<vmem_shared>> -> memref<640xf32, #tpu.memory_space<vmem_shared>>
      %dma_wait3A_47 = arith.constant 8320 : i32
      %dma_wait3A_48 = tpu.memref_slice %arg6[%dma_wait3A_47] : memref<10240xf32, #tpu.memory_space<vmem>> -> memref<640xf32, #tpu.memory_space<vmem>>
      tpu.wait_dma2 semaphore(%run_scoped3A_30 : memref<!tpu.dma_semaphore, #tpu.memory_space<semaphore_mem>>) src(%dma_wait3A_48 : memref<640xf32, #tpu.memory_space<vmem>>) dst(%dma_wait3A_46 : memref<640xf32, #tpu.memory_space<vmem_shared>>)
      tpu.yield
    }) : () -> ()
    %run_scoped3A_20 = arith.constant 14 : i32
    "tpu.region"() ({
      %run_scoped3A_30 = tpu.sem_alloc : memref<!tpu.dma_semaphore, #tpu.memory_space<semaphore_mem>>
      %dma_start3A = arith.constant 8960 : i32
      %dma_start3A_31 = tpu.memref_slice %arg6[%dma_start3A] : memref<10240xf32, #tpu.memory_space<vmem>> -> memref<640xf32, #tpu.memory_space<vmem>>
      %dma_start3A_32 = arith.constant 0 : i32
      %dma_start3A_33 = tpu.memref_slice %arg9[%run_scoped3A_20, %arg1, %dma_start3A_32] : memref<16x16x640xf32, #tpu.memory_space<vmem_shared>> -> memref<1x1x640xf32, #tpu.memory_space<vmem_shared>>
      %dma_start3A_34 = tpu.memref_squeeze %dma_start3A_33 : memref<1x1x640xf32, #tpu.memory_space<vmem_shared>> -> memref<640xf32, #tpu.memory_space<vmem_shared>>
      %dma_start3A_35 = arith.constant 0 : i32
      %dma_start3A_36 = tpu.memref_slice %arg9[%run_scoped3A_20, %arg1, %dma_start3A_35] : memref<16x16x640xf32, #tpu.memory_space<vmem_shared>> -> memref<1x1x640xf32, #tpu.memory_space<vmem_shared>>
      %dma_start3A_37 = tpu.memref_squeeze %dma_start3A_36 : memref<1x1x640xf32, #tpu.memory_space<vmem_shared>> -> memref<640xf32, #tpu.memory_space<vmem_shared>>
      %dma_start3A_38 = arith.constant 8960 : i32
      %dma_start3A_39 = tpu.memref_slice %arg6[%dma_start3A_38] : memref<10240xf32, #tpu.memory_space<vmem>> -> memref<640xf32, #tpu.memory_space<vmem>>
      tpu.enqueue_dma source(%dma_start3A_39 : memref<640xf32, #tpu.memory_space<vmem>>) target(%dma_start3A_37 : memref<640xf32, #tpu.memory_space<vmem_shared>>) target_semaphore(%run_scoped3A_30 : memref<!tpu.dma_semaphore, #tpu.memory_space<semaphore_mem>>)
      %dma_wait3A = arith.constant 8960 : i32
      %dma_wait3A_40 = tpu.memref_slice %arg6[%dma_wait3A] : memref<10240xf32, #tpu.memory_space<vmem>> -> memref<640xf32, #tpu.memory_space<vmem>>
      %dma_wait3A_41 = arith.constant 0 : i32
      %dma_wait3A_42 = tpu.memref_slice %arg9[%run_scoped3A_20, %arg1, %dma_wait3A_41] : memref<16x16x640xf32, #tpu.memory_space<vmem_shared>> -> memref<1x1x640xf32, #tpu.memory_space<vmem_shared>>
      %dma_wait3A_43 = tpu.memref_squeeze %dma_wait3A_42 : memref<1x1x640xf32, #tpu.memory_space<vmem_shared>> -> memref<640xf32, #tpu.memory_space<vmem_shared>>
      %dma_wait3A_44 = arith.constant 0 : i32
      %dma_wait3A_45 = tpu.memref_slice %arg9[%run_scoped3A_20, %arg1, %dma_wait3A_44] : memref<16x16x640xf32, #tpu.memory_space<vmem_shared>> -> memref<1x1x640xf32, #tpu.memory_space<vmem_shared>>
      %dma_wait3A_46 = tpu.memref_squeeze %dma_wait3A_45 : memref<1x1x640xf32, #tpu.memory_space<vmem_shared>> -> memref<640xf32, #tpu.memory_space<vmem_shared>>
      %dma_wait3A_47 = arith.constant 8960 : i32
      %dma_wait3A_48 = tpu.memref_slice %arg6[%dma_wait3A_47] : memref<10240xf32, #tpu.memory_space<vmem>> -> memref<640xf32, #tpu.memory_space<vmem>>
      tpu.wait_dma2 semaphore(%run_scoped3A_30 : memref<!tpu.dma_semaphore, #tpu.memory_space<semaphore_mem>>) src(%dma_wait3A_48 : memref<640xf32, #tpu.memory_space<vmem>>) dst(%dma_wait3A_46 : memref<640xf32, #tpu.memory_space<vmem_shared>>)
      tpu.yield
    }) : () -> ()
    %run_scoped3A_21 = arith.constant 15 : i32
    "tpu.region"() ({
      %run_scoped3A_30 = tpu.sem_alloc : memref<!tpu.dma_semaphore, #tpu.memory_space<semaphore_mem>>
      %dma_start3A = arith.constant 9600 : i32
      %dma_start3A_31 = tpu.memref_slice %arg6[%dma_start3A] : memref<10240xf32, #tpu.memory_space<vmem>> -> memref<640xf32, #tpu.memory_space<vmem>>
      %dma_start3A_32 = arith.constant 0 : i32
      %dma_start3A_33 = tpu.memref_slice %arg9[%run_scoped3A_21, %arg1, %dma_start3A_32] : memref<16x16x640xf32, #tpu.memory_space<vmem_shared>> -> memref<1x1x640xf32, #tpu.memory_space<vmem_shared>>
      %dma_start3A_34 = tpu.memref_squeeze %dma_start3A_33 : memref<1x1x640xf32, #tpu.memory_space<vmem_shared>> -> memref<640xf32, #tpu.memory_space<vmem_shared>>
      %dma_start3A_35 = arith.constant 0 : i32
      %dma_start3A_36 = tpu.memref_slice %arg9[%run_scoped3A_21, %arg1, %dma_start3A_35] : memref<16x16x640xf32, #tpu.memory_space<vmem_shared>> -> memref<1x1x640xf32, #tpu.memory_space<vmem_shared>>
      %dma_start3A_37 = tpu.memref_squeeze %dma_start3A_36 : memref<1x1x640xf32, #tpu.memory_space<vmem_shared>> -> memref<640xf32, #tpu.memory_space<vmem_shared>>
      %dma_start3A_38 = arith.constant 9600 : i32
      %dma_start3A_39 = tpu.memref_slice %arg6[%dma_start3A_38] : memref<10240xf32, #tpu.memory_space<vmem>> -> memref<640xf32, #tpu.memory_space<vmem>>
      tpu.enqueue_dma source(%dma_start3A_39 : memref<640xf32, #tpu.memory_space<vmem>>) target(%dma_start3A_37 : memref<640xf32, #tpu.memory_space<vmem_shared>>) target_semaphore(%run_scoped3A_30 : memref<!tpu.dma_semaphore, #tpu.memory_space<semaphore_mem>>)
      %dma_wait3A = arith.constant 9600 : i32
      %dma_wait3A_40 = tpu.memref_slice %arg6[%dma_wait3A] : memref<10240xf32, #tpu.memory_space<vmem>> -> memref<640xf32, #tpu.memory_space<vmem>>
      %dma_wait3A_41 = arith.constant 0 : i32
      %dma_wait3A_42 = tpu.memref_slice %arg9[%run_scoped3A_21, %arg1, %dma_wait3A_41] : memref<16x16x640xf32, #tpu.memory_space<vmem_shared>> -> memref<1x1x640xf32, #tpu.memory_space<vmem_shared>>
      %dma_wait3A_43 = tpu.memref_squeeze %dma_wait3A_42 : memref<1x1x640xf32, #tpu.memory_space<vmem_shared>> -> memref<640xf32, #tpu.memory_space<vmem_shared>>
      %dma_wait3A_44 = arith.constant 0 : i32
      %dma_wait3A_45 = tpu.memref_slice %arg9[%run_scoped3A_21, %arg1, %dma_wait3A_44] : memref<16x16x640xf32, #tpu.memory_space<vmem_shared>> -> memref<1x1x640xf32, #tpu.memory_space<vmem_shared>>
      %dma_wait3A_46 = tpu.memref_squeeze %dma_wait3A_45 : memref<1x1x640xf32, #tpu.memory_space<vmem_shared>> -> memref<640xf32, #tpu.memory_space<vmem_shared>>
      %dma_wait3A_47 = arith.constant 9600 : i32
      %dma_wait3A_48 = tpu.memref_slice %arg6[%dma_wait3A_47] : memref<10240xf32, #tpu.memory_space<vmem>> -> memref<640xf32, #tpu.memory_space<vmem>>
      tpu.wait_dma2 semaphore(%run_scoped3A_30 : memref<!tpu.dma_semaphore, #tpu.memory_space<semaphore_mem>>) src(%dma_wait3A_48 : memref<640xf32, #tpu.memory_space<vmem>>) dst(%dma_wait3A_46 : memref<640xf32, #tpu.memory_space<vmem_shared>>)
      tpu.yield
    }) : () -> ()
    %barrier3A = arith.constant 0 : index
    tpu.barrier barrier_id(%barrier3A)
    "tpu.region"() ({
      %run_scoped3A_30 = tpu.sem_alloc : memref<!tpu.dma_semaphore, #tpu.memory_space<semaphore_mem>>
      %dma_start3A = arith.constant 0 : i32
      %dma_start3A_31 = arith.constant 0 : i32
      %dma_start3A_32 = tpu.memref_slice %arg9[%arg1, %dma_start3A, %dma_start3A_31] : memref<16x16x640xf32, #tpu.memory_space<vmem_shared>> -> memref<1x16x640xf32, #tpu.memory_space<vmem_shared>>
      %dma_start3A_33 = tpu.memref_squeeze %dma_start3A_32 : memref<1x16x640xf32, #tpu.memory_space<vmem_shared>> -> memref<16x640xf32, #tpu.memory_space<vmem_shared>>
      %dma_start3A_34 = arith.constant 0 : i32
      %dma_start3A_35 = arith.constant 0 : i32
      %dma_start3A_36 = tpu.memref_slice %arg9[%arg1, %dma_start3A_34, %dma_start3A_35] : memref<16x16x640xf32, #tpu.memory_space<vmem_shared>> -> memref<1x16x640xf32, #tpu.memory_space<vmem_shared>>
      %dma_start3A_37 = tpu.memref_squeeze %dma_start3A_36 : memref<1x16x640xf32, #tpu.memory_space<vmem_shared>> -> memref<16x640xf32, #tpu.memory_space<vmem_shared>>
      tpu.enqueue_dma source(%dma_start3A_37 : memref<16x640xf32, #tpu.memory_space<vmem_shared>>) target(%arg7 : memref<16x640xf32, #tpu.memory_space<vmem>>) target_semaphore(%run_scoped3A_30 : memref<!tpu.dma_semaphore, #tpu.memory_space<semaphore_mem>>)
      %dma_wait3A = arith.constant 0 : i32
      %dma_wait3A_38 = arith.constant 0 : i32
      %dma_wait3A_39 = tpu.memref_slice %arg9[%arg1, %dma_wait3A, %dma_wait3A_38] : memref<16x16x640xf32, #tpu.memory_space<vmem_shared>> -> memref<1x16x640xf32, #tpu.memory_space<vmem_shared>>
      %dma_wait3A_40 = tpu.memref_squeeze %dma_wait3A_39 : memref<1x16x640xf32, #tpu.memory_space<vmem_shared>> -> memref<16x640xf32, #tpu.memory_space<vmem_shared>>
      %dma_wait3A_41 = arith.constant 0 : i32
      %dma_wait3A_42 = arith.constant 0 : i32
      %dma_wait3A_43 = tpu.memref_slice %arg9[%arg1, %dma_wait3A_41, %dma_wait3A_42] : memref<16x16x640xf32, #tpu.memory_space<vmem_shared>> -> memref<1x16x640xf32, #tpu.memory_space<vmem_shared>>
      %dma_wait3A_44 = tpu.memref_squeeze %dma_wait3A_43 : memref<1x16x640xf32, #tpu.memory_space<vmem_shared>> -> memref<16x640xf32, #tpu.memory_space<vmem_shared>>
      tpu.wait_dma2 semaphore(%run_scoped3A_30 : memref<!tpu.dma_semaphore, #tpu.memory_space<semaphore_mem>>) src(%dma_wait3A_44 : memref<16x640xf32, #tpu.memory_space<vmem_shared>>) dst(%arg7 : memref<16x640xf32, #tpu.memory_space<vmem>>)
      tpu.yield
    }) : () -> ()
    %scan3A_22 = arith.constant 0 : i32
    %scan3A_23 = arith.constant 0 : i32
    %scan3A_24 = arith.constant 40 : i32
    %scan3A_25 = arith.addi %scan3A_23, %scan3A_24 : i32
    %scan3A_26 = arith.constant 1 : i32
    scf.for %scan3A_30 = %scan3A_23 to %scan3A_25 step %scan3A_26  : i32 {
      %broadcast_in_dim3A_31 = arith.constant 0.000000e+00 : f32
      %broadcast_in_dim3A_32 = vector.broadcast %broadcast_in_dim3A_31 : f32 to vector<16xf32>
      %mul3A_33 = arith.constant 16 : i32
      %mul3A_34 = arith.muli %scan3A_30, %mul3A_33 : i32
      %get3A = arith.constant 0 : i32
      %get3A_35 = arith.index_cast %get3A : i32 to index
      %get3A_36 = arith.index_cast %mul3A_34 : i32 to index
      %get3A_37 = tpu.vector_load %arg7[%get3A_35, %get3A_36] {strides = array<i32>} : memref<16x640xf32, #tpu.memory_space<vmem>>, vector<16xf32>,
      %add3A_38 = arith.addf %broadcast_in_dim3A_32, %get3A_37 : vector<16xf32>
      %mul3A_39 = arith.constant 16 : i32
      %mul3A_40 = arith.muli %scan3A_30, %mul3A_39 : i32
      %get3A_41 = arith.constant 1 : i32
      %get3A_42 = arith.index_cast %get3A_41 : i32 to index
      %get3A_43 = arith.index_cast %mul3A_40 : i32 to index
      %get3A_44 = tpu.vector_load %arg7[%get3A_42, %get3A_43] {strides = array<i32>} : memref<16x640xf32, #tpu.memory_space<vmem>>, vector<16xf32>,
      %add3A_45 = arith.addf %add3A_38, %get3A_44 : vector<16xf32>
      %mul3A_46 = arith.constant 16 : i32
      %mul3A_47 = arith.muli %scan3A_30, %mul3A_46 : i32
      %get3A_48 = arith.constant 2 : i32
      %get3A_49 = arith.index_cast %get3A_48 : i32 to index
      %get3A_50 = arith.index_cast %mul3A_47 : i32 to index
      %get3A_51 = tpu.vector_load %arg7[%get3A_49, %get3A_50] {strides = array<i32>} : memref<16x640xf32, #tpu.memory_space<vmem>>, vector<16xf32>,
      %add3A_52 = arith.addf %add3A_45, %get3A_51 : vector<16xf32>
      %mul3A_53 = arith.constant 16 : i32
      %mul3A_54 = arith.muli %scan3A_30, %mul3A_53 : i32
      %get3A_55 = arith.constant 3 : i32
      %get3A_56 = arith.index_cast %get3A_55 : i32 to index
      %get3A_57 = arith.index_cast %mul3A_54 : i32 to index
      %get3A_58 = tpu.vector_load %arg7[%get3A_56, %get3A_57] {strides = array<i32>} : memref<16x640xf32, #tpu.memory_space<vmem>>, vector<16xf32>,
      %add3A_59 = arith.addf %add3A_52, %get3A_58 : vector<16xf32>
      %mul3A_60 = arith.constant 16 : i32
      %mul3A_61 = arith.muli %scan3A_30, %mul3A_60 : i32
      %get3A_62 = arith.constant 4 : i32
      %get3A_63 = arith.index_cast %get3A_62 : i32 to index
      %get3A_64 = arith.index_cast %mul3A_61 : i32 to index
      %get3A_65 = tpu.vector_load %arg7[%get3A_63, %get3A_64] {strides = array<i32>} : memref<16x640xf32, #tpu.memory_space<vmem>>, vector<16xf32>,
      %add3A_66 = arith.addf %add3A_59, %get3A_65 : vector<16xf32>
      %mul3A_67 = arith.constant 16 : i32
      %mul3A_68 = arith.muli %scan3A_30, %mul3A_67 : i32
      %get3A_69 = arith.constant 5 : i32
      %get3A_70 = arith.index_cast %get3A_69 : i32 to index
      %get3A_71 = arith.index_cast %mul3A_68 : i32 to index
      %get3A_72 = tpu.vector_load %arg7[%get3A_70, %get3A_71] {strides = array<i32>} : memref<16x640xf32, #tpu.memory_space<vmem>>, vector<16xf32>,
      %add3A_73 = arith.addf %add3A_66, %get3A_72 : vector<16xf32>
      %mul3A_74 = arith.constant 16 : i32
      %mul3A_75 = arith.muli %scan3A_30, %mul3A_74 : i32
      %get3A_76 = arith.constant 6 : i32
      %get3A_77 = arith.index_cast %get3A_76 : i32 to index
      %get3A_78 = arith.index_cast %mul3A_75 : i32 to index
      %get3A_79 = tpu.vector_load %arg7[%get3A_77, %get3A_78] {strides = array<i32>} : memref<16x640xf32, #tpu.memory_space<vmem>>, vector<16xf32>,
      %add3A_80 = arith.addf %add3A_73, %get3A_79 : vector<16xf32>
      %mul3A_81 = arith.constant 16 : i32
      %mul3A_82 = arith.muli %scan3A_30, %mul3A_81 : i32
      %get3A_83 = arith.constant 7 : i32
      %get3A_84 = arith.index_cast %get3A_83 : i32 to index
      %get3A_85 = arith.index_cast %mul3A_82 : i32 to index
      %get3A_86 = tpu.vector_load %arg7[%get3A_84, %get3A_85] {strides = array<i32>} : memref<16x640xf32, #tpu.memory_space<vmem>>, vector<16xf32>,
      %add3A_87 = arith.addf %add3A_80, %get3A_86 : vector<16xf32>
      %mul3A_88 = arith.constant 16 : i32
      %mul3A_89 = arith.muli %scan3A_30, %mul3A_88 : i32
      %get3A_90 = arith.constant 8 : i32
      %get3A_91 = arith.index_cast %get3A_90 : i32 to index
      %get3A_92 = arith.index_cast %mul3A_89 : i32 to index
      %get3A_93 = tpu.vector_load %arg7[%get3A_91, %get3A_92] {strides = array<i32>} : memref<16x640xf32, #tpu.memory_space<vmem>>, vector<16xf32>,
      %add3A_94 = arith.addf %add3A_87, %get3A_93 : vector<16xf32>
      %mul3A_95 = arith.constant 16 : i32
      %mul3A_96 = arith.muli %scan3A_30, %mul3A_95 : i32
      %get3A_97 = arith.constant 9 : i32
      %get3A_98 = arith.index_cast %get3A_97 : i32 to index
      %get3A_99 = arith.index_cast %mul3A_96 : i32 to index
      %get3A_100 = tpu.vector_load %arg7[%get3A_98, %get3A_99] {strides = array<i32>} : memref<16x640xf32, #tpu.memory_space<vmem>>, vector<16xf32>,
      %add3A_101 = arith.addf %add3A_94, %get3A_100 : vector<16xf32>
      %mul3A_102 = arith.constant 16 : i32
      %mul3A_103 = arith.muli %scan3A_30, %mul3A_102 : i32
      %get3A_104 = arith.constant 10 : i32
      %get3A_105 = arith.index_cast %get3A_104 : i32 to index
      %get3A_106 = arith.index_cast %mul3A_103 : i32 to index
      %get3A_107 = tpu.vector_load %arg7[%get3A_105, %get3A_106] {strides = array<i32>} : memref<16x640xf32, #tpu.memory_space<vmem>>, vector<16xf32>,
      %add3A_108 = arith.addf %add3A_101, %get3A_107 : vector<16xf32>
      %mul3A_109 = arith.constant 16 : i32
      %mul3A_110 = arith.muli %scan3A_30, %mul3A_109 : i32
      %get3A_111 = arith.constant 11 : i32
      %get3A_112 = arith.index_cast %get3A_111 : i32 to index
      %get3A_113 = arith.index_cast %mul3A_110 : i32 to index
      %get3A_114 = tpu.vector_load %arg7[%get3A_112, %get3A_113] {strides = array<i32>} : memref<16x640xf32, #tpu.memory_space<vmem>>, vector<16xf32>,
      %add3A_115 = arith.addf %add3A_108, %get3A_114 : vector<16xf32>
      %mul3A_116 = arith.constant 16 : i32
      %mul3A_117 = arith.muli %scan3A_30, %mul3A_116 : i32
      %get3A_118 = arith.constant 12 : i32
      %get3A_119 = arith.index_cast %get3A_118 : i32 to index
      %get3A_120 = arith.index_cast %mul3A_117 : i32 to index
      %get3A_121 = tpu.vector_load %arg7[%get3A_119, %get3A_120] {strides = array<i32>} : memref<16x640xf32, #tpu.memory_space<vmem>>, vector<16xf32>,
      %add3A_122 = arith.addf %add3A_115, %get3A_121 : vector<16xf32>
      %mul3A_123 = arith.constant 16 : i32
      %mul3A_124 = arith.muli %scan3A_30, %mul3A_123 : i32
      %get3A_125 = arith.constant 13 : i32
      %get3A_126 = arith.index_cast %get3A_125 : i32 to index
      %get3A_127 = arith.index_cast %mul3A_124 : i32 to index
      %get3A_128 = tpu.vector_load %arg7[%get3A_126, %get3A_127] {strides = array<i32>} : memref<16x640xf32, #tpu.memory_space<vmem>>, vector<16xf32>,
      %add3A_129 = arith.addf %add3A_122, %get3A_128 : vector<16xf32>
      %mul3A_130 = arith.constant 16 : i32
      %mul3A_131 = arith.muli %scan3A_30, %mul3A_130 : i32
      %get3A_132 = arith.constant 14 : i32
      %get3A_133 = arith.index_cast %get3A_132 : i32 to index
      %get3A_134 = arith.index_cast %mul3A_131 : i32 to index
      %get3A_135 = tpu.vector_load %arg7[%get3A_133, %get3A_134] {strides = array<i32>} : memref<16x640xf32, #tpu.memory_space<vmem>>, vector<16xf32>,
      %add3A_136 = arith.addf %add3A_129, %get3A_135 : vector<16xf32>
      %mul3A_137 = arith.constant 16 : i32
      %mul3A_138 = arith.muli %scan3A_30, %mul3A_137 : i32
      %get3A_139 = arith.constant 15 : i32
      %get3A_140 = arith.index_cast %get3A_139 : i32 to index
      %get3A_141 = arith.index_cast %mul3A_138 : i32 to index
      %get3A_142 = tpu.vector_load %arg7[%get3A_140, %get3A_141] {strides = array<i32>} : memref<16x640xf32, #tpu.memory_space<vmem>>, vector<16xf32>,
      %add3A_143 = arith.addf %add3A_136, %get3A_142 : vector<16xf32>
      %mul3A_144 = arith.constant 16 : i32
      %mul3A_145 = arith.muli %scan3A_30, %mul3A_144 : i32
      %slice3A = vector.extract_strided_slice %add3A_143 {offsets = [0], sizes = [1], strides = [1]} : vector<16xf32> to vector<1xf32>
      %squeeze3A = vector.extract %slice3A[0] : f32 from vector<1xf32>
      %broadcast_in_dim3A_146 = vector.broadcast %squeeze3A : f32 to vector<16xf32>
      %add3A_147 = arith.constant 0 : i32
      %add3A_148 = arith.addi %mul3A_145, %add3A_147 : i32
      %swap3A = arith.index_cast %add3A_148 : i32 to index
      %swap3A_149 = arith.constant 0 : index
      %swap3A_150 = tpu.vector_load %arg8[%swap3A, %swap3A_149] {strides = array<i32>} : memref<640x16xf32, #tpu.memory_space<vmem>>, vector<16xf32>,
      tpu.vector_store %arg8[%swap3A, %swap3A_149], %broadcast_in_dim3A_146 {strides = array<i32>} : memref<640x16xf32, #tpu.memory_space<vmem>>, vector<16xf32>,
      %slice3A_151 = vector.extract_strided_slice %add3A_143 {offsets = [1], sizes = [1], strides = [1]} : vector<16xf32> to vector<1xf32>
      %squeeze3A_152 = vector.extract %slice3A_151[0] : f32 from vector<1xf32>
      %broadcast_in_dim3A_153 = vector.broadcast %squeeze3A_152 : f32 to vector<16xf32>
      %add3A_154 = arith.constant 1 : i32
      %add3A_155 = arith.addi %mul3A_145, %add3A_154 : i32
      %swap3A_156 = arith.index_cast %add3A_155 : i32 to index
      %swap3A_157 = arith.constant 0 : index
      %swap3A_158 = tpu.vector_load %arg8[%swap3A_156, %swap3A_157] {strides = array<i32>} : memref<640x16xf32, #tpu.memory_space<vmem>>, vector<16xf32>,
      tpu.vector_store %arg8[%swap3A_156, %swap3A_157], %broadcast_in_dim3A_153 {strides = array<i32>} : memref<640x16xf32, #tpu.memory_space<vmem>>, vector<16xf32>,
      %slice3A_159 = vector.extract_strided_slice %add3A_143 {offsets = [2], sizes = [1], strides = [1]} : vector<16xf32> to vector<1xf32>
      %squeeze3A_160 = vector.extract %slice3A_159[0] : f32 from vector<1xf32>
      %broadcast_in_dim3A_161 = vector.broadcast %squeeze3A_160 : f32 to vector<16xf32>
      %add3A_162 = arith.constant 2 : i32
      %add3A_163 = arith.addi %mul3A_145, %add3A_162 : i32
      %swap3A_164 = arith.index_cast %add3A_163 : i32 to index
      %swap3A_165 = arith.constant 0 : index
      %swap3A_166 = tpu.vector_load %arg8[%swap3A_164, %swap3A_165] {strides = array<i32>} : memref<640x16xf32, #tpu.memory_space<vmem>>, vector<16xf32>,
      tpu.vector_store %arg8[%swap3A_164, %swap3A_165], %broadcast_in_dim3A_161 {strides = array<i32>} : memref<640x16xf32, #tpu.memory_space<vmem>>, vector<16xf32>,
      %slice3A_167 = vector.extract_strided_slice %add3A_143 {offsets = [3], sizes = [1], strides = [1]} : vector<16xf32> to vector<1xf32>
      %squeeze3A_168 = vector.extract %slice3A_167[0] : f32 from vector<1xf32>
      %broadcast_in_dim3A_169 = vector.broadcast %squeeze3A_168 : f32 to vector<16xf32>
      %add3A_170 = arith.constant 3 : i32
      %add3A_171 = arith.addi %mul3A_145, %add3A_170 : i32
      %swap3A_172 = arith.index_cast %add3A_171 : i32 to index
      %swap3A_173 = arith.constant 0 : index
      %swap3A_174 = tpu.vector_load %arg8[%swap3A_172, %swap3A_173] {strides = array<i32>} : memref<640x16xf32, #tpu.memory_space<vmem>>, vector<16xf32>,
      tpu.vector_store %arg8[%swap3A_172, %swap3A_173], %broadcast_in_dim3A_169 {strides = array<i32>} : memref<640x16xf32, #tpu.memory_space<vmem>>, vector<16xf32>,
      %slice3A_175 = vector.extract_strided_slice %add3A_143 {offsets = [4], sizes = [1], strides = [1]} : vector<16xf32> to vector<1xf32>
      %squeeze3A_176 = vector.extract %slice3A_175[0] : f32 from vector<1xf32>
      %broadcast_in_dim3A_177 = vector.broadcast %squeeze3A_176 : f32 to vector<16xf32>
      %add3A_178 = arith.constant 4 : i32
      %add3A_179 = arith.addi %mul3A_145, %add3A_178 : i32
      %swap3A_180 = arith.index_cast %add3A_179 : i32 to index
      %swap3A_181 = arith.constant 0 : index
      %swap3A_182 = tpu.vector_load %arg8[%swap3A_180, %swap3A_181] {strides = array<i32>} : memref<640x16xf32, #tpu.memory_space<vmem>>, vector<16xf32>,
      tpu.vector_store %arg8[%swap3A_180, %swap3A_181], %broadcast_in_dim3A_177 {strides = array<i32>} : memref<640x16xf32, #tpu.memory_space<vmem>>, vector<16xf32>,
      %slice3A_183 = vector.extract_strided_slice %add3A_143 {offsets = [5], sizes = [1], strides = [1]} : vector<16xf32> to vector<1xf32>
      %squeeze3A_184 = vector.extract %slice3A_183[0] : f32 from vector<1xf32>
      %broadcast_in_dim3A_185 = vector.broadcast %squeeze3A_184 : f32 to vector<16xf32>
      %add3A_186 = arith.constant 5 : i32
      %add3A_187 = arith.addi %mul3A_145, %add3A_186 : i32
      %swap3A_188 = arith.index_cast %add3A_187 : i32 to index
      %swap3A_189 = arith.constant 0 : index
      %swap3A_190 = tpu.vector_load %arg8[%swap3A_188, %swap3A_189] {strides = array<i32>} : memref<640x16xf32, #tpu.memory_space<vmem>>, vector<16xf32>,
      tpu.vector_store %arg8[%swap3A_188, %swap3A_189], %broadcast_in_dim3A_185 {strides = array<i32>} : memref<640x16xf32, #tpu.memory_space<vmem>>, vector<16xf32>,
      %slice3A_191 = vector.extract_strided_slice %add3A_143 {offsets = [6], sizes = [1], strides = [1]} : vector<16xf32> to vector<1xf32>
      %squeeze3A_192 = vector.extract %slice3A_191[0] : f32 from vector<1xf32>
      %broadcast_in_dim3A_193 = vector.broadcast %squeeze3A_192 : f32 to vector<16xf32>
      %add3A_194 = arith.constant 6 : i32
      %add3A_195 = arith.addi %mul3A_145, %add3A_194 : i32
      %swap3A_196 = arith.index_cast %add3A_195 : i32 to index
      %swap3A_197 = arith.constant 0 : index
      %swap3A_198 = tpu.vector_load %arg8[%swap3A_196, %swap3A_197] {strides = array<i32>} : memref<640x16xf32, #tpu.memory_space<vmem>>, vector<16xf32>,
      tpu.vector_store %arg8[%swap3A_196, %swap3A_197], %broadcast_in_dim3A_193 {strides = array<i32>} : memref<640x16xf32, #tpu.memory_space<vmem>>, vector<16xf32>,
      %slice3A_199 = vector.extract_strided_slice %add3A_143 {offsets = [7], sizes = [1], strides = [1]} : vector<16xf32> to vector<1xf32>
      %squeeze3A_200 = vector.extract %slice3A_199[0] : f32 from vector<1xf32>
      %broadcast_in_dim3A_201 = vector.broadcast %squeeze3A_200 : f32 to vector<16xf32>
      %add3A_202 = arith.constant 7 : i32
      %add3A_203 = arith.addi %mul3A_145, %add3A_202 : i32
      %swap3A_204 = arith.index_cast %add3A_203 : i32 to index
      %swap3A_205 = arith.constant 0 : index
      %swap3A_206 = tpu.vector_load %arg8[%swap3A_204, %swap3A_205] {strides = array<i32>} : memref<640x16xf32, #tpu.memory_space<vmem>>, vector<16xf32>,
      tpu.vector_store %arg8[%swap3A_204, %swap3A_205], %broadcast_in_dim3A_201 {strides = array<i32>} : memref<640x16xf32, #tpu.memory_space<vmem>>, vector<16xf32>,
      %slice3A_207 = vector.extract_strided_slice %add3A_143 {offsets = [8], sizes = [1], strides = [1]} : vector<16xf32> to vector<1xf32>
      %squeeze3A_208 = vector.extract %slice3A_207[0] : f32 from vector<1xf32>
      %broadcast_in_dim3A_209 = vector.broadcast %squeeze3A_208 : f32 to vector<16xf32>
      %add3A_210 = arith.constant 8 : i32
      %add3A_211 = arith.addi %mul3A_145, %add3A_210 : i32
      %swap3A_212 = arith.index_cast %add3A_211 : i32 to index
      %swap3A_213 = arith.constant 0 : index
      %swap3A_214 = tpu.vector_load %arg8[%swap3A_212, %swap3A_213] {strides = array<i32>} : memref<640x16xf32, #tpu.memory_space<vmem>>, vector<16xf32>,
      tpu.vector_store %arg8[%swap3A_212, %swap3A_213], %broadcast_in_dim3A_209 {strides = array<i32>} : memref<640x16xf32, #tpu.memory_space<vmem>>, vector<16xf32>,
      %slice3A_215 = vector.extract_strided_slice %add3A_143 {offsets = [9], sizes = [1], strides = [1]} : vector<16xf32> to vector<1xf32>
      %squeeze3A_216 = vector.extract %slice3A_215[0] : f32 from vector<1xf32>
      %broadcast_in_dim3A_217 = vector.broadcast %squeeze3A_216 : f32 to vector<16xf32>
      %add3A_218 = arith.constant 9 : i32
      %add3A_219 = arith.addi %mul3A_145, %add3A_218 : i32
      %swap3A_220 = arith.index_cast %add3A_219 : i32 to index
      %swap3A_221 = arith.constant 0 : index
      %swap3A_222 = tpu.vector_load %arg8[%swap3A_220, %swap3A_221] {strides = array<i32>} : memref<640x16xf32, #tpu.memory_space<vmem>>, vector<16xf32>,
      tpu.vector_store %arg8[%swap3A_220, %swap3A_221], %broadcast_in_dim3A_217 {strides = array<i32>} : memref<640x16xf32, #tpu.memory_space<vmem>>, vector<16xf32>,
      %slice3A_223 = vector.extract_strided_slice %add3A_143 {offsets = [10], sizes = [1], strides = [1]} : vector<16xf32> to vector<1xf32>
      %squeeze3A_224 = vector.extract %slice3A_223[0] : f32 from vector<1xf32>
      %broadcast_in_dim3A_225 = vector.broadcast %squeeze3A_224 : f32 to vector<16xf32>
      %add3A_226 = arith.constant 10 : i32
      %add3A_227 = arith.addi %mul3A_145, %add3A_226 : i32
      %swap3A_228 = arith.index_cast %add3A_227 : i32 to index
      %swap3A_229 = arith.constant 0 : index
      %swap3A_230 = tpu.vector_load %arg8[%swap3A_228, %swap3A_229] {strides = array<i32>} : memref<640x16xf32, #tpu.memory_space<vmem>>, vector<16xf32>,
      tpu.vector_store %arg8[%swap3A_228, %swap3A_229], %broadcast_in_dim3A_225 {strides = array<i32>} : memref<640x16xf32, #tpu.memory_space<vmem>>, vector<16xf32>,
      %slice3A_231 = vector.extract_strided_slice %add3A_143 {offsets = [11], sizes = [1], strides = [1]} : vector<16xf32> to vector<1xf32>
      %squeeze3A_232 = vector.extract %slice3A_231[0] : f32 from vector<1xf32>
      %broadcast_in_dim3A_233 = vector.broadcast %squeeze3A_232 : f32 to vector<16xf32>
      %add3A_234 = arith.constant 11 : i32
      %add3A_235 = arith.addi %mul3A_145, %add3A_234 : i32
      %swap3A_236 = arith.index_cast %add3A_235 : i32 to index
      %swap3A_237 = arith.constant 0 : index
      %swap3A_238 = tpu.vector_load %arg8[%swap3A_236, %swap3A_237] {strides = array<i32>} : memref<640x16xf32, #tpu.memory_space<vmem>>, vector<16xf32>,
      tpu.vector_store %arg8[%swap3A_236, %swap3A_237], %broadcast_in_dim3A_233 {strides = array<i32>} : memref<640x16xf32, #tpu.memory_space<vmem>>, vector<16xf32>,
      %slice3A_239 = vector.extract_strided_slice %add3A_143 {offsets = [12], sizes = [1], strides = [1]} : vector<16xf32> to vector<1xf32>
      %squeeze3A_240 = vector.extract %slice3A_239[0] : f32 from vector<1xf32>
      %broadcast_in_dim3A_241 = vector.broadcast %squeeze3A_240 : f32 to vector<16xf32>
      %add3A_242 = arith.constant 12 : i32
      %add3A_243 = arith.addi %mul3A_145, %add3A_242 : i32
      %swap3A_244 = arith.index_cast %add3A_243 : i32 to index
      %swap3A_245 = arith.constant 0 : index
      %swap3A_246 = tpu.vector_load %arg8[%swap3A_244, %swap3A_245] {strides = array<i32>} : memref<640x16xf32, #tpu.memory_space<vmem>>, vector<16xf32>,
      tpu.vector_store %arg8[%swap3A_244, %swap3A_245], %broadcast_in_dim3A_241 {strides = array<i32>} : memref<640x16xf32, #tpu.memory_space<vmem>>, vector<16xf32>,
      %slice3A_247 = vector.extract_strided_slice %add3A_143 {offsets = [13], sizes = [1], strides = [1]} : vector<16xf32> to vector<1xf32>
      %squeeze3A_248 = vector.extract %slice3A_247[0] : f32 from vector<1xf32>
      %broadcast_in_dim3A_249 = vector.broadcast %squeeze3A_248 : f32 to vector<16xf32>
      %add3A_250 = arith.constant 13 : i32
      %add3A_251 = arith.addi %mul3A_145, %add3A_250 : i32
      %swap3A_252 = arith.index_cast %add3A_251 : i32 to index
      %swap3A_253 = arith.constant 0 : index
      %swap3A_254 = tpu.vector_load %arg8[%swap3A_252, %swap3A_253] {strides = array<i32>} : memref<640x16xf32, #tpu.memory_space<vmem>>, vector<16xf32>,
      tpu.vector_store %arg8[%swap3A_252, %swap3A_253], %broadcast_in_dim3A_249 {strides = array<i32>} : memref<640x16xf32, #tpu.memory_space<vmem>>, vector<16xf32>,
      %slice3A_255 = vector.extract_strided_slice %add3A_143 {offsets = [14], sizes = [1], strides = [1]} : vector<16xf32> to vector<1xf32>
      %squeeze3A_256 = vector.extract %slice3A_255[0] : f32 from vector<1xf32>
      %broadcast_in_dim3A_257 = vector.broadcast %squeeze3A_256 : f32 to vector<16xf32>
      %add3A_258 = arith.constant 14 : i32
      %add3A_259 = arith.addi %mul3A_145, %add3A_258 : i32
      %swap3A_260 = arith.index_cast %add3A_259 : i32 to index
      %swap3A_261 = arith.constant 0 : index
      %swap3A_262 = tpu.vector_load %arg8[%swap3A_260, %swap3A_261] {strides = array<i32>} : memref<640x16xf32, #tpu.memory_space<vmem>>, vector<16xf32>,
      tpu.vector_store %arg8[%swap3A_260, %swap3A_261], %broadcast_in_dim3A_257 {strides = array<i32>} : memref<640x16xf32, #tpu.memory_space<vmem>>, vector<16xf32>,
      %slice3A_263 = vector.extract_strided_slice %add3A_143 {offsets = [15], sizes = [1], strides = [1]} : vector<16xf32> to vector<1xf32>
      %squeeze3A_264 = vector.extract %slice3A_263[0] : f32 from vector<1xf32>
      %broadcast_in_dim3A_265 = vector.broadcast %squeeze3A_264 : f32 to vector<16xf32>
      %add3A_266 = arith.constant 15 : i32
      %add3A_267 = arith.addi %mul3A_145, %add3A_266 : i32
      %swap3A_268 = arith.index_cast %add3A_267 : i32 to index
      %swap3A_269 = arith.constant 0 : index
      %swap3A_270 = tpu.vector_load %arg8[%swap3A_268, %swap3A_269] {strides = array<i32>} : memref<640x16xf32, #tpu.memory_space<vmem>>, vector<16xf32>,
      tpu.vector_store %arg8[%swap3A_268, %swap3A_269], %broadcast_in_dim3A_265 {strides = array<i32>} : memref<640x16xf32, #tpu.memory_space<vmem>>, vector<16xf32>,
    }
    %scan3A_27 = arith.constant 40 : i32
    %mul3A_28 = arith.constant 640 : i32
    %mul3A_29 = arith.muli %arg1, %mul3A_28 : i32
    "tpu.region"() ({
      %run_scoped3A_30 = tpu.sem_alloc : memref<!tpu.dma_semaphore, #tpu.memory_space<semaphore_mem>>
      %dma_start3A = arith.constant 0 : i32
      %dma_start3A_31 = tpu.memref_slice %arg4[%arg0, %mul3A_29, %dma_start3A] : memref<2x10240x16xf32, #tpu.memory_space<hbm>> -> memref<1x640x16xf32, #tpu.memory_space<hbm>>
      %dma_start3A_32 = tpu.memref_squeeze %dma_start3A_31 : memref<1x640x16xf32, #tpu.memory_space<hbm>> -> memref<640x16xf32, #tpu.memory_space<hbm>>
      %dma_start3A_33 = arith.constant 0 : i32
      %dma_start3A_34 = tpu.memref_slice %arg4[%arg0, %mul3A_29, %dma_start3A_33] : memref<2x10240x16xf32, #tpu.memory_space<hbm>> -> memref<1x640x16xf32, #tpu.memory_space<hbm>>
      %dma_start3A_35 = tpu.memref_squeeze %dma_start3A_34 : memref<1x640x16xf32, #tpu.memory_space<hbm>> -> memref<640x16xf32, #tpu.memory_space<hbm>>
      tpu.enqueue_dma source(%arg8 : memref<640x16xf32, #tpu.memory_space<vmem>>) target(%dma_start3A_35 : memref<640x16xf32, #tpu.memory_space<hbm>>) target_semaphore(%run_scoped3A_30 : memref<!tpu.dma_semaphore, #tpu.memory_space<semaphore_mem>>)
      %dma_wait3A = arith.constant 0 : i32
      %dma_wait3A_36 = tpu.memref_slice %arg4[%arg0, %mul3A_29, %dma_wait3A] : memref<2x10240x16xf32, #tpu.memory_space<hbm>> -> memref<1x640x16xf32, #tpu.memory_space<hbm>>
      %dma_wait3A_37 = tpu.memref_squeeze %dma_wait3A_36 : memref<1x640x16xf32, #tpu.memory_space<hbm>> -> memref<640x16xf32, #tpu.memory_space<hbm>>
      %dma_wait3A_38 = arith.constant 0 : i32
      %dma_wait3A_39 = tpu.memref_slice %arg4[%arg0, %mul3A_29, %dma_wait3A_38] : memref<2x10240x16xf32, #tpu.memory_space<hbm>> -> memref<1x640x16xf32, #tpu.memory_space<hbm>>
      %dma_wait3A_40 = tpu.memref_squeeze %dma_wait3A_39 : memref<1x640x16xf32, #tpu.memory_space<hbm>> -> memref<640x16xf32, #tpu.memory_space<hbm>>
      tpu.wait_dma2 semaphore(%run_scoped3A_30 : memref<!tpu.dma_semaphore, #tpu.memory_space<semaphore_mem>>) src(%arg8 : memref<640x16xf32, #tpu.memory_space<vmem>>) dst(%dma_wait3A_40 : memref<640x16xf32, #tpu.memory_space<hbm>>)
      tpu.yield
    }) : () -> ()
    return
  }
}

#map = affine_map<(d0, d1) -> (0, 0)>
#map1 = affine_map<(d0, d1) -> (0, 0, 0, 0)>
#map2 = affine_map<(d0, d1) -> (0, 0, 0)>
module attributes {stable_mosaic.version = 14 : i64} {
  func.func @spmm(%arg0: i32, %arg1: i32, %arg2: memref<20000x128xf32, #tpu.memory_space<hbm>>, %arg3: memref<2x16x80x128xi32, #tpu.memory_space<hbm>>, %arg4: memref<16x80x128xi32, #tpu.memory_space<hbm>>, %arg5: memref<640x128xf32, #tpu.memory_space<hbm>>, %arg6: memref<2x10240x128xf32, #tpu.memory_space<hbm>>, %arg7: memref<80x128xi32, #tpu.memory_space<vmem>>, %arg8: memref<80x128xi32, #tpu.memory_space<vmem>>, %arg9: memref<128x128xf32, #tpu.memory_space<vmem>>, %arg10: memref<10240x128xf32, #tpu.memory_space<vmem_shared>>) attributes {dimension_semantics = [#tpu.dimension_semantics<core_parallel>, #tpu.dimension_semantics<subcore_parallel>], iteration_bounds = array<i64: 2, 16>, scalar_prefetch = 0 : i64, scratch_operands = 4 : i64, tpu.core_type = #tpu.core_type<sc_vector_subcore>, window_params = [{transform_indices = #map}, {transform_indices = #map1}, {transform_indices = #map2}, {transform_indices = #map}, {transform_indices = #map2}]} {
    "tpu.region"() ({
      %run_scoped3A = tpu.sem_alloc : memref<!tpu.dma_semaphore, #tpu.memory_space<semaphore_mem>>
      %dma_start3A = arith.constant 0 : i32
      %dma_start3A_7 = arith.constant 0 : i32
      %dma_start3A_8 = tpu.memref_slice %arg3[%arg0, %arg1, %dma_start3A, %dma_start3A_7] : memref<2x16x80x128xi32, #tpu.memory_space<hbm>> -> memref<1x1x80x128xi32, #tpu.memory_space<hbm>>
      %dma_start3A_9 = tpu.memref_squeeze %dma_start3A_8 : memref<1x1x80x128xi32, #tpu.memory_space<hbm>> -> memref<80x128xi32, #tpu.memory_space<hbm>>
      %dma_start3A_10 = arith.constant 0 : i32
      %dma_start3A_11 = arith.constant 0 : i32
      %dma_start3A_12 = tpu.memref_slice %arg3[%arg0, %arg1, %dma_start3A_10, %dma_start3A_11] : memref<2x16x80x128xi32, #tpu.memory_space<hbm>> -> memref<1x1x80x128xi32, #tpu.memory_space<hbm>>
      %dma_start3A_13 = tpu.memref_squeeze %dma_start3A_12 : memref<1x1x80x128xi32, #tpu.memory_space<hbm>> -> memref<80x128xi32, #tpu.memory_space<hbm>>
      tpu.enqueue_dma source(%dma_start3A_13 : memref<80x128xi32, #tpu.memory_space<hbm>>) target(%arg7 : memref<80x128xi32, #tpu.memory_space<vmem>>) target_semaphore(%run_scoped3A : memref<!tpu.dma_semaphore, #tpu.memory_space<semaphore_mem>>)
      %dma_wait3A = arith.constant 0 : i32
      %dma_wait3A_14 = arith.constant 0 : i32
      %dma_wait3A_15 = tpu.memref_slice %arg3[%arg0, %arg1, %dma_wait3A, %dma_wait3A_14] : memref<2x16x80x128xi32, #tpu.memory_space<hbm>> -> memref<1x1x80x128xi32, #tpu.memory_space<hbm>>
      %dma_wait3A_16 = tpu.memref_squeeze %dma_wait3A_15 : memref<1x1x80x128xi32, #tpu.memory_space<hbm>> -> memref<80x128xi32, #tpu.memory_space<hbm>>
      %dma_wait3A_17 = arith.constant 0 : i32
      %dma_wait3A_18 = arith.constant 0 : i32
      %dma_wait3A_19 = tpu.memref_slice %arg3[%arg0, %arg1, %dma_wait3A_17, %dma_wait3A_18] : memref<2x16x80x128xi32, #tpu.memory_space<hbm>> -> memref<1x1x80x128xi32, #tpu.memory_space<hbm>>
      %dma_wait3A_20 = tpu.memref_squeeze %dma_wait3A_19 : memref<1x1x80x128xi32, #tpu.memory_space<hbm>> -> memref<80x128xi32, #tpu.memory_space<hbm>>
      tpu.wait_dma2 semaphore(%run_scoped3A : memref<!tpu.dma_semaphore, #tpu.memory_space<semaphore_mem>>) src(%dma_wait3A_20 : memref<80x128xi32, #tpu.memory_space<hbm>>) dst(%arg7 : memref<80x128xi32, #tpu.memory_space<vmem>>)
      tpu.yield
    }) : () -> ()
    "tpu.region"() ({
      %run_scoped3A = tpu.sem_alloc : memref<!tpu.dma_semaphore, #tpu.memory_space<semaphore_mem>>
      %dma_start3A = arith.constant 0 : i32
      %dma_start3A_7 = arith.constant 0 : i32
      %dma_start3A_8 = tpu.memref_slice %arg4[%arg1, %dma_start3A, %dma_start3A_7] : memref<16x80x128xi32, #tpu.memory_space<hbm>> -> memref<1x80x128xi32, #tpu.memory_space<hbm>>
      %dma_start3A_9 = tpu.memref_squeeze %dma_start3A_8 : memref<1x80x128xi32, #tpu.memory_space<hbm>> -> memref<80x128xi32, #tpu.memory_space<hbm>>
      %dma_start3A_10 = arith.constant 0 : i32
      %dma_start3A_11 = arith.constant 0 : i32
      %dma_start3A_12 = tpu.memref_slice %arg4[%arg1, %dma_start3A_10, %dma_start3A_11] : memref<16x80x128xi32, #tpu.memory_space<hbm>> -> memref<1x80x128xi32, #tpu.memory_space<hbm>>
      %dma_start3A_13 = tpu.memref_squeeze %dma_start3A_12 : memref<1x80x128xi32, #tpu.memory_space<hbm>> -> memref<80x128xi32, #tpu.memory_space<hbm>>
      tpu.enqueue_dma source(%dma_start3A_13 : memref<80x128xi32, #tpu.memory_space<hbm>>) target(%arg8 : memref<80x128xi32, #tpu.memory_space<vmem>>) target_semaphore(%run_scoped3A : memref<!tpu.dma_semaphore, #tpu.memory_space<semaphore_mem>>)
      %dma_wait3A = arith.constant 0 : i32
      %dma_wait3A_14 = arith.constant 0 : i32
      %dma_wait3A_15 = tpu.memref_slice %arg4[%arg1, %dma_wait3A, %dma_wait3A_14] : memref<16x80x128xi32, #tpu.memory_space<hbm>> -> memref<1x80x128xi32, #tpu.memory_space<hbm>>
      %dma_wait3A_16 = tpu.memref_squeeze %dma_wait3A_15 : memref<1x80x128xi32, #tpu.memory_space<hbm>> -> memref<80x128xi32, #tpu.memory_space<hbm>>
      %dma_wait3A_17 = arith.constant 0 : i32
      %dma_wait3A_18 = arith.constant 0 : i32
      %dma_wait3A_19 = tpu.memref_slice %arg4[%arg1, %dma_wait3A_17, %dma_wait3A_18] : memref<16x80x128xi32, #tpu.memory_space<hbm>> -> memref<1x80x128xi32, #tpu.memory_space<hbm>>
      %dma_wait3A_20 = tpu.memref_squeeze %dma_wait3A_19 : memref<1x80x128xi32, #tpu.memory_space<hbm>> -> memref<80x128xi32, #tpu.memory_space<hbm>>
      tpu.wait_dma2 semaphore(%run_scoped3A : memref<!tpu.dma_semaphore, #tpu.memory_space<semaphore_mem>>) src(%dma_wait3A_20 : memref<80x128xi32, #tpu.memory_space<hbm>>) dst(%arg8 : memref<80x128xi32, #tpu.memory_space<vmem>>)
      tpu.yield
    }) : () -> ()
    %mul3A = arith.constant 640 : i32
    %mul3A_0 = arith.muli %arg1, %mul3A : i32
    "tpu.region"() ({
      %run_scoped3A = tpu.sem_alloc : memref<!tpu.dma_semaphore, #tpu.memory_space<semaphore_mem>>
      %dma_start3A = arith.constant 0 : i32
      %dma_start3A_7 = tpu.memref_slice %arg10[%mul3A_0, %dma_start3A] : memref<10240x128xf32, #tpu.memory_space<vmem_shared>> -> memref<640x128xf32, #tpu.memory_space<vmem_shared>>
      tpu.enqueue_dma source(%arg5 : memref<640x128xf32, #tpu.memory_space<hbm>>) target(%dma_start3A_7 : memref<640x128xf32, #tpu.memory_space<vmem_shared>>) target_semaphore(%run_scoped3A : memref<!tpu.dma_semaphore, #tpu.memory_space<semaphore_mem>>)
      %dma_wait3A = arith.constant 0 : i32
      %dma_wait3A_8 = tpu.memref_slice %arg10[%mul3A_0, %dma_wait3A] : memref<10240x128xf32, #tpu.memory_space<vmem_shared>> -> memref<640x128xf32, #tpu.memory_space<vmem_shared>>
      tpu.wait_dma2 semaphore(%run_scoped3A : memref<!tpu.dma_semaphore, #tpu.memory_space<semaphore_mem>>) src(%arg5 : memref<640x128xf32, #tpu.memory_space<hbm>>) dst(%dma_wait3A_8 : memref<640x128xf32, #tpu.memory_space<vmem_shared>>)
      tpu.yield
    }) : () -> ()
    %barrier3A = arith.constant 0 : index
    tpu.barrier barrier_id(%barrier3A)
    %scan3A = arith.constant 0 : i32
    %scan3A_1 = arith.constant 0 : i32
    %scan3A_2 = arith.constant 80 : i32
    %scan3A_3 = arith.addi %scan3A_1, %scan3A_2 : i32
    %scan3A_4 = arith.constant 1 : i32
    scf.for %scan3A_7 = %scan3A_1 to %scan3A_3 step %scan3A_4  : i32 {
      "tpu.region"() ({
        %run_scoped3A = tpu.sem_alloc : memref<!tpu.dma_semaphore, #tpu.memory_space<semaphore_mem>>
        %dma_start3A = arith.constant 0 : i32
        %dma_start3A_8 = tpu.memref_slice %arg7[%scan3A_7, %dma_start3A] : memref<80x128xi32, #tpu.memory_space<vmem>> -> memref<1x128xi32, #tpu.memory_space<vmem>>
        %dma_start3A_9 = tpu.memref_squeeze %dma_start3A_8 : memref<1x128xi32, #tpu.memory_space<vmem>> -> memref<128xi32, #tpu.memory_space<vmem>>
        %dma_start3A_10 = arith.constant 0 : i32
        %dma_start3A_11 = arith.constant 0 : i32
        %dma_start3A_12 = tpu.memref_slice %arg2[%dma_start3A_10, %dma_start3A_11] : memref<20000x128xf32, #tpu.memory_space<hbm>> -> memref<20000x128xf32, #tpu.memory_space<hbm>>
        tpu.enqueue_indirect_dma source(%dma_start3A_12 : memref<20000x128xf32, #tpu.memory_space<hbm>>) target(%arg9 : memref<128x128xf32, #tpu.memory_space<vmem>>) offsets(%dma_start3A_9 : memref<128xi32, #tpu.memory_space<vmem>>) semaphore(%run_scoped3A : memref<!tpu.dma_semaphore, #tpu.memory_space<semaphore_mem>>)
        %dma_wait3A = arith.constant 0 : i32
        %dma_wait3A_13 = tpu.memref_slice %arg7[%scan3A_7, %dma_wait3A] : memref<80x128xi32, #tpu.memory_space<vmem>> -> memref<1x128xi32, #tpu.memory_space<vmem>>
        %dma_wait3A_14 = tpu.memref_squeeze %dma_wait3A_13 : memref<1x128xi32, #tpu.memory_space<vmem>> -> memref<128xi32, #tpu.memory_space<vmem>>
        %dma_wait3A_15 = arith.constant 0 : i32
        %dma_wait3A_16 = arith.constant 0 : i32
        %dma_wait3A_17 = tpu.memref_slice %arg2[%dma_wait3A_15, %dma_wait3A_16] : memref<20000x128xf32, #tpu.memory_space<hbm>> -> memref<20000x128xf32, #tpu.memory_space<hbm>>
        tpu.wait_indirect_dma semaphore(%run_scoped3A : memref<!tpu.dma_semaphore, #tpu.memory_space<semaphore_mem>>) src(%dma_wait3A_17 : memref<20000x128xf32, #tpu.memory_space<hbm>>) dst(%arg9 : memref<128x128xf32, #tpu.memory_space<vmem>>)
        tpu.yield
      }) : () -> ()
      "tpu.region"() ({
        %run_scoped3A = tpu.sem_alloc : memref<!tpu.dma_semaphore, #tpu.memory_space<semaphore_mem>>
        %dma_start3A = arith.constant 0 : i32
        %dma_start3A_8 = tpu.memref_slice %arg8[%scan3A_7, %dma_start3A] : memref<80x128xi32, #tpu.memory_space<vmem>> -> memref<1x128xi32, #tpu.memory_space<vmem>>
        %dma_start3A_9 = tpu.memref_squeeze %dma_start3A_8 : memref<1x128xi32, #tpu.memory_space<vmem>> -> memref<128xi32, #tpu.memory_space<vmem>>
        %dma_start3A_10 = arith.constant 0 : i32
        %dma_start3A_11 = arith.constant 0 : i32
        %dma_start3A_12 = tpu.memref_slice %arg10[%dma_start3A_10, %dma_start3A_11] : memref<10240x128xf32, #tpu.memory_space<vmem_shared>> -> memref<10240x128xf32, #tpu.memory_space<vmem_shared>>
        tpu.enqueue_indirect_dma source(%arg9 : memref<128x128xf32, #tpu.memory_space<vmem>>) target(%dma_start3A_12 : memref<10240x128xf32, #tpu.memory_space<vmem_shared>>) offsets(%dma_start3A_9 : memref<128xi32, #tpu.memory_space<vmem>>) semaphore(%run_scoped3A : memref<!tpu.dma_semaphore, #tpu.memory_space<semaphore_mem>>) {add = true}
        %dma_wait3A = arith.constant 0 : i32
        %dma_wait3A_13 = tpu.memref_slice %arg8[%scan3A_7, %dma_wait3A] : memref<80x128xi32, #tpu.memory_space<vmem>> -> memref<1x128xi32, #tpu.memory_space<vmem>>
        %dma_wait3A_14 = tpu.memref_squeeze %dma_wait3A_13 : memref<1x128xi32, #tpu.memory_space<vmem>> -> memref<128xi32, #tpu.memory_space<vmem>>
        %dma_wait3A_15 = arith.constant 0 : i32
        %dma_wait3A_16 = arith.constant 0 : i32
        %dma_wait3A_17 = tpu.memref_slice %arg10[%dma_wait3A_15, %dma_wait3A_16] : memref<10240x128xf32, #tpu.memory_space<vmem_shared>> -> memref<10240x128xf32, #tpu.memory_space<vmem_shared>>
        tpu.wait_indirect_dma semaphore(%run_scoped3A : memref<!tpu.dma_semaphore, #tpu.memory_space<semaphore_mem>>) src(%arg9 : memref<128x128xf32, #tpu.memory_space<vmem>>) dst(%dma_wait3A_17 : memref<10240x128xf32, #tpu.memory_space<vmem_shared>>)
        tpu.yield
      }) : () -> ()
    }
    %scan3A_5 = arith.constant 80 : i32
    %barrier3A_6 = arith.constant 0 : index
    tpu.barrier barrier_id(%barrier3A_6)
    "tpu.region"() ({
      %run_scoped3A = tpu.sem_alloc : memref<!tpu.dma_semaphore, #tpu.memory_space<semaphore_mem>>
      %dma_start3A = arith.constant 0 : i32
      %dma_start3A_7 = tpu.memref_slice %arg6[%arg0, %mul3A_0, %dma_start3A] : memref<2x10240x128xf32, #tpu.memory_space<hbm>> -> memref<1x640x128xf32, #tpu.memory_space<hbm>>
      %dma_start3A_8 = tpu.memref_squeeze %dma_start3A_7 : memref<1x640x128xf32, #tpu.memory_space<hbm>> -> memref<640x128xf32, #tpu.memory_space<hbm>>
      %dma_start3A_9 = arith.constant 0 : i32
      %dma_start3A_10 = tpu.memref_slice %arg10[%mul3A_0, %dma_start3A_9] : memref<10240x128xf32, #tpu.memory_space<vmem_shared>> -> memref<640x128xf32, #tpu.memory_space<vmem_shared>>
      tpu.enqueue_dma source(%dma_start3A_10 : memref<640x128xf32, #tpu.memory_space<vmem_shared>>) target(%dma_start3A_8 : memref<640x128xf32, #tpu.memory_space<hbm>>) target_semaphore(%run_scoped3A : memref<!tpu.dma_semaphore, #tpu.memory_space<semaphore_mem>>)
      %dma_wait3A = arith.constant 0 : i32
      %dma_wait3A_11 = tpu.memref_slice %arg6[%arg0, %mul3A_0, %dma_wait3A] : memref<2x10240x128xf32, #tpu.memory_space<hbm>> -> memref<1x640x128xf32, #tpu.memory_space<hbm>>
      %dma_wait3A_12 = tpu.memref_squeeze %dma_wait3A_11 : memref<1x640x128xf32, #tpu.memory_space<hbm>> -> memref<640x128xf32, #tpu.memory_space<hbm>>
      %dma_wait3A_13 = arith.constant 0 : i32
      %dma_wait3A_14 = tpu.memref_slice %arg10[%mul3A_0, %dma_wait3A_13] : memref<10240x128xf32, #tpu.memory_space<vmem_shared>> -> memref<640x128xf32, #tpu.memory_space<vmem_shared>>
      tpu.wait_dma2 semaphore(%run_scoped3A : memref<!tpu.dma_semaphore, #tpu.memory_space<semaphore_mem>>) src(%dma_wait3A_14 : memref<640x128xf32, #tpu.memory_space<vmem_shared>>) dst(%dma_wait3A_12 : memref<640x128xf32, #tpu.memory_space<hbm>>)
      tpu.yield
    }) : () -> ()
    return
  }
}

#map = affine_map<(d0, d1) -> (0, 0)>
#map1 = affine_map<(d0, d1) -> (0, 0, 0, 0)>
#map2 = affine_map<(d0, d1) -> (0, 0, 0)>
module attributes {stable_mosaic.version = 14 : i64} {
  func.func @spmm(%arg0: i32, %arg1: i32, %arg2: memref<20000x128xf32, #tpu.memory_space<hbm>>, %arg3: memref<2x16x80x128xi32, #tpu.memory_space<hbm>>, %arg4: memref<16x80x128xi32, #tpu.memory_space<hbm>>, %arg5: memref<640x128xf32, #tpu.memory_space<hbm>>, %arg6: memref<2x10240x128xf32, #tpu.memory_space<hbm>>, %arg7: memref<80x128xi32, #tpu.memory_space<vmem>>, %arg8: memref<80x128xi32, #tpu.memory_space<vmem>>, %arg9: memref<128x128xf32, #tpu.memory_space<vmem>>, %arg10: memref<10240x128xf32, #tpu.memory_space<vmem_shared>>) attributes {dimension_semantics = [#tpu.dimension_semantics<core_parallel>, #tpu.dimension_semantics<subcore_parallel>], iteration_bounds = array<i64: 2, 16>, scalar_prefetch = 0 : i64, scratch_operands = 4 : i64, tpu.core_type = #tpu.core_type<sc_vector_subcore>, window_params = [{transform_indices = #map}, {transform_indices = #map1}, {transform_indices = #map2}, {transform_indices = #map}, {transform_indices = #map2}]} {
    "tpu.region"() ({
      %run_scoped3A = tpu.sem_alloc : memref<!tpu.dma_semaphore, #tpu.memory_space<semaphore_mem>>
      %dma_start3A = arith.constant 0 : i32
      %dma_start3A_7 = arith.constant 0 : i32
      %dma_start3A_8 = tpu.memref_slice %arg3[%arg0, %arg1, %dma_start3A, %dma_start3A_7] : memref<2x16x80x128xi32, #tpu.memory_space<hbm>> -> memref<1x1x80x128xi32, #tpu.memory_space<hbm>>
      %dma_start3A_9 = tpu.memref_squeeze %dma_start3A_8 : memref<1x1x80x128xi32, #tpu.memory_space<hbm>> -> memref<80x128xi32, #tpu.memory_space<hbm>>
      %dma_start3A_10 = arith.constant 0 : i32
      %dma_start3A_11 = arith.constant 0 : i32
      %dma_start3A_12 = tpu.memref_slice %arg3[%arg0, %arg1, %dma_start3A_10, %dma_start3A_11] : memref<2x16x80x128xi32, #tpu.memory_space<hbm>> -> memref<1x1x80x128xi32, #tpu.memory_space<hbm>>
      %dma_start3A_13 = tpu.memref_squeeze %dma_start3A_12 : memref<1x1x80x128xi32, #tpu.memory_space<hbm>> -> memref<80x128xi32, #tpu.memory_space<hbm>>
      tpu.enqueue_dma source(%dma_start3A_13 : memref<80x128xi32, #tpu.memory_space<hbm>>) target(%arg7 : memref<80x128xi32, #tpu.memory_space<vmem>>) target_semaphore(%run_scoped3A : memref<!tpu.dma_semaphore, #tpu.memory_space<semaphore_mem>>)
      %dma_wait3A = arith.constant 0 : i32
      %dma_wait3A_14 = arith.constant 0 : i32
      %dma_wait3A_15 = tpu.memref_slice %arg3[%arg0, %arg1, %dma_wait3A, %dma_wait3A_14] : memref<2x16x80x128xi32, #tpu.memory_space<hbm>> -> memref<1x1x80x128xi32, #tpu.memory_space<hbm>>
      %dma_wait3A_16 = tpu.memref_squeeze %dma_wait3A_15 : memref<1x1x80x128xi32, #tpu.memory_space<hbm>> -> memref<80x128xi32, #tpu.memory_space<hbm>>
      %dma_wait3A_17 = arith.constant 0 : i32
      %dma_wait3A_18 = arith.constant 0 : i32
      %dma_wait3A_19 = tpu.memref_slice %arg3[%arg0, %arg1, %dma_wait3A_17, %dma_wait3A_18] : memref<2x16x80x128xi32, #tpu.memory_space<hbm>> -> memref<1x1x80x128xi32, #tpu.memory_space<hbm>>
      %dma_wait3A_20 = tpu.memref_squeeze %dma_wait3A_19 : memref<1x1x80x128xi32, #tpu.memory_space<hbm>> -> memref<80x128xi32, #tpu.memory_space<hbm>>
      tpu.wait_dma2 semaphore(%run_scoped3A : memref<!tpu.dma_semaphore, #tpu.memory_space<semaphore_mem>>) src(%dma_wait3A_20 : memref<80x128xi32, #tpu.memory_space<hbm>>) dst(%arg7 : memref<80x128xi32, #tpu.memory_space<vmem>>)
      tpu.yield
    }) : () -> ()
    "tpu.region"() ({
      %run_scoped3A = tpu.sem_alloc : memref<!tpu.dma_semaphore, #tpu.memory_space<semaphore_mem>>
      %dma_start3A = arith.constant 0 : i32
      %dma_start3A_7 = arith.constant 0 : i32
      %dma_start3A_8 = tpu.memref_slice %arg4[%arg1, %dma_start3A, %dma_start3A_7] : memref<16x80x128xi32, #tpu.memory_space<hbm>> -> memref<1x80x128xi32, #tpu.memory_space<hbm>>
      %dma_start3A_9 = tpu.memref_squeeze %dma_start3A_8 : memref<1x80x128xi32, #tpu.memory_space<hbm>> -> memref<80x128xi32, #tpu.memory_space<hbm>>
      %dma_start3A_10 = arith.constant 0 : i32
      %dma_start3A_11 = arith.constant 0 : i32
      %dma_start3A_12 = tpu.memref_slice %arg4[%arg1, %dma_start3A_10, %dma_start3A_11] : memref<16x80x128xi32, #tpu.memory_space<hbm>> -> memref<1x80x128xi32, #tpu.memory_space<hbm>>
      %dma_start3A_13 = tpu.memref_squeeze %dma_start3A_12 : memref<1x80x128xi32, #tpu.memory_space<hbm>> -> memref<80x128xi32, #tpu.memory_space<hbm>>
      tpu.enqueue_dma source(%dma_start3A_13 : memref<80x128xi32, #tpu.memory_space<hbm>>) target(%arg8 : memref<80x128xi32, #tpu.memory_space<vmem>>) target_semaphore(%run_scoped3A : memref<!tpu.dma_semaphore, #tpu.memory_space<semaphore_mem>>)
      %dma_wait3A = arith.constant 0 : i32
      %dma_wait3A_14 = arith.constant 0 : i32
      %dma_wait3A_15 = tpu.memref_slice %arg4[%arg1, %dma_wait3A, %dma_wait3A_14] : memref<16x80x128xi32, #tpu.memory_space<hbm>> -> memref<1x80x128xi32, #tpu.memory_space<hbm>>
      %dma_wait3A_16 = tpu.memref_squeeze %dma_wait3A_15 : memref<1x80x128xi32, #tpu.memory_space<hbm>> -> memref<80x128xi32, #tpu.memory_space<hbm>>
      %dma_wait3A_17 = arith.constant 0 : i32
      %dma_wait3A_18 = arith.constant 0 : i32
      %dma_wait3A_19 = tpu.memref_slice %arg4[%arg1, %dma_wait3A_17, %dma_wait3A_18] : memref<16x80x128xi32, #tpu.memory_space<hbm>> -> memref<1x80x128xi32, #tpu.memory_space<hbm>>
      %dma_wait3A_20 = tpu.memref_squeeze %dma_wait3A_19 : memref<1x80x128xi32, #tpu.memory_space<hbm>> -> memref<80x128xi32, #tpu.memory_space<hbm>>
      tpu.wait_dma2 semaphore(%run_scoped3A : memref<!tpu.dma_semaphore, #tpu.memory_space<semaphore_mem>>) src(%dma_wait3A_20 : memref<80x128xi32, #tpu.memory_space<hbm>>) dst(%arg8 : memref<80x128xi32, #tpu.memory_space<vmem>>)
      tpu.yield
    }) : () -> ()
    %mul3A = arith.constant 640 : i32
    %mul3A_0 = arith.muli %arg1, %mul3A : i32
    "tpu.region"() ({
      %run_scoped3A = tpu.sem_alloc : memref<!tpu.dma_semaphore, #tpu.memory_space<semaphore_mem>>
      %dma_start3A = arith.constant 0 : i32
      %dma_start3A_7 = tpu.memref_slice %arg10[%mul3A_0, %dma_start3A] : memref<10240x128xf32, #tpu.memory_space<vmem_shared>> -> memref<640x128xf32, #tpu.memory_space<vmem_shared>>
      tpu.enqueue_dma source(%arg5 : memref<640x128xf32, #tpu.memory_space<hbm>>) target(%dma_start3A_7 : memref<640x128xf32, #tpu.memory_space<vmem_shared>>) target_semaphore(%run_scoped3A : memref<!tpu.dma_semaphore, #tpu.memory_space<semaphore_mem>>)
      %dma_wait3A = arith.constant 0 : i32
      %dma_wait3A_8 = tpu.memref_slice %arg10[%mul3A_0, %dma_wait3A] : memref<10240x128xf32, #tpu.memory_space<vmem_shared>> -> memref<640x128xf32, #tpu.memory_space<vmem_shared>>
      tpu.wait_dma2 semaphore(%run_scoped3A : memref<!tpu.dma_semaphore, #tpu.memory_space<semaphore_mem>>) src(%arg5 : memref<640x128xf32, #tpu.memory_space<hbm>>) dst(%dma_wait3A_8 : memref<640x128xf32, #tpu.memory_space<vmem_shared>>)
      tpu.yield
    }) : () -> ()
    %barrier3A = arith.constant 0 : index
    tpu.barrier barrier_id(%barrier3A)
    %scan3A = arith.constant 0 : i32
    %scan3A_1 = arith.constant 0 : i32
    %scan3A_2 = arith.constant 80 : i32
    %scan3A_3 = arith.addi %scan3A_1, %scan3A_2 : i32
    %scan3A_4 = arith.constant 1 : i32
    scf.for %scan3A_7 = %scan3A_1 to %scan3A_3 step %scan3A_4  : i32 {
      "tpu.region"() ({
        %run_scoped3A = tpu.sem_alloc : memref<!tpu.dma_semaphore, #tpu.memory_space<semaphore_mem>>
        %dma_start3A = arith.constant 0 : i32
        %dma_start3A_8 = tpu.memref_slice %arg7[%scan3A_7, %dma_start3A] : memref<80x128xi32, #tpu.memory_space<vmem>> -> memref<1x128xi32, #tpu.memory_space<vmem>>
        %dma_start3A_9 = tpu.memref_squeeze %dma_start3A_8 : memref<1x128xi32, #tpu.memory_space<vmem>> -> memref<128xi32, #tpu.memory_space<vmem>>
        %dma_start3A_10 = arith.constant 0 : i32
        %dma_start3A_11 = arith.constant 0 : i32
        %dma_start3A_12 = tpu.memref_slice %arg2[%dma_start3A_10, %dma_start3A_11] : memref<20000x128xf32, #tpu.memory_space<hbm>> -> memref<20000x128xf32, #tpu.memory_space<hbm>>
        tpu.enqueue_indirect_dma source(%dma_start3A_12 : memref<20000x128xf32, #tpu.memory_space<hbm>>) target(%arg9 : memref<128x128xf32, #tpu.memory_space<vmem>>) offsets(%dma_start3A_9 : memref<128xi32, #tpu.memory_space<vmem>>) semaphore(%run_scoped3A : memref<!tpu.dma_semaphore, #tpu.memory_space<semaphore_mem>>)
        %dma_wait3A = arith.constant 0 : i32
        %dma_wait3A_13 = tpu.memref_slice %arg7[%scan3A_7, %dma_wait3A] : memref<80x128xi32, #tpu.memory_space<vmem>> -> memref<1x128xi32, #tpu.memory_space<vmem>>
        %dma_wait3A_14 = tpu.memref_squeeze %dma_wait3A_13 : memref<1x128xi32, #tpu.memory_space<vmem>> -> memref<128xi32, #tpu.memory_space<vmem>>
        %dma_wait3A_15 = arith.constant 0 : i32
        %dma_wait3A_16 = arith.constant 0 : i32
        %dma_wait3A_17 = tpu.memref_slice %arg2[%dma_wait3A_15, %dma_wait3A_16] : memref<20000x128xf32, #tpu.memory_space<hbm>> -> memref<20000x128xf32, #tpu.memory_space<hbm>>
        tpu.wait_indirect_dma semaphore(%run_scoped3A : memref<!tpu.dma_semaphore, #tpu.memory_space<semaphore_mem>>) src(%dma_wait3A_17 : memref<20000x128xf32, #tpu.memory_space<hbm>>) dst(%arg9 : memref<128x128xf32, #tpu.memory_space<vmem>>)
        tpu.yield
      }) : () -> ()
      "tpu.region"() ({
        %run_scoped3A = tpu.sem_alloc : memref<!tpu.dma_semaphore, #tpu.memory_space<semaphore_mem>>
        %dma_start3A = arith.constant 0 : i32
        %dma_start3A_8 = tpu.memref_slice %arg8[%scan3A_7, %dma_start3A] : memref<80x128xi32, #tpu.memory_space<vmem>> -> memref<1x128xi32, #tpu.memory_space<vmem>>
        %dma_start3A_9 = tpu.memref_squeeze %dma_start3A_8 : memref<1x128xi32, #tpu.memory_space<vmem>> -> memref<128xi32, #tpu.memory_space<vmem>>
        %dma_start3A_10 = arith.constant 0 : i32
        %dma_start3A_11 = arith.constant 0 : i32
        %dma_start3A_12 = tpu.memref_slice %arg10[%dma_start3A_10, %dma_start3A_11] : memref<10240x128xf32, #tpu.memory_space<vmem_shared>> -> memref<10240x128xf32, #tpu.memory_space<vmem_shared>>
        tpu.enqueue_indirect_dma source(%arg9 : memref<128x128xf32, #tpu.memory_space<vmem>>) target(%dma_start3A_12 : memref<10240x128xf32, #tpu.memory_space<vmem_shared>>) offsets(%dma_start3A_9 : memref<128xi32, #tpu.memory_space<vmem>>) semaphore(%run_scoped3A : memref<!tpu.dma_semaphore, #tpu.memory_space<semaphore_mem>>) {add = true}
        %dma_wait3A = arith.constant 0 : i32
        %dma_wait3A_13 = tpu.memref_slice %arg8[%scan3A_7, %dma_wait3A] : memref<80x128xi32, #tpu.memory_space<vmem>> -> memref<1x128xi32, #tpu.memory_space<vmem>>
        %dma_wait3A_14 = tpu.memref_squeeze %dma_wait3A_13 : memref<1x128xi32, #tpu.memory_space<vmem>> -> memref<128xi32, #tpu.memory_space<vmem>>
        %dma_wait3A_15 = arith.constant 0 : i32
        %dma_wait3A_16 = arith.constant 0 : i32
        %dma_wait3A_17 = tpu.memref_slice %arg10[%dma_wait3A_15, %dma_wait3A_16] : memref<10240x128xf32, #tpu.memory_space<vmem_shared>> -> memref<10240x128xf32, #tpu.memory_space<vmem_shared>>
        tpu.wait_indirect_dma semaphore(%run_scoped3A : memref<!tpu.dma_semaphore, #tpu.memory_space<semaphore_mem>>) src(%arg9 : memref<128x128xf32, #tpu.memory_space<vmem>>) dst(%dma_wait3A_17 : memref<10240x128xf32, #tpu.memory_space<vmem_shared>>)
        tpu.yield
      }) : () -> ()
    }
    %scan3A_5 = arith.constant 80 : i32
    %barrier3A_6 = arith.constant 0 : index
    tpu.barrier barrier_id(%barrier3A_6)
    "tpu.region"() ({
      %run_scoped3A = tpu.sem_alloc : memref<!tpu.dma_semaphore, #tpu.memory_space<semaphore_mem>>
      %dma_start3A = arith.constant 0 : i32
      %dma_start3A_7 = tpu.memref_slice %arg6[%arg0, %mul3A_0, %dma_start3A] : memref<2x10240x128xf32, #tpu.memory_space<hbm>> -> memref<1x640x128xf32, #tpu.memory_space<hbm>>
      %dma_start3A_8 = tpu.memref_squeeze %dma_start3A_7 : memref<1x640x128xf32, #tpu.memory_space<hbm>> -> memref<640x128xf32, #tpu.memory_space<hbm>>
      %dma_start3A_9 = arith.constant 0 : i32
      %dma_start3A_10 = tpu.memref_slice %arg10[%mul3A_0, %dma_start3A_9] : memref<10240x128xf32, #tpu.memory_space<vmem_shared>> -> memref<640x128xf32, #tpu.memory_space<vmem_shared>>
      tpu.enqueue_dma source(%dma_start3A_10 : memref<640x128xf32, #tpu.memory_space<vmem_shared>>) target(%dma_start3A_8 : memref<640x128xf32, #tpu.memory_space<hbm>>) target_semaphore(%run_scoped3A : memref<!tpu.dma_semaphore, #tpu.memory_space<semaphore_mem>>)
      %dma_wait3A = arith.constant 0 : i32
      %dma_wait3A_11 = tpu.memref_slice %arg6[%arg0, %mul3A_0, %dma_wait3A] : memref<2x10240x128xf32, #tpu.memory_space<hbm>> -> memref<1x640x128xf32, #tpu.memory_space<hbm>>
      %dma_wait3A_12 = tpu.memref_squeeze %dma_wait3A_11 : memref<1x640x128xf32, #tpu.memory_space<hbm>> -> memref<640x128xf32, #tpu.memory_space<hbm>>
      %dma_wait3A_13 = arith.constant 0 : i32
      %dma_wait3A_14 = tpu.memref_slice %arg10[%mul3A_0, %dma_wait3A_13] : memref<10240x128xf32, #tpu.memory_space<vmem_shared>> -> memref<640x128xf32, #tpu.memory_space<vmem_shared>>
      tpu.wait_dma2 semaphore(%run_scoped3A : memref<!tpu.dma_semaphore, #tpu.memory_space<semaphore_mem>>) src(%dma_wait3A_14 : memref<640x128xf32, #tpu.memory_space<vmem_shared>>) dst(%dma_wait3A_12 : memref<640x128xf32, #tpu.memory_space<hbm>>)
      tpu.yield
    }) : () -> ()
    return
  }
}

#map = affine_map<(d0, d1) -> (0, 0)>
#map1 = affine_map<(d0, d1) -> (0, 0, 0)>
module attributes {stable_mosaic.version = 14 : i64} {
  func.func @spmm(%arg0: i32, %arg1: i32, %arg2: memref<10000x64xf32, #tpu.memory_space<hbm>>, %arg3: memref<32x40x128xi32, #tpu.memory_space<hbm>>, %arg4: memref<32x40x128xi32, #tpu.memory_space<hbm>>, %arg5: memref<640x64xf32, #tpu.memory_space<hbm>>, %arg6: memref<2x10240x64xf32, #tpu.memory_space<hbm>>, %arg7: memref<40x128xi32, #tpu.memory_space<vmem>>, %arg8: memref<40x128xi32, #tpu.memory_space<vmem>>, %arg9: memref<128x64xf32, #tpu.memory_space<vmem>>, %arg10: memref<10240x64xf32, #tpu.memory_space<vmem_shared>>) attributes {dimension_semantics = [#tpu.dimension_semantics<core_parallel>, #tpu.dimension_semantics<subcore_parallel>], iteration_bounds = array<i64: 2, 16>, scalar_prefetch = 0 : i64, scratch_operands = 4 : i64, tpu.core_type = #tpu.core_type<sc_vector_subcore>, window_params = [{transform_indices = #map}, {transform_indices = #map1}, {transform_indices = #map1}, {transform_indices = #map}, {transform_indices = #map1}]} {
    %mul3A = arith.constant 2 : i32
    %mul3A_0 = arith.muli %arg1, %mul3A : i32
    %add3A = arith.addi %mul3A_0, %arg0 : i32
    "tpu.region"() ({
      %run_scoped3A = tpu.sem_alloc : memref<!tpu.dma_semaphore, #tpu.memory_space<semaphore_mem>>
      %dma_start3A = arith.constant 0 : i32
      %dma_start3A_9 = arith.constant 0 : i32
      %dma_start3A_10 = tpu.memref_slice %arg3[%add3A, %dma_start3A, %dma_start3A_9] : memref<32x40x128xi32, #tpu.memory_space<hbm>> -> memref<1x40x128xi32, #tpu.memory_space<hbm>>
      %dma_start3A_11 = tpu.memref_squeeze %dma_start3A_10 : memref<1x40x128xi32, #tpu.memory_space<hbm>> -> memref<40x128xi32, #tpu.memory_space<hbm>>
      %dma_start3A_12 = arith.constant 0 : i32
      %dma_start3A_13 = arith.constant 0 : i32
      %dma_start3A_14 = tpu.memref_slice %arg3[%add3A, %dma_start3A_12, %dma_start3A_13] : memref<32x40x128xi32, #tpu.memory_space<hbm>> -> memref<1x40x128xi32, #tpu.memory_space<hbm>>
      %dma_start3A_15 = tpu.memref_squeeze %dma_start3A_14 : memref<1x40x128xi32, #tpu.memory_space<hbm>> -> memref<40x128xi32, #tpu.memory_space<hbm>>
      tpu.enqueue_dma source(%dma_start3A_15 : memref<40x128xi32, #tpu.memory_space<hbm>>) target(%arg7 : memref<40x128xi32, #tpu.memory_space<vmem>>) target_semaphore(%run_scoped3A : memref<!tpu.dma_semaphore, #tpu.memory_space<semaphore_mem>>)
      %dma_wait3A = arith.constant 0 : i32
      %dma_wait3A_16 = arith.constant 0 : i32
      %dma_wait3A_17 = tpu.memref_slice %arg3[%add3A, %dma_wait3A, %dma_wait3A_16] : memref<32x40x128xi32, #tpu.memory_space<hbm>> -> memref<1x40x128xi32, #tpu.memory_space<hbm>>
      %dma_wait3A_18 = tpu.memref_squeeze %dma_wait3A_17 : memref<1x40x128xi32, #tpu.memory_space<hbm>> -> memref<40x128xi32, #tpu.memory_space<hbm>>
      %dma_wait3A_19 = arith.constant 0 : i32
      %dma_wait3A_20 = arith.constant 0 : i32
      %dma_wait3A_21 = tpu.memref_slice %arg3[%add3A, %dma_wait3A_19, %dma_wait3A_20] : memref<32x40x128xi32, #tpu.memory_space<hbm>> -> memref<1x40x128xi32, #tpu.memory_space<hbm>>
      %dma_wait3A_22 = tpu.memref_squeeze %dma_wait3A_21 : memref<1x40x128xi32, #tpu.memory_space<hbm>> -> memref<40x128xi32, #tpu.memory_space<hbm>>
      tpu.wait_dma2 semaphore(%run_scoped3A : memref<!tpu.dma_semaphore, #tpu.memory_space<semaphore_mem>>) src(%dma_wait3A_22 : memref<40x128xi32, #tpu.memory_space<hbm>>) dst(%arg7 : memref<40x128xi32, #tpu.memory_space<vmem>>)
      tpu.yield
    }) : () -> ()
    "tpu.region"() ({
      %run_scoped3A = tpu.sem_alloc : memref<!tpu.dma_semaphore, #tpu.memory_space<semaphore_mem>>
      %dma_start3A = arith.constant 0 : i32
      %dma_start3A_9 = arith.constant 0 : i32
      %dma_start3A_10 = tpu.memref_slice %arg4[%add3A, %dma_start3A, %dma_start3A_9] : memref<32x40x128xi32, #tpu.memory_space<hbm>> -> memref<1x40x128xi32, #tpu.memory_space<hbm>>
      %dma_start3A_11 = tpu.memref_squeeze %dma_start3A_10 : memref<1x40x128xi32, #tpu.memory_space<hbm>> -> memref<40x128xi32, #tpu.memory_space<hbm>>
      %dma_start3A_12 = arith.constant 0 : i32
      %dma_start3A_13 = arith.constant 0 : i32
      %dma_start3A_14 = tpu.memref_slice %arg4[%add3A, %dma_start3A_12, %dma_start3A_13] : memref<32x40x128xi32, #tpu.memory_space<hbm>> -> memref<1x40x128xi32, #tpu.memory_space<hbm>>
      %dma_start3A_15 = tpu.memref_squeeze %dma_start3A_14 : memref<1x40x128xi32, #tpu.memory_space<hbm>> -> memref<40x128xi32, #tpu.memory_space<hbm>>
      tpu.enqueue_dma source(%dma_start3A_15 : memref<40x128xi32, #tpu.memory_space<hbm>>) target(%arg8 : memref<40x128xi32, #tpu.memory_space<vmem>>) target_semaphore(%run_scoped3A : memref<!tpu.dma_semaphore, #tpu.memory_space<semaphore_mem>>)
      %dma_wait3A = arith.constant 0 : i32
      %dma_wait3A_16 = arith.constant 0 : i32
      %dma_wait3A_17 = tpu.memref_slice %arg4[%add3A, %dma_wait3A, %dma_wait3A_16] : memref<32x40x128xi32, #tpu.memory_space<hbm>> -> memref<1x40x128xi32, #tpu.memory_space<hbm>>
      %dma_wait3A_18 = tpu.memref_squeeze %dma_wait3A_17 : memref<1x40x128xi32, #tpu.memory_space<hbm>> -> memref<40x128xi32, #tpu.memory_space<hbm>>
      %dma_wait3A_19 = arith.constant 0 : i32
      %dma_wait3A_20 = arith.constant 0 : i32
      %dma_wait3A_21 = tpu.memref_slice %arg4[%add3A, %dma_wait3A_19, %dma_wait3A_20] : memref<32x40x128xi32, #tpu.memory_space<hbm>> -> memref<1x40x128xi32, #tpu.memory_space<hbm>>
      %dma_wait3A_22 = tpu.memref_squeeze %dma_wait3A_21 : memref<1x40x128xi32, #tpu.memory_space<hbm>> -> memref<40x128xi32, #tpu.memory_space<hbm>>
      tpu.wait_dma2 semaphore(%run_scoped3A : memref<!tpu.dma_semaphore, #tpu.memory_space<semaphore_mem>>) src(%dma_wait3A_22 : memref<40x128xi32, #tpu.memory_space<hbm>>) dst(%arg8 : memref<40x128xi32, #tpu.memory_space<vmem>>)
      tpu.yield
    }) : () -> ()
    %mul3A_1 = arith.constant 640 : i32
    %mul3A_2 = arith.muli %arg1, %mul3A_1 : i32
    "tpu.region"() ({
      %run_scoped3A = tpu.sem_alloc : memref<!tpu.dma_semaphore, #tpu.memory_space<semaphore_mem>>
      %dma_start3A = arith.constant 0 : i32
      %dma_start3A_9 = tpu.memref_slice %arg10[%mul3A_2, %dma_start3A] : memref<10240x64xf32, #tpu.memory_space<vmem_shared>> -> memref<640x64xf32, #tpu.memory_space<vmem_shared>>
      tpu.enqueue_dma source(%arg5 : memref<640x64xf32, #tpu.memory_space<hbm>>) target(%dma_start3A_9 : memref<640x64xf32, #tpu.memory_space<vmem_shared>>) target_semaphore(%run_scoped3A : memref<!tpu.dma_semaphore, #tpu.memory_space<semaphore_mem>>)
      %dma_wait3A = arith.constant 0 : i32
      %dma_wait3A_10 = tpu.memref_slice %arg10[%mul3A_2, %dma_wait3A] : memref<10240x64xf32, #tpu.memory_space<vmem_shared>> -> memref<640x64xf32, #tpu.memory_space<vmem_shared>>
      tpu.wait_dma2 semaphore(%run_scoped3A : memref<!tpu.dma_semaphore, #tpu.memory_space<semaphore_mem>>) src(%arg5 : memref<640x64xf32, #tpu.memory_space<hbm>>) dst(%dma_wait3A_10 : memref<640x64xf32, #tpu.memory_space<vmem_shared>>)
      tpu.yield
    }) : () -> ()
    %barrier3A = arith.constant 0 : index
    tpu.barrier barrier_id(%barrier3A)
    %scan3A = arith.constant 0 : i32
    %scan3A_3 = arith.constant 0 : i32
    %scan3A_4 = arith.constant 40 : i32
    %scan3A_5 = arith.addi %scan3A_3, %scan3A_4 : i32
    %scan3A_6 = arith.constant 1 : i32
    scf.for %scan3A_9 = %scan3A_3 to %scan3A_5 step %scan3A_6  : i32 {
      "tpu.region"() ({
        %run_scoped3A = tpu.sem_alloc : memref<!tpu.dma_semaphore, #tpu.memory_space<semaphore_mem>>
        %dma_start3A = arith.constant 0 : i32
        %dma_start3A_10 = tpu.memref_slice %arg7[%scan3A_9, %dma_start3A] : memref<40x128xi32, #tpu.memory_space<vmem>> -> memref<1x128xi32, #tpu.memory_space<vmem>>
        %dma_start3A_11 = tpu.memref_squeeze %dma_start3A_10 : memref<1x128xi32, #tpu.memory_space<vmem>> -> memref<128xi32, #tpu.memory_space<vmem>>
        %dma_start3A_12 = arith.constant 0 : i32
        %dma_start3A_13 = arith.constant 0 : i32
        %dma_start3A_14 = tpu.memref_slice %arg2[%dma_start3A_12, %dma_start3A_13] : memref<10000x64xf32, #tpu.memory_space<hbm>> -> memref<10000x64xf32, #tpu.memory_space<hbm>>
        tpu.enqueue_indirect_dma source(%dma_start3A_14 : memref<10000x64xf32, #tpu.memory_space<hbm>>) target(%arg9 : memref<128x64xf32, #tpu.memory_space<vmem>>) offsets(%dma_start3A_11 : memref<128xi32, #tpu.memory_space<vmem>>) semaphore(%run_scoped3A : memref<!tpu.dma_semaphore, #tpu.memory_space<semaphore_mem>>)
        %dma_wait3A = arith.constant 0 : i32
        %dma_wait3A_15 = tpu.memref_slice %arg7[%scan3A_9, %dma_wait3A] : memref<40x128xi32, #tpu.memory_space<vmem>> -> memref<1x128xi32, #tpu.memory_space<vmem>>
        %dma_wait3A_16 = tpu.memref_squeeze %dma_wait3A_15 : memref<1x128xi32, #tpu.memory_space<vmem>> -> memref<128xi32, #tpu.memory_space<vmem>>
        %dma_wait3A_17 = arith.constant 0 : i32
        %dma_wait3A_18 = arith.constant 0 : i32
        %dma_wait3A_19 = tpu.memref_slice %arg2[%dma_wait3A_17, %dma_wait3A_18] : memref<10000x64xf32, #tpu.memory_space<hbm>> -> memref<10000x64xf32, #tpu.memory_space<hbm>>
        tpu.wait_indirect_dma semaphore(%run_scoped3A : memref<!tpu.dma_semaphore, #tpu.memory_space<semaphore_mem>>) src(%dma_wait3A_19 : memref<10000x64xf32, #tpu.memory_space<hbm>>) dst(%arg9 : memref<128x64xf32, #tpu.memory_space<vmem>>)
        tpu.yield
      }) : () -> ()
      "tpu.region"() ({
        %run_scoped3A = tpu.sem_alloc : memref<!tpu.dma_semaphore, #tpu.memory_space<semaphore_mem>>
        %dma_start3A = arith.constant 0 : i32
        %dma_start3A_10 = tpu.memref_slice %arg8[%scan3A_9, %dma_start3A] : memref<40x128xi32, #tpu.memory_space<vmem>> -> memref<1x128xi32, #tpu.memory_space<vmem>>
        %dma_start3A_11 = tpu.memref_squeeze %dma_start3A_10 : memref<1x128xi32, #tpu.memory_space<vmem>> -> memref<128xi32, #tpu.memory_space<vmem>>
        %dma_start3A_12 = arith.constant 0 : i32
        %dma_start3A_13 = arith.constant 0 : i32
        %dma_start3A_14 = tpu.memref_slice %arg10[%dma_start3A_12, %dma_start3A_13] : memref<10240x64xf32, #tpu.memory_space<vmem_shared>> -> memref<10240x64xf32, #tpu.memory_space<vmem_shared>>
        tpu.enqueue_indirect_dma source(%arg9 : memref<128x64xf32, #tpu.memory_space<vmem>>) target(%dma_start3A_14 : memref<10240x64xf32, #tpu.memory_space<vmem_shared>>) offsets(%dma_start3A_11 : memref<128xi32, #tpu.memory_space<vmem>>) semaphore(%run_scoped3A : memref<!tpu.dma_semaphore, #tpu.memory_space<semaphore_mem>>) {add = true}
        %dma_wait3A = arith.constant 0 : i32
        %dma_wait3A_15 = tpu.memref_slice %arg8[%scan3A_9, %dma_wait3A] : memref<40x128xi32, #tpu.memory_space<vmem>> -> memref<1x128xi32, #tpu.memory_space<vmem>>
        %dma_wait3A_16 = tpu.memref_squeeze %dma_wait3A_15 : memref<1x128xi32, #tpu.memory_space<vmem>> -> memref<128xi32, #tpu.memory_space<vmem>>
        %dma_wait3A_17 = arith.constant 0 : i32
        %dma_wait3A_18 = arith.constant 0 : i32
        %dma_wait3A_19 = tpu.memref_slice %arg10[%dma_wait3A_17, %dma_wait3A_18] : memref<10240x64xf32, #tpu.memory_space<vmem_shared>> -> memref<10240x64xf32, #tpu.memory_space<vmem_shared>>
        tpu.wait_indirect_dma semaphore(%run_scoped3A : memref<!tpu.dma_semaphore, #tpu.memory_space<semaphore_mem>>) src(%arg9 : memref<128x64xf32, #tpu.memory_space<vmem>>) dst(%dma_wait3A_19 : memref<10240x64xf32, #tpu.memory_space<vmem_shared>>)
        tpu.yield
      }) : () -> ()
    }
    %scan3A_7 = arith.constant 40 : i32
    %barrier3A_8 = arith.constant 0 : index
    tpu.barrier barrier_id(%barrier3A_8)
    "tpu.region"() ({
      %run_scoped3A = tpu.sem_alloc : memref<!tpu.dma_semaphore, #tpu.memory_space<semaphore_mem>>
      %dma_start3A = arith.constant 0 : i32
      %dma_start3A_9 = tpu.memref_slice %arg6[%arg0, %mul3A_2, %dma_start3A] : memref<2x10240x64xf32, #tpu.memory_space<hbm>> -> memref<1x640x64xf32, #tpu.memory_space<hbm>>
      %dma_start3A_10 = tpu.memref_squeeze %dma_start3A_9 : memref<1x640x64xf32, #tpu.memory_space<hbm>> -> memref<640x64xf32, #tpu.memory_space<hbm>>
      %dma_start3A_11 = arith.constant 0 : i32
      %dma_start3A_12 = tpu.memref_slice %arg10[%mul3A_2, %dma_start3A_11] : memref<10240x64xf32, #tpu.memory_space<vmem_shared>> -> memref<640x64xf32, #tpu.memory_space<vmem_shared>>
      tpu.enqueue_dma source(%dma_start3A_12 : memref<640x64xf32, #tpu.memory_space<vmem_shared>>) target(%dma_start3A_10 : memref<640x64xf32, #tpu.memory_space<hbm>>) target_semaphore(%run_scoped3A : memref<!tpu.dma_semaphore, #tpu.memory_space<semaphore_mem>>)
      %dma_wait3A = arith.constant 0 : i32
      %dma_wait3A_13 = tpu.memref_slice %arg6[%arg0, %mul3A_2, %dma_wait3A] : memref<2x10240x64xf32, #tpu.memory_space<hbm>> -> memref<1x640x64xf32, #tpu.memory_space<hbm>>
      %dma_wait3A_14 = tpu.memref_squeeze %dma_wait3A_13 : memref<1x640x64xf32, #tpu.memory_space<hbm>> -> memref<640x64xf32, #tpu.memory_space<hbm>>
      %dma_wait3A_15 = arith.constant 0 : i32
      %dma_wait3A_16 = tpu.memref_slice %arg10[%mul3A_2, %dma_wait3A_15] : memref<10240x64xf32, #tpu.memory_space<vmem_shared>> -> memref<640x64xf32, #tpu.memory_space<vmem_shared>>
      tpu.wait_dma2 semaphore(%run_scoped3A : memref<!tpu.dma_semaphore, #tpu.memory_space<semaphore_mem>>) src(%dma_wait3A_16 : memref<640x64xf32, #tpu.memory_space<vmem_shared>>) dst(%dma_wait3A_14 : memref<640x64xf32, #tpu.memory_space<hbm>>)
      tpu.yield
    }) : () -> ()
    return
  }
}

module attributes {stable_mosaic.version = 14 : i64} {
  func.func @_tc1_body(%arg0: i32, %arg1: memref<1000x256xf32, #tpu.memory_space<vmem>>, %arg2: memref<256x256xf32, #tpu.memory_space<vmem>>, %arg3: memref<2x1000x16xf32, #tpu.memory_space<vmem>>, %arg4: memref<2x1000x128xf32, #tpu.memory_space<vmem>>, %arg5: memref<1000x128xf32, #tpu.memory_space<vmem>>) attributes {dimension_semantics = [#tpu.dimension_semantics<arbitrary>], iteration_bounds = array<i64: 10>, scalar_prefetch = 0 : i64, scratch_operands = 0 : i64, tpu.core_type = #tpu.core_type<tc>, window_params = [{transform_indices = @transform_0, window_bounds = array<i64: 1000, 256>}, {pipeline_mode = #tpu.pipeline_mode<synchronous>, transform_indices = @transform_1, window_bounds = array<i64: 256, 256>}, {transform_indices = @transform_2, window_bounds = array<i64: 2, 1000, 16>}, {transform_indices = @transform_3, window_bounds = array<i64: 2, 1000, 128>}, {transform_indices = @transform_4, window_bounds = array<i64: 1000, 128>}]} {
    %get3A = arith.constant 0 : index
    %get3A_0 = arith.constant 0 : index
    %get3A_1 = arith.constant 0 : index
    %get3A_2 = vector.load %arg3[%get3A, %get3A_0, %get3A_1] : memref<2x1000x16xf32, #tpu.memory_space<vmem>>, vector<1x1000x1xf32>
    %get3A_3 = vector.shape_cast %get3A_2 : vector<1x1000x1xf32> to vector<1000x1xf32>
    %get3A_4 = arith.constant 1 : index
    %get3A_5 = arith.constant 0 : index
    %get3A_6 = arith.constant 0 : index
    %get3A_7 = vector.load %arg3[%get3A_4, %get3A_5, %get3A_6] : memref<2x1000x16xf32, #tpu.memory_space<vmem>>, vector<1x1000x1xf32>
    %get3A_8 = vector.shape_cast %get3A_7 : vector<1x1000x1xf32> to vector<1000x1xf32>
    %add3A = arith.addf %get3A_3, %get3A_8 : vector<1000x1xf32>
    %add3A_9 = arith.constant 1.000000e+00 : f32
    %add3A_10 = vector.broadcast %add3A_9 : f32 to vector<1000x1xf32>
    %add3A_11 = arith.addf %add3A, %add3A_10 : vector<1000x1xf32>
    %rsqrt3A = math.rsqrt %add3A_11 : vector<1000x1xf32>
    %broadcast_in_dim3A = vector.shape_cast %rsqrt3A : vector<1000x1xf32> to vector<1000x1xf32>
    %broadcast_in_dim3A_12 = vector.broadcast %broadcast_in_dim3A : vector<1000x1xf32> to vector<1000x128xf32>
    %swap3A = arith.constant 0 : index
    %swap3A_13 = arith.constant 0 : index
    %swap3A_14 = vector.load %arg5[%swap3A, %swap3A_13] : memref<1000x128xf32, #tpu.memory_space<vmem>>, vector<1000x128xf32>
    tpu.vector_store %arg5[%swap3A, %swap3A_13], %broadcast_in_dim3A_12 {strides = array<i32>} : memref<1000x128xf32, #tpu.memory_space<vmem>>, vector<1000x128xf32>,
    %get3A_15 = arith.constant 0 : index
    %get3A_16 = arith.constant 0 : index
    %get3A_17 = vector.load %arg1[%get3A_15, %get3A_16] : memref<1000x256xf32, #tpu.memory_space<vmem>>, vector<1000x256xf32>
    %get3A_18 = arith.constant 0 : index
    %get3A_19 = arith.constant 0 : index
    %get3A_20 = vector.load %arg2[%get3A_18, %get3A_19] : memref<256x256xf32, #tpu.memory_space<vmem>>, vector<256x256xf32>
    %dot_general3A = arith.constant dense<0.000000e+00> : vector<1000x256xf32>
    %dot_general3A_21 = tpu.matmul %get3A_17, %get3A_20, %dot_general3A {dimension_numbers = #tpu.dot_dimension_numbers<[1], [0], [0], [1], [0, 0, 1, 1], [], []>, transpose_lhs_hint = false} : vector<1000x256xf32>, vector<256x256xf32>, vector<1000x256xf32> -> vector<1000x256xf32>
    %mul3A = vector.broadcast %rsqrt3A : vector<1000x1xf32> to vector<1000x256xf32>
    %mul3A_22 = arith.mulf %dot_general3A_21, %mul3A : vector<1000x256xf32>
    %slice3A = vector.extract_strided_slice %mul3A_22 {offsets = [0, 0], sizes = [1000, 128], strides = [1, 1]} : vector<1000x256xf32> to vector<1000x128xf32>
    %swap3A_23 = arith.constant 0 : index
    %swap3A_24 = arith.constant 0 : index
    %swap3A_25 = arith.constant 0 : index
    %swap3A_26 = vector.load %arg4[%swap3A_23, %swap3A_24, %swap3A_25] : memref<2x1000x128xf32, #tpu.memory_space<vmem>>, vector<1x1000x128xf32>
    %swap3A_27 = vector.shape_cast %swap3A_26 : vector<1x1000x128xf32> to vector<1000x128xf32>
    %swap3A_28 = vector.shape_cast %slice3A : vector<1000x128xf32> to vector<1x1000x128xf32>
    tpu.vector_store %arg4[%swap3A_23, %swap3A_24, %swap3A_25], %swap3A_28 {strides = array<i32>} : memref<2x1000x128xf32, #tpu.memory_space<vmem>>, vector<1x1000x128xf32>,
    %slice3A_29 = vector.extract_strided_slice %mul3A_22 {offsets = [0, 128], sizes = [1000, 128], strides = [1, 1]} : vector<1000x256xf32> to vector<1000x128xf32>
    %swap3A_30 = arith.constant 1 : index
    %swap3A_31 = arith.constant 0 : index
    %swap3A_32 = arith.constant 0 : index
    %swap3A_33 = vector.load %arg4[%swap3A_30, %swap3A_31, %swap3A_32] : memref<2x1000x128xf32, #tpu.memory_space<vmem>>, vector<1x1000x128xf32>
    %swap3A_34 = vector.shape_cast %swap3A_33 : vector<1x1000x128xf32> to vector<1000x128xf32>
    %swap3A_35 = vector.shape_cast %slice3A_29 : vector<1000x128xf32> to vector<1x1000x128xf32>
    tpu.vector_store %arg4[%swap3A_30, %swap3A_31, %swap3A_32], %swap3A_35 {strides = array<i32>} : memref<2x1000x128xf32, #tpu.memory_space<vmem>>, vector<1x1000x128xf32>,
    return
  }
  func.func @transform_0(%arg0: i32) -> (i32, i32) {
    %c0_i32 = arith.constant 0 : i32
    %c0_i32_0 = arith.constant 0 : i32
    return %arg0, %c0_i32 : i32, i32
  }
  func.func @transform_1(%arg0: i32) -> (i32, i32) {
    %c0_i32 = arith.constant 0 : i32
    %c0_i32_0 = arith.constant 0 : i32
    %c0_i32_1 = arith.constant 0 : i32
    return %c0_i32, %c0_i32_0 : i32, i32
  }
  func.func @transform_2(%arg0: i32) -> (i32, i32, i32) {
    %c0_i32 = arith.constant 0 : i32
    %c0_i32_0 = arith.constant 0 : i32
    %c0_i32_1 = arith.constant 0 : i32
    return %c0_i32, %arg0, %c0_i32_0 : i32, i32, i32
  }
  func.func @transform_3(%arg0: i32) -> (i32, i32, i32) {
    %c0_i32 = arith.constant 0 : i32
    %c0_i32_0 = arith.constant 0 : i32
    %c0_i32_1 = arith.constant 0 : i32
    return %c0_i32, %arg0, %c0_i32_0 : i32, i32, i32
  }
  func.func @transform_4(%arg0: i32) -> (i32, i32) {
    %c0_i32 = arith.constant 0 : i32
    %c0_i32_0 = arith.constant 0 : i32
    return %arg0, %c0_i32 : i32, i32
  }
}

module attributes {stable_mosaic.version = 14 : i64} {
  func.func @_tc_mid_body(%arg0: i32, %arg1: memref<2x1000x128xf32, #tpu.memory_space<vmem>>, %arg2: memref<2x1000x128xf32, #tpu.memory_space<vmem>>, %arg3: memref<1000x128xf32, #tpu.memory_space<vmem>>, %arg4: memref<1x256xf32, #tpu.memory_space<vmem>>, %arg5: memref<256x256xf32, #tpu.memory_space<vmem>>, %arg6: memref<2x1000x128xf32, #tpu.memory_space<vmem>>) attributes {dimension_semantics = [#tpu.dimension_semantics<arbitrary>], iteration_bounds = array<i64: 10>, scalar_prefetch = 0 : i64, scratch_operands = 0 : i64, tpu.core_type = #tpu.core_type<tc>, window_params = [{transform_indices = @transform_0, window_bounds = array<i64: 2, 1000, 128>}, {transform_indices = @transform_1, window_bounds = array<i64: 2, 1000, 128>}, {transform_indices = @transform_2, window_bounds = array<i64: 1000, 128>}, {pipeline_mode = #tpu.pipeline_mode<synchronous>, transform_indices = @transform_3, window_bounds = array<i64: 1, 256>}, {pipeline_mode = #tpu.pipeline_mode<synchronous>, transform_indices = @transform_4, window_bounds = array<i64: 256, 256>}, {transform_indices = @transform_5, window_bounds = array<i64: 2, 1000, 128>}]} {
    %get3A = arith.constant 0 : index
    %get3A_0 = arith.constant 0 : index
    %get3A_1 = vector.load %arg3[%get3A, %get3A_0] : memref<1000x128xf32, #tpu.memory_space<vmem>>, vector<1000x128xf32>
    %get3A_2 = arith.constant 0 : index
    %get3A_3 = arith.constant 0 : index
    %get3A_4 = arith.constant 0 : index
    %get3A_5 = vector.load %arg1[%get3A_2, %get3A_3, %get3A_4] : memref<2x1000x128xf32, #tpu.memory_space<vmem>>, vector<1x1000x128xf32>
    %get3A_6 = vector.shape_cast %get3A_5 : vector<1x1000x128xf32> to vector<1000x128xf32>
    %get3A_7 = arith.constant 0 : index
    %get3A_8 = arith.constant 0 : index
    %get3A_9 = arith.constant 0 : index
    %get3A_10 = vector.load %arg2[%get3A_7, %get3A_8, %get3A_9] : memref<2x1000x128xf32, #tpu.memory_space<vmem>>, vector<1x1000x128xf32>
    %get3A_11 = vector.shape_cast %get3A_10 : vector<1x1000x128xf32> to vector<1000x128xf32>
    %add3A = arith.addf %get3A_6, %get3A_11 : vector<1000x128xf32>
    %mul3A = arith.mulf %add3A, %get3A_1 : vector<1000x128xf32>
    %get3A_12 = arith.constant 0 : index
    %get3A_13 = arith.constant 0 : index
    %get3A_14 = vector.load %arg4[%get3A_12, %get3A_13] : memref<1x256xf32, #tpu.memory_space<vmem>>, vector<1x128xf32>
    %get3A_15 = vector.shape_cast %get3A_14 : vector<1x128xf32> to vector<128xf32>
    %broadcast_in_dim3A = vector.shape_cast %get3A_15 : vector<128xf32> to vector<1x128xf32>
    %add3A_16 = vector.broadcast %broadcast_in_dim3A : vector<1x128xf32> to vector<1000x128xf32>
    %add3A_17 = arith.addf %mul3A, %add3A_16 : vector<1000x128xf32>
    %max3A = arith.constant 0.000000e+00 : f32
    %max3A_18 = vector.broadcast %max3A : f32 to vector<1000x128xf32>
    %max3A_19 = arith.maximumf %add3A_17, %max3A_18 : vector<1000x128xf32>
    %get3A_20 = arith.constant 1 : index
    %get3A_21 = arith.constant 0 : index
    %get3A_22 = arith.constant 0 : index
    %get3A_23 = vector.load %arg1[%get3A_20, %get3A_21, %get3A_22] : memref<2x1000x128xf32, #tpu.memory_space<vmem>>, vector<1x1000x128xf32>
    %get3A_24 = vector.shape_cast %get3A_23 : vector<1x1000x128xf32> to vector<1000x128xf32>
    %get3A_25 = arith.constant 1 : index
    %get3A_26 = arith.constant 0 : index
    %get3A_27 = arith.constant 0 : index
    %get3A_28 = vector.load %arg2[%get3A_25, %get3A_26, %get3A_27] : memref<2x1000x128xf32, #tpu.memory_space<vmem>>, vector<1x1000x128xf32>
    %get3A_29 = vector.shape_cast %get3A_28 : vector<1x1000x128xf32> to vector<1000x128xf32>
    %add3A_30 = arith.addf %get3A_24, %get3A_29 : vector<1000x128xf32>
    %mul3A_31 = arith.mulf %add3A_30, %get3A_1 : vector<1000x128xf32>
    %get3A_32 = arith.constant 0 : index
    %get3A_33 = arith.constant 128 : index
    %get3A_34 = vector.load %arg4[%get3A_32, %get3A_33] : memref<1x256xf32, #tpu.memory_space<vmem>>, vector<1x128xf32>
    %get3A_35 = vector.shape_cast %get3A_34 : vector<1x128xf32> to vector<128xf32>
    %broadcast_in_dim3A_36 = vector.shape_cast %get3A_35 : vector<128xf32> to vector<1x128xf32>
    %add3A_37 = vector.broadcast %broadcast_in_dim3A_36 : vector<1x128xf32> to vector<1000x128xf32>
    %add3A_38 = arith.addf %mul3A_31, %add3A_37 : vector<1000x128xf32>
    %max3A_39 = arith.constant 0.000000e+00 : f32
    %max3A_40 = vector.broadcast %max3A_39 : f32 to vector<1000x128xf32>
    %max3A_41 = arith.maximumf %add3A_38, %max3A_40 : vector<1000x128xf32>
    %concatenate3A = tpu.concatenate %max3A_19, %max3A_41 in 1 : vector<1000x128xf32>, vector<1000x128xf32> -> vector<1000x256xf32>
    %get3A_42 = arith.constant 0 : index
    %get3A_43 = arith.constant 0 : index
    %get3A_44 = vector.load %arg5[%get3A_42, %get3A_43] : memref<256x256xf32, #tpu.memory_space<vmem>>, vector<256x256xf32>
    %dot_general3A = arith.constant dense<0.000000e+00> : vector<1000x256xf32>
    %dot_general3A_45 = tpu.matmul %concatenate3A, %get3A_44, %dot_general3A {dimension_numbers = #tpu.dot_dimension_numbers<[1], [0], [0], [1], [0, 0, 1, 1], [], []>, transpose_lhs_hint = false} : vector<1000x256xf32>, vector<256x256xf32>, vector<1000x256xf32> -> vector<1000x256xf32>
    %slice3A = vector.extract_strided_slice %get3A_1 {offsets = [0, 0], sizes = [1000, 1], strides = [1, 1]} : vector<1000x128xf32> to vector<1000x1xf32>
    %mul3A_46 = vector.broadcast %slice3A : vector<1000x1xf32> to vector<1000x256xf32>
    %mul3A_47 = arith.mulf %dot_general3A_45, %mul3A_46 : vector<1000x256xf32>
    %slice3A_48 = vector.extract_strided_slice %mul3A_47 {offsets = [0, 0], sizes = [1000, 128], strides = [1, 1]} : vector<1000x256xf32> to vector<1000x128xf32>
    %swap3A = arith.constant 0 : index
    %swap3A_49 = arith.constant 0 : index
    %swap3A_50 = arith.constant 0 : index
    %swap3A_51 = vector.load %arg6[%swap3A, %swap3A_49, %swap3A_50] : memref<2x1000x128xf32, #tpu.memory_space<vmem>>, vector<1x1000x128xf32>
    %swap3A_52 = vector.shape_cast %swap3A_51 : vector<1x1000x128xf32> to vector<1000x128xf32>
    %swap3A_53 = vector.shape_cast %slice3A_48 : vector<1000x128xf32> to vector<1x1000x128xf32>
    tpu.vector_store %arg6[%swap3A, %swap3A_49, %swap3A_50], %swap3A_53 {strides = array<i32>} : memref<2x1000x128xf32, #tpu.memory_space<vmem>>, vector<1x1000x128xf32>,
    %slice3A_54 = vector.extract_strided_slice %mul3A_47 {offsets = [0, 128], sizes = [1000, 128], strides = [1, 1]} : vector<1000x256xf32> to vector<1000x128xf32>
    %swap3A_55 = arith.constant 1 : index
    %swap3A_56 = arith.constant 0 : index
    %swap3A_57 = arith.constant 0 : index
    %swap3A_58 = vector.load %arg6[%swap3A_55, %swap3A_56, %swap3A_57] : memref<2x1000x128xf32, #tpu.memory_space<vmem>>, vector<1x1000x128xf32>
    %swap3A_59 = vector.shape_cast %swap3A_58 : vector<1x1000x128xf32> to vector<1000x128xf32>
    %swap3A_60 = vector.shape_cast %slice3A_54 : vector<1000x128xf32> to vector<1x1000x128xf32>
    tpu.vector_store %arg6[%swap3A_55, %swap3A_56, %swap3A_57], %swap3A_60 {strides = array<i32>} : memref<2x1000x128xf32, #tpu.memory_space<vmem>>, vector<1x1000x128xf32>,
    return
  }
  func.func @transform_0(%arg0: i32) -> (i32, i32, i32) {
    %c0_i32 = arith.constant 0 : i32
    %c0_i32_0 = arith.constant 0 : i32
    %c0_i32_1 = arith.constant 0 : i32
    return %c0_i32, %arg0, %c0_i32_0 : i32, i32, i32
  }
  func.func @transform_1(%arg0: i32) -> (i32, i32, i32) {
    %c0_i32 = arith.constant 0 : i32
    %c0_i32_0 = arith.constant 0 : i32
    %c0_i32_1 = arith.constant 0 : i32
    return %c0_i32, %arg0, %c0_i32_0 : i32, i32, i32
  }
  func.func @transform_2(%arg0: i32) -> (i32, i32) {
    %c0_i32 = arith.constant 0 : i32
    %c0_i32_0 = arith.constant 0 : i32
    return %arg0, %c0_i32 : i32, i32
  }
  func.func @transform_3(%arg0: i32) -> (i32, i32) {
    %c0_i32 = arith.constant 0 : i32
    %c0_i32_0 = arith.constant 0 : i32
    %c0_i32_1 = arith.constant 0 : i32
    return %c0_i32, %c0_i32_0 : i32, i32
  }
  func.func @transform_4(%arg0: i32) -> (i32, i32) {
    %c0_i32 = arith.constant 0 : i32
    %c0_i32_0 = arith.constant 0 : i32
    %c0_i32_1 = arith.constant 0 : i32
    return %c0_i32, %c0_i32_0 : i32, i32
  }
  func.func @transform_5(%arg0: i32) -> (i32, i32, i32) {
    %c0_i32 = arith.constant 0 : i32
    %c0_i32_0 = arith.constant 0 : i32
    %c0_i32_1 = arith.constant 0 : i32
    return %c0_i32, %arg0, %c0_i32_0 : i32, i32, i32
  }
}

module attributes {stable_mosaic.version = 14 : i64} {
  func.func @_tc_mid_body(%arg0: i32, %arg1: memref<2x1000x128xf32, #tpu.memory_space<vmem>>, %arg2: memref<2x1000x128xf32, #tpu.memory_space<vmem>>, %arg3: memref<1000x128xf32, #tpu.memory_space<vmem>>, %arg4: memref<1x256xf32, #tpu.memory_space<vmem>>, %arg5: memref<256x64xf32, #tpu.memory_space<vmem>>, %arg6: memref<1000x64xf32, #tpu.memory_space<vmem>>) attributes {dimension_semantics = [#tpu.dimension_semantics<arbitrary>], iteration_bounds = array<i64: 10>, scalar_prefetch = 0 : i64, scratch_operands = 0 : i64, tpu.core_type = #tpu.core_type<tc>, window_params = [{transform_indices = @transform_0, window_bounds = array<i64: 2, 1000, 128>}, {transform_indices = @transform_1, window_bounds = array<i64: 2, 1000, 128>}, {transform_indices = @transform_2, window_bounds = array<i64: 1000, 128>}, {pipeline_mode = #tpu.pipeline_mode<synchronous>, transform_indices = @transform_3, window_bounds = array<i64: 1, 256>}, {pipeline_mode = #tpu.pipeline_mode<synchronous>, transform_indices = @transform_4, window_bounds = array<i64: 256, 64>}, {transform_indices = @transform_5, window_bounds = array<i64: 1000, 64>}]} {
    %get3A = arith.constant 0 : index
    %get3A_0 = arith.constant 0 : index
    %get3A_1 = vector.load %arg3[%get3A, %get3A_0] : memref<1000x128xf32, #tpu.memory_space<vmem>>, vector<1000x128xf32>
    %get3A_2 = arith.constant 0 : index
    %get3A_3 = arith.constant 0 : index
    %get3A_4 = arith.constant 0 : index
    %get3A_5 = vector.load %arg1[%get3A_2, %get3A_3, %get3A_4] : memref<2x1000x128xf32, #tpu.memory_space<vmem>>, vector<1x1000x128xf32>
    %get3A_6 = vector.shape_cast %get3A_5 : vector<1x1000x128xf32> to vector<1000x128xf32>
    %get3A_7 = arith.constant 0 : index
    %get3A_8 = arith.constant 0 : index
    %get3A_9 = arith.constant 0 : index
    %get3A_10 = vector.load %arg2[%get3A_7, %get3A_8, %get3A_9] : memref<2x1000x128xf32, #tpu.memory_space<vmem>>, vector<1x1000x128xf32>
    %get3A_11 = vector.shape_cast %get3A_10 : vector<1x1000x128xf32> to vector<1000x128xf32>
    %add3A = arith.addf %get3A_6, %get3A_11 : vector<1000x128xf32>
    %mul3A = arith.mulf %add3A, %get3A_1 : vector<1000x128xf32>
    %get3A_12 = arith.constant 0 : index
    %get3A_13 = arith.constant 0 : index
    %get3A_14 = vector.load %arg4[%get3A_12, %get3A_13] : memref<1x256xf32, #tpu.memory_space<vmem>>, vector<1x128xf32>
    %get3A_15 = vector.shape_cast %get3A_14 : vector<1x128xf32> to vector<128xf32>
    %broadcast_in_dim3A = vector.shape_cast %get3A_15 : vector<128xf32> to vector<1x128xf32>
    %add3A_16 = vector.broadcast %broadcast_in_dim3A : vector<1x128xf32> to vector<1000x128xf32>
    %add3A_17 = arith.addf %mul3A, %add3A_16 : vector<1000x128xf32>
    %max3A = arith.constant 0.000000e+00 : f32
    %max3A_18 = vector.broadcast %max3A : f32 to vector<1000x128xf32>
    %max3A_19 = arith.maximumf %add3A_17, %max3A_18 : vector<1000x128xf32>
    %get3A_20 = arith.constant 1 : index
    %get3A_21 = arith.constant 0 : index
    %get3A_22 = arith.constant 0 : index
    %get3A_23 = vector.load %arg1[%get3A_20, %get3A_21, %get3A_22] : memref<2x1000x128xf32, #tpu.memory_space<vmem>>, vector<1x1000x128xf32>
    %get3A_24 = vector.shape_cast %get3A_23 : vector<1x1000x128xf32> to vector<1000x128xf32>
    %get3A_25 = arith.constant 1 : index
    %get3A_26 = arith.constant 0 : index
    %get3A_27 = arith.constant 0 : index
    %get3A_28 = vector.load %arg2[%get3A_25, %get3A_26, %get3A_27] : memref<2x1000x128xf32, #tpu.memory_space<vmem>>, vector<1x1000x128xf32>
    %get3A_29 = vector.shape_cast %get3A_28 : vector<1x1000x128xf32> to vector<1000x128xf32>
    %add3A_30 = arith.addf %get3A_24, %get3A_29 : vector<1000x128xf32>
    %mul3A_31 = arith.mulf %add3A_30, %get3A_1 : vector<1000x128xf32>
    %get3A_32 = arith.constant 0 : index
    %get3A_33 = arith.constant 128 : index
    %get3A_34 = vector.load %arg4[%get3A_32, %get3A_33] : memref<1x256xf32, #tpu.memory_space<vmem>>, vector<1x128xf32>
    %get3A_35 = vector.shape_cast %get3A_34 : vector<1x128xf32> to vector<128xf32>
    %broadcast_in_dim3A_36 = vector.shape_cast %get3A_35 : vector<128xf32> to vector<1x128xf32>
    %add3A_37 = vector.broadcast %broadcast_in_dim3A_36 : vector<1x128xf32> to vector<1000x128xf32>
    %add3A_38 = arith.addf %mul3A_31, %add3A_37 : vector<1000x128xf32>
    %max3A_39 = arith.constant 0.000000e+00 : f32
    %max3A_40 = vector.broadcast %max3A_39 : f32 to vector<1000x128xf32>
    %max3A_41 = arith.maximumf %add3A_38, %max3A_40 : vector<1000x128xf32>
    %concatenate3A = tpu.concatenate %max3A_19, %max3A_41 in 1 : vector<1000x128xf32>, vector<1000x128xf32> -> vector<1000x256xf32>
    %get3A_42 = arith.constant 0 : index
    %get3A_43 = arith.constant 0 : index
    %get3A_44 = vector.load %arg5[%get3A_42, %get3A_43] : memref<256x64xf32, #tpu.memory_space<vmem>>, vector<256x64xf32>
    %dot_general3A = arith.constant dense<0.000000e+00> : vector<1000x64xf32>
    %dot_general3A_45 = tpu.matmul %concatenate3A, %get3A_44, %dot_general3A {dimension_numbers = #tpu.dot_dimension_numbers<[1], [0], [0], [1], [0, 0, 1, 1], [], []>, transpose_lhs_hint = false} : vector<1000x256xf32>, vector<256x64xf32>, vector<1000x64xf32> -> vector<1000x64xf32>
    %slice3A = vector.extract_strided_slice %get3A_1 {offsets = [0, 0], sizes = [1000, 1], strides = [1, 1]} : vector<1000x128xf32> to vector<1000x1xf32>
    %mul3A_46 = vector.broadcast %slice3A : vector<1000x1xf32> to vector<1000x64xf32>
    %mul3A_47 = arith.mulf %dot_general3A_45, %mul3A_46 : vector<1000x64xf32>
    %swap3A = arith.constant 0 : index
    %swap3A_48 = arith.constant 0 : index
    %swap3A_49 = vector.load %arg6[%swap3A, %swap3A_48] : memref<1000x64xf32, #tpu.memory_space<vmem>>, vector<1000x64xf32>
    tpu.vector_store %arg6[%swap3A, %swap3A_48], %mul3A_47 {strides = array<i32>} : memref<1000x64xf32, #tpu.memory_space<vmem>>, vector<1000x64xf32>,
    return
  }
  func.func @transform_0(%arg0: i32) -> (i32, i32, i32) {
    %c0_i32 = arith.constant 0 : i32
    %c0_i32_0 = arith.constant 0 : i32
    %c0_i32_1 = arith.constant 0 : i32
    return %c0_i32, %arg0, %c0_i32_0 : i32, i32, i32
  }
  func.func @transform_1(%arg0: i32) -> (i32, i32, i32) {
    %c0_i32 = arith.constant 0 : i32
    %c0_i32_0 = arith.constant 0 : i32
    %c0_i32_1 = arith.constant 0 : i32
    return %c0_i32, %arg0, %c0_i32_0 : i32, i32, i32
  }
  func.func @transform_2(%arg0: i32) -> (i32, i32) {
    %c0_i32 = arith.constant 0 : i32
    %c0_i32_0 = arith.constant 0 : i32
    return %arg0, %c0_i32 : i32, i32
  }
  func.func @transform_3(%arg0: i32) -> (i32, i32) {
    %c0_i32 = arith.constant 0 : i32
    %c0_i32_0 = arith.constant 0 : i32
    %c0_i32_1 = arith.constant 0 : i32
    return %c0_i32, %c0_i32_0 : i32, i32
  }
  func.func @transform_4(%arg0: i32) -> (i32, i32) {
    %c0_i32 = arith.constant 0 : i32
    %c0_i32_0 = arith.constant 0 : i32
    %c0_i32_1 = arith.constant 0 : i32
    return %c0_i32, %c0_i32_0 : i32, i32
  }
  func.func @transform_5(%arg0: i32) -> (i32, i32) {
    %c0_i32 = arith.constant 0 : i32
    %c0_i32_0 = arith.constant 0 : i32
    return %arg0, %c0_i32 : i32, i32
  }
}

module attributes {stable_mosaic.version = 14 : i64} {
  func.func @_tc_out_body(%arg0: i32, %arg1: memref<2x1000x64xf32, #tpu.memory_space<vmem>>, %arg2: memref<1000x64xf32, #tpu.memory_space<vmem>>, %arg3: memref<1000x128xf32, #tpu.memory_space<vmem>>, %arg4: memref<1x64xf32, #tpu.memory_space<vmem>>, %arg5: memref<1000x64xf32, #tpu.memory_space<vmem>>) attributes {dimension_semantics = [#tpu.dimension_semantics<arbitrary>], iteration_bounds = array<i64: 10>, scalar_prefetch = 0 : i64, scratch_operands = 0 : i64, tpu.core_type = #tpu.core_type<tc>, window_params = [{transform_indices = @transform_0, window_bounds = array<i64: 2, 1000, 64>}, {transform_indices = @transform_1, window_bounds = array<i64: 1000, 64>}, {transform_indices = @transform_2, window_bounds = array<i64: 1000, 128>}, {pipeline_mode = #tpu.pipeline_mode<synchronous>, transform_indices = @transform_3, window_bounds = array<i64: 1, 64>}, {transform_indices = @transform_4, window_bounds = array<i64: 1000, 64>}]} {
    %get3A = arith.constant 0 : index
    %get3A_0 = arith.constant 0 : index
    %get3A_1 = arith.constant 0 : index
    %get3A_2 = vector.load %arg1[%get3A, %get3A_0, %get3A_1] : memref<2x1000x64xf32, #tpu.memory_space<vmem>>, vector<1x1000x64xf32>
    %get3A_3 = vector.shape_cast %get3A_2 : vector<1x1000x64xf32> to vector<1000x64xf32>
    %get3A_4 = arith.constant 1 : index
    %get3A_5 = arith.constant 0 : index
    %get3A_6 = arith.constant 0 : index
    %get3A_7 = vector.load %arg1[%get3A_4, %get3A_5, %get3A_6] : memref<2x1000x64xf32, #tpu.memory_space<vmem>>, vector<1x1000x64xf32>
    %get3A_8 = vector.shape_cast %get3A_7 : vector<1x1000x64xf32> to vector<1000x64xf32>
    %add3A = arith.addf %get3A_3, %get3A_8 : vector<1000x64xf32>
    %get3A_9 = arith.constant 0 : index
    %get3A_10 = arith.constant 0 : index
    %get3A_11 = vector.load %arg2[%get3A_9, %get3A_10] : memref<1000x64xf32, #tpu.memory_space<vmem>>, vector<1000x64xf32>
    %add3A_12 = arith.addf %add3A, %get3A_11 : vector<1000x64xf32>
    %get3A_13 = arith.constant 0 : index
    %get3A_14 = arith.constant 0 : index
    %get3A_15 = vector.load %arg3[%get3A_13, %get3A_14] : memref<1000x128xf32, #tpu.memory_space<vmem>>, vector<1000x1xf32>
    %mul3A = vector.broadcast %get3A_15 : vector<1000x1xf32> to vector<1000x64xf32>
    %mul3A_16 = arith.mulf %add3A_12, %mul3A : vector<1000x64xf32>
    %get3A_17 = arith.constant 0 : index
    %get3A_18 = arith.constant 0 : index
    %get3A_19 = vector.load %arg4[%get3A_17, %get3A_18] : memref<1x64xf32, #tpu.memory_space<vmem>>, vector<1x64xf32>
    %get3A_20 = vector.shape_cast %get3A_19 : vector<1x64xf32> to vector<64xf32>
    %broadcast_in_dim3A = vector.shape_cast %get3A_20 : vector<64xf32> to vector<1x64xf32>
    %add3A_21 = vector.broadcast %broadcast_in_dim3A : vector<1x64xf32> to vector<1000x64xf32>
    %add3A_22 = arith.addf %mul3A_16, %add3A_21 : vector<1000x64xf32>
    %swap3A = arith.constant 0 : index
    %swap3A_23 = arith.constant 0 : index
    %swap3A_24 = vector.load %arg5[%swap3A, %swap3A_23] : memref<1000x64xf32, #tpu.memory_space<vmem>>, vector<1000x64xf32>
    tpu.vector_store %arg5[%swap3A, %swap3A_23], %add3A_22 {strides = array<i32>} : memref<1000x64xf32, #tpu.memory_space<vmem>>, vector<1000x64xf32>,
    return
  }
  func.func @transform_0(%arg0: i32) -> (i32, i32, i32) {
    %c0_i32 = arith.constant 0 : i32
    %c0_i32_0 = arith.constant 0 : i32
    %c0_i32_1 = arith.constant 0 : i32
    return %c0_i32, %arg0, %c0_i32_0 : i32, i32, i32
  }
  func.func @transform_1(%arg0: i32) -> (i32, i32) {
    %c0_i32 = arith.constant 0 : i32
    %c0_i32_0 = arith.constant 0 : i32
    return %arg0, %c0_i32 : i32, i32
  }
  func.func @transform_2(%arg0: i32) -> (i32, i32) {
    %c0_i32 = arith.constant 0 : i32
    %c0_i32_0 = arith.constant 0 : i32
    return %arg0, %c0_i32 : i32, i32
  }
  func.func @transform_3(%arg0: i32) -> (i32, i32) {
    %c0_i32 = arith.constant 0 : i32
    %c0_i32_0 = arith.constant 0 : i32
    %c0_i32_1 = arith.constant 0 : i32
    return %c0_i32, %c0_i32_0 : i32, i32
  }
  func.func @transform_4(%arg0: i32) -> (i32, i32) {
    %c0_i32 = arith.constant 0 : i32
    %c0_i32_0 = arith.constant 0 : i32
    return %arg0, %c0_i32 : i32, i32
  }
}

</mosaic_0001>

<sc_bundles>
// kernel: kernel.10.cloned.1.call-start
scs
__scs_entry_jumppad:
0x0: {  	(pc) =	sbr.rel $0x88, $3  }
0x1: {  	(tag) =	ssettag $0x0;
	lr =	simm.s32 $0x1  }
0x2: {  	[smem:$0x3F99] =	sst lr;
	_ =	strace $0xD0000000  }
0x3: {  	_ = 	snop  }
0x4: {  	_ = 	snop  }
0x5: {  	_ = 	snop  }
0x6: {  	_ = 	snop  }
0x7: {  	_ = 	snop  }
__scs_overlays_trampoline_lowered:
0x8: {  	[smem:$0x3FA8] =	sst s0  }
0x9: {  	[smem:$0x3FA9] =	sst s1  }
0xa: {  	[smem:$0x3FAA] =	sst s2  }
0xb: {  	[smem:$0x3FAB] =	sst s3  }
0xc: {  	[smem:$0x3FAC] =	sst s4  }
0xd: {  	[smem:$0x3FAD] =	sst s5  }
0xe: {  	[smem:$0x3FAE] =	sst s6  }
0xf: {  	[smem:$0x3FAF] =	sst s7  }
0x10: {  	[smem:$0x3FB0] =	sst s8  }
0x11: {  	[smem:$0x3FB1] =	sst s9;
	s0 =	simm.s32 @!p0 $0x0  }
0x12: {  	s1 =	sld [smem:$0x3F97];
	s0 =	simm.s32 @p0 $0x1  }
0x13: {  	[smem:$0x3FB2] =	sst s0;
	s0 =	simm.s32 @!p1 $0x0  }
0x14: {  	s2 =	sld [smem:$0x3F96];
	s0 =	simm.s32 @p1 $0x1  }
0x15: {  	[smem:$0x3FB3] =	sst s0;
	s0 =	simm.s32 @!p2 $0x0  }
0x16: {  	s3 =	sld [smem:$0x3FDB];
	s0 =	simm.s32 @p2 $0x1  }
0x17: {  	s4 =	simm.s32 $0x1BF5;
	[smem:$0x3FB5] =	sst s0  }
0x18: {  	s0 =	sld [smem:$0x3F98];
	_ =	swait.ge [sflag:s4], $0x0  }
0x19: {  	s7 =	sld [smem:$0x3F99]  }
0x1a: {  	s8 =	sadd.s32 $0xFFFFE003, lr  }
0x1b: {  	s9 =	sadd.s32 $0xFFFFFEF7, lr;
	s5 =	simm.s32 $0xFFFFFFFF;
	p2 =	slt.u32 s8, $0xFFFFF086  }
0x1c: {  	p1 =	slt.u32 s9, $0xF7A;
	s5 =	simm.s32 @!p2 $0x0  }
0x1d: {  	s5 =	simm.s32 @p1 $0x1;
	p0 =	seq.s32 s7, s2  }
0x1e: {  	s7 =	smul.u32 @!p0 $0xF7A, s2;
	p2 =	seq.s32 @!p0 s5, $0x0  }
0x1f: {  	s9 =	smul.u32 $0xF7A, s1;
	s8 =	simm.s32 @!p0 $0x1BF5;
	p2 =	por !p2, p0  }
0x20: {  	[sflag:s8] =	ssyncset.s32 @!p0 $0xFFFFF086;
	s6 =	sadd.s32 @!p0 s3, s7;
	s7 =	simm.s32 @!p0 $0x108  }
0x21: {  	s3 =	sadd.s32 s3, s9;
	s6 =	sadd.s32 @!p0 $0x88, s6;
	s7 =	simm.s32 @p2 $0x1082  }
0x22: {  	[simem:s7], [sflag:s8] =	dma.local @!p0 [hbm:s6], $0xF7A  }
0x23: {  	s9 =	sor.u32 $0xD0000000, s2;
	s6 =	simm.s32 $0x108;
	_ =	swait.ge @!p0 [sflag:s8], $0x0  }
0x24: {  	s3 =	sadd.s32 $0x88, s3;
	s6 =	simm.s32 @!p1 $0x1082;
	[sflag:s4] =	ssyncset.s32 $0xFFFFF086  }
0x25: {  	[simem:s6], [sflag:s4] =	dma.local [hbm:s3], $0xF7A  }
0x26: {  	[smem:$0x3F99] =	sst s1;
	(tag) =	ssettag s2;
	_ =	strace s9  }
0x27: {  	s1 =	sld [smem:$0x3FA9]  }
0x28: {  	s2 =	sld [smem:$0x3FAA]  }
0x29: {  	s4 =	sld [smem:$0x3FAC]  }
0x2a: {  	p0 =	seq.s32 s5, $0x0;
	s5 =	sld [smem:$0x3FAD]  }
0x2b: {  	s6 =	sld [smem:$0x3FAE]  }
0x2c: {  	s7 =	sld [smem:$0x3FAF]  }
0x2d: {  	s3 =	simm.s32 $0x108;
	s8 =	sld [smem:$0x3FB0]  }
0x2e: {  	s3 =	simm.s32 @!p0 $0x1082;
	s9 =	sld [smem:$0x3FB1]  }
0x2f: {  	lr =	sadd.s32 s0, s3;
	s0 =	sld [smem:$0x3FA8]  }
0x30: {  	s3 =	sld [smem:$0x3FAB]  }
0x31: {  	[smem:$0x3FB4] =	sst s10  }
0x32: {  	s10 =	sld [smem:$0x3FB2];
	_ =	sdelay $0x3  }
0x33: {  	p0 =	seq.s32 s10, $0x1;
	s10 =	sld [smem:$0x3FB4];
	_ =	sdelay $0x3  }
0x34: {  	[smem:$0x3FB4] =	sst s10  }
0x35: {  	s10 =	sld [smem:$0x3FB3];
	_ =	sdelay $0x3  }
0x36: {  	p1 =	seq.s32 s10, $0x1;
	s10 =	sld [smem:$0x3FB4];
	_ =	sdelay $0x3  }
0x37: {  	[smem:$0x3FB4] =	sst s10  }
0x38: {  	s10 =	sld [smem:$0x3FB5]  }
0x39: {  	_ = 	snop;
	(pc) =	sbr.ind lr, $3  }
0x3a: {  	_ = 	snop  }
0x3b: {  	_ = 	snop  }
0x3c: {  	p2 =	seq.s32 s10, $0x1;
	s10 =	sld [smem:$0x3FB4]  }
0x3d: {  	_ =	shalt  }
0x3e: {  	_ =	shalt  }
0x3f: {  	_ =	shalt  }
0x40: {  	_ =	shalt  }
0x41: {  	_ =	shalt  }
0x42: {  	_ =	shalt  }
0x43: {  	_ =	shalt  }
0x44: {  	_ =	shalt  }
0x45: {  	_ =	shalt  }
0x46: {  	_ =	shalt  }
0x47: {  	_ =	shalt  }
0x48: {  	_ =	shalt  }
0x49: {  	_ =	shalt  }
0x4a: {  	_ =	shalt  }
0x4b: {  	_ =	shalt  }
0x4c: {  	_ =	shalt  }
0x4d: {  	_ =	shalt  }
0x4e: {  	_ =	shalt  }
0x4f: {  	_ =	shalt  }
0x50: {  	_ =	shalt  }
0x51: {  	_ =	shalt  }
0x52: {  	_ =	shalt  }
0x53: {  	_ =	shalt  }
0x54: {  	_ =	shalt  }
0x55: {  	_ =	shalt  }
0x56: {  	_ =	shalt  }
0x57: {  	_ =	shalt  }
0x58: {  	_ =	shalt  }
0x59: {  	_ =	shalt  }
0x5a: {  	_ =	shalt  }
0x5b: {  	_ =	shalt  }
0x5c: {  	_ =	shalt  }
0x5d: {  	_ =	shalt  }
0x5e: {  	_ =	shalt  }
0x5f: {  	_ =	shalt  }
0x60: {  	_ =	shalt  }
0x61: {  	_ =	shalt  }
0x62: {  	_ =	shalt  }
0x63: {  	_ =	shalt  }
0x64: {  	_ =	shalt  }
0x65: {  	_ =	shalt  }
0x66: {  	_ =	shalt  }
0x67: {  	_ =	shalt  }
0x68: {  	_ =	shalt  }
0x69: {  	_ =	shalt  }
0x6a: {  	_ =	shalt  }
0x6b: {  	_ =	shalt  }
0x6c: {  	_ =	shalt  }
0x6d: {  	_ =	shalt  }
0x6e: {  	_ =	shalt  }
0x6f: {  	_ =	shalt  }
0x70: {  	_ =	shalt  }
0x71: {  	_ =	shalt  }
0x72: {  	_ =	shalt  }
0x73: {  	_ =	shalt  }
0x74: {  	_ =	shalt  }
0x75: {  	_ =	shalt  }
0x76: {  	_ =	shalt  }
0x77: {  	_ =	shalt  }
0x78: {  	_ =	shalt  }
0x79: {  	_ =	shalt  }
0x7a: {  	_ =	shalt  }
0x7b: {  	_ =	shalt  }
0x7c: {  	_ =	shalt  }
0x7d: {  	_ =	shalt  }
0x7e: {  	_ =	shalt  }
0x7f: {  	_ =	shalt  }
0x80: {  	_ =	shalt  }
0x81: {  	_ =	shalt  }
0x82: {  	_ =	shalt  }
0x83: {  	_ =	shalt  }
0x84: {  	_ =	shalt  }
0x85: {  	_ =	shalt  }
0x86: {  	_ =	shalt  }
0x87: {  	_ =	shalt  }
.Lfunc_end0:
.L_simem_size_0:
called_computation_lowered:
.L_overlay_start_0:
0x88: {  	s2 =	sld [smem:$0x3FD9]  }
0x89: {  	s3 =	sld [smem:$0x3FFE];
	_ =	sdelay $0x1  }
0x8a: {  	s1 =	srdreg.scid  }
0x8b: {  	s0 =	sand.u32 $0x1, s1  }
0x8c: {  	s16 =	sshll.u32 s0, $0xA;
	s2 =	sadd.s32 s3, s2  }
0x8d: {  	s2 =	sadd.s32 s2, s16  }
0x8e: {  	[smem:$0x3FC0] =	sst s2  }
0x8f: {  	_ = 	snop  }
0x90: {  	(tm) =	ssettm $0x1  }
0x91: {  	s17 =	sld [smem:$0x3FFB];
	_ =	sdelay $0x3  }
0x92: {  	_ =	strace s17  }
0x93: {  	s2 =	sld [smem:$0x3FFC];
	_ =	sdelay $0x3  }
0x94: {  	_ =	strace s2  }
0x95: {  	s2 =	sld [smem:$0x3FFD];
	_ =	sdelay $0x3  }
0x96: {  	_ =	strace s2  }
0x97: {  	_ =	strace $0x8FFFFFFF  }
0x98: {  	s18 =	sld [smem:$0x3FDB];
	_ =	sdelay $0x1  }
0x99: {  	s19 =	simm.s32 $_scs_section_size  }
0x9a: {  	s4 =	simm.s32 $_size__tile_overlayer_lowered;
	s5 =	simm.s32 $_tile_overlayer_lowered  }
0x9b: {  	s22 =	simm.s32 $0x1BFF;
	s21 =	sshll.u32 s5, $0x1;
	s2 =	sadd.s32 s19, s18  }
0x9c: {  	s6 =	simm.s32 $0x0;
	s20 =	sshll.u32 s4, $0x1;
	s4 =	sadd.s32 s21, s2  }
0x9d: {  	[timem:s6], [sflag:s22] =	dma.local [hbm:s4], s20  }
0x9e: {  	_ =	swait.ge [sflag:s22], s20  }
0x9f: {  	s3 =	ssub.s32 $0x0, s20;
	[sflag:s22] =	ssyncset.done $0x0  }
0xa0: {  	[sflag:s22] =	ssyncadd.s32 s3;
	_ =	sdelay $0x1  }
0xa1: {  	s23 =	simm.s32 $0x1B8B  }
0xa2: {  	_ =	swait.ge [sflag:s23], $0x1  }
0xa3: {  	[sflag:s23] =	ssyncset.done $0x0  }
0xa4: {  	s25 =	simm.s32 $0x1B8E;
	s24 =	sld [smem:$0x3FFE];
	[sflag:s23] =	ssyncadd.s32 $0xFFFFFFFF  }
0xa5: {  	s26 =	simm.s32 $execute0_lowered;
	[smem:$0x3FD2] =	sst s25  }
0xa6: {  	s4 =	sshll.u32 s26, $0x1;
	_ =	strace $0x80000046;
	[dreg:$0x1] =	wrdreg $0xFFFFFFFF  }
0xa7: {  	s28 =	simm.s32 $_size_execute0_lowered;
	s2 =	sadd.s32 s2, s4;
	[dreg:$0x0] =	wrdreg $0x0  }
0xa8: {  	s4 =	sshll.u32 s28, $0x1;
	[dreg:$0x2] =	wrdreg s2  }
0xa9: {  	[dreg:$0x3] =	wrdreg s4  }
0xaa: {  	[dreg:$0x4] =	wrdreg $0xC0  }
0xab: {  	_ =	task [dreg:s6], $0x5FFFF  }
0xac: {  	[dreg:$0x1] =	wrdreg $0xFFFFFFFF  }
0xad: {  	[dreg:$0x0] =	wrdreg $0x60  }
0xae: {  	[dreg:$0x2] =	wrdreg s24  }
0xaf: {  	[dreg:$0x3] =	wrdreg $0x8C000  }
0xb0: {  	[dreg:$0x4] =	wrdreg $0x9  }
0xb1: {  	_ =	task.clear_ibuf [dreg:s6], $0x5FFFF;
	_ =	strace $0x90000046  }
0xb2: {  	s29 =	simm.s32 $0x9;
	_ =	strace $0x80000048  }
0xb3: {  	_ =	swait.ge [sflag:s29], $0x1  }
0xb4: {  	[sflag:s29] =	ssyncadd.s32 $0xFFFFFFFF  }
0xb5: {  	_ =	strace $0x90000048  }
0xb6: {  	_ =	sfence  }
0xb7: {  	s30 =	sld [smem:$0x0];
	_ =	sdelay $0x2  }
0xb8: {  	s31 =	sshll.u32 s1, $0xD;
	s1 =	sshrl.u32 s1, $0x2  }
0xb9: {  	s3 =	sand.u32 $0x4000, s31;
	s1 =	sadd.s32 s1, s30  }
0xba: {  	s0 =	sor.u32 s3, s0;
	s1 =	sshll.u32 s1, $0x11  }
0xbb: {  	s0 =	sor.u32 s1, s0  }
0xbc: {  	s0 =	sadd.s32 $0x8F2B, s0  }
0xbd: {  	[sflag:s0] =	ssyncadd.remote.s32 $0x1  }
0xbe: {  	_ =	sfence.sel $0xFFFF  }
0xbf: {  	[dreg:$0x0] =	wrdreg $0xFFFFFFFF;
	(pc) =	sbr.abs _section_cstart, $3  }
0xc0: {  	[dreg:$0x1] =	wrdreg $0xFFFFFFFF  }
0xc1: {  	_ =	task.clear_ibuf [dreg:s6], $0x2FFFF;
	_ =	strace $0x9FFFFFFF  }
0xc2: {  	(tm) =	ssettm $0x7FFFFFFF  }
0xc3: {  	_ =	shalt  }
tec
execute0_lowered:
.L_overlay_start_1:
0x0: {  	(tag) =	ssettag $0x1  }
0x1: {  	s0 =	srdreg.scid  }
0x2: {  	s15 =	stileid.u32;
	s4 =	rddreg [dreg:$0x0]  }
0x3: {  	s21 =	rddreg [dreg:$0x1];
	s2 =	simm.s32 $0x0;
	s24 =	simm.s32 $0x1  }
0x4: {  	s28 =	simm.s32 $0x3C00;
	s29 =	simm.s32 $0x6400;
	s6 =	smul.u32 $0x2800, s15  }
0x5: {  	s30 =	simm.s32 $0x0;
	s0 =	sand.u32 $0x1, s0;
	s7 =	smul.u32 $0xA00, s15  }
0x6: {  	s1 =	sshll.u32 s15, $0x1;
	[smem:$0x7FF] =	sst s2;
	s31 =	smul.u32 $0xA000, s15  }
0x7: {  	s3 =	sadd.s32 $0x7A00, s4;
	s1 =	sor.u32 s0, s1;
	s5 =	smul.u32 $0x28000, s0  }
0x8: {  	_ =	strace $0x80000047;
	s0 =	ssub.s32 $0x2, s0;
	s1 =	smul.u32 $0x280, s1  }
0x9: {  	s25 =	sshrl.u32 s7, $0x2;
	s26 =	sshrl.u32 s0, $0x1;
	s5 =	sadd.s32 s6, s5  }
0xa: {  	s0 =	ssub.s32 s0, s26;
	s26 =	simm.s32 $0x3980;
	s5 =	sshrl.u32 s5, $0x3  }
0xb: {  	s1 =	sadd.s32 s1, s4;
	s23 =	smax.u32 s0, $0x1;
	s22 =	sadd.s32 s5, s4  }
0xc: {  	s4 =	sadd.s32 s25, s21;
	s5 =	sadd.s32 $0x2A00, s1;
	s1 =	sshrl.u32 s31, $0x2  }
0xd: {  	s25 =	simm.s32 $0x1400;
	s6 =	sadd.s32 $0x2800, s4;
	s7 =	sadd.s32 $0x5000, s4  }
0xe: {  	s8 =	sadd.s32 $0x7800, s4;
	s9 =	sadd.s32 $0xA000, s4;
	s10 =	sadd.s32 $0xC800, s4  }
0xf: {  	s11 =	sadd.s32 $0xF000, s4;
	s12 =	sadd.s32 $0x11800, s4;
	s13 =	sadd.s32 $0x14000, s4  }
0x10: {  	s14 =	sadd.s32 $0x16800, s4;
	s15 =	sadd.s32 $0x19000, s4;
	s16 =	sadd.s32 $0x1B800, s4  }
0x11: {  	s17 =	sadd.s32 $0x1E000, s4;
	s18 =	sadd.s32 $0x20800, s4;
	s19 =	sadd.s32 $0x23000, s4  }
0x12: {  	v0 =	vimm.f32 $1.000000000e+00;
	s20 =	sadd.s32 $0x25800, s4;
	s21 =	sadd.s32 s1, s21;
	s22 =	sadd.s32 $0x8000, s22  }
.LBB2_1:
0x13: {  	[tilespmem:s2], [sflag:$0x1] =	stream.linear.gather [hbm4b:s5+s2], $0x1400, $0x38;
	[tilespmem:$0xB400] =	vst v63  }
0x14: {  	_ =	swait.ge [sflag:s24], $0x1400  }
0x15: {  	[sflag:s24] =	ssyncset.done $0x0  }
0x16: {  	[sflag:s24] =	ssyncadd.s32 $0xFFFFEC00  }
0x17: {  	[tilespmem:s25], [sflag:$0x1] =	stream.linear.gather [hbm4b:s3+s2], $0x2800, $0x38;
	[tilespmem:$0xB400] =	vst v63  }
0x18: {  	_ =	swait.ge [sflag:s24], $0x2800  }
0x19: {  	[sflag:s24] =	ssyncset.done $0x0  }
0x1a: {  	s1 =	simm.s32 $0x0;
	s0 =	simm.s32 $0x40;
	[sflag:s24] =	ssyncadd.s32 $0xFFFFD800  }
.LBB2_2:
0x1b: {  	p0 =	sne.s32 s0, $0x4FC0;
	v1 =	vld [tilespmem:s1+$0x0];
	_ =	sdelay $0x3  }
.Ltmp0:
0x1c: {  	(pc) =	sbr.rel @p0 .LBB2_2-.Ltmp0, $2  }
0x1d: {  	_ =	sdelay $0x2  }
0x1e: {  	s1 =	sshra.s32 s0, $0x2;
	s0 =	sadd.s32 $0x40, s0;
	[tilespmem:v1+s25+$0x0] =	vst.idx.add.f32.msk $0xffff, v0  }
0x1f: {  	v1 =	vld [tilespmem:s1+$0x0];
	_ =	sdelay $0x7  }
0x20: {  	[tilespmem:v1+s25+$0x0] =	vst.idx.add.f32.msk $0xffff, v0  }
0x21: {  	[spmem:s4] =	stream.linear.scatter [tilespmem:s25], [sflag:$0x1], $0x280, $0x38;
	[tilespmem:$0xB400] =	vst v63  }
0x22: {  	_ =	swait.ge [sflag:s24], $0x280  }
0x23: {  	[sflag:s24] =	ssyncset.done $0x0  }
0x24: {  	s0 =	simm.s32 $0x1680;
	[sflag:s24] =	ssyncadd.s32 $0xFFFFFD80  }
0x25: {  	[spmem:s6] =	stream.linear.scatter [tilespmem:s0], [sflag:$0x1], $0x280, $0x38;
	[tilespmem:$0xB400] =	vst v63  }
0x26: {  	_ =	swait.ge [sflag:s24], $0x280  }
0x27: {  	[sflag:s24] =	ssyncset.done $0x0  }
0x28: {  	s1 =	simm.s32 $0x1900;
	[sflag:s24] =	ssyncadd.s32 $0xFFFFFD80  }
0x29: {  	[spmem:s7] =	stream.linear.scatter [tilespmem:s1], [sflag:$0x1], $0x280, $0x38;
	[tilespmem:$0xB400] =	vst v63  }
0x2a: {  	_ =	swait.ge [sflag:s24], $0x280  }
0x2b: {  	[sflag:s24] =	ssyncset.done $0x0  }
0x2c: {  	s1 =	simm.s32 $0x1B80;
	[sflag:s24] =	ssyncadd.s32 $0xFFFFFD80  }
0x2d: {  	[spmem:s8] =	stream.linear.scatter [tilespmem:s1], [sflag:$0x1], $0x280, $0x38;
	[tilespmem:$0xB400] =	vst v63  }
0x2e: {  	_ =	swait.ge [sflag:s24], $0x280  }
0x2f: {  	[sflag:s24] =	ssyncset.done $0x0  }
0x30: {  	s1 =	simm.s32 $0x1E00;
	[sflag:s24] =	ssyncadd.s32 $0xFFFFFD80  }
0x31: {  	[spmem:s9] =	stream.linear.scatter [tilespmem:s1], [sflag:$0x1], $0x280, $0x38;
	[tilespmem:$0xB400] =	vst v63  }
0x32: {  	_ =	swait.ge [sflag:s24], $0x280  }
0x33: {  	[sflag:s24] =	ssyncset.done $0x0  }
0x34: {  	s1 =	simm.s32 $0x2080;
	[sflag:s24] =	ssyncadd.s32 $0xFFFFFD80  }
0x35: {  	[spmem:s10] =	stream.linear.scatter [tilespmem:s1], [sflag:$0x1], $0x280, $0x38;
	[tilespmem:$0xB400] =	vst v63  }
0x36: {  	_ =	swait.ge [sflag:s24], $0x280  }
0x37: {  	[sflag:s24] =	ssyncset.done $0x0  }
0x38: {  	s1 =	simm.s32 $0x2300;
	[sflag:s24] =	ssyncadd.s32 $0xFFFFFD80  }
0x39: {  	[spmem:s11] =	stream.linear.scatter [tilespmem:s1], [sflag:$0x1], $0x280, $0x38;
	[tilespmem:$0xB400] =	vst v63  }
0x3a: {  	_ =	swait.ge [sflag:s24], $0x280  }
0x3b: {  	[sflag:s24] =	ssyncset.done $0x0  }
0x3c: {  	s1 =	simm.s32 $0x2580;
	[sflag:s24] =	ssyncadd.s32 $0xFFFFFD80  }
0x3d: {  	[spmem:s12] =	stream.linear.scatter [tilespmem:s1], [sflag:$0x1], $0x280, $0x38;
	[tilespmem:$0xB400] =	vst v63  }
0x3e: {  	_ =	swait.ge [sflag:s24], $0x280  }
0x3f: {  	[sflag:s24] =	ssyncset.done $0x0  }
0x40: {  	s1 =	simm.s32 $0x2800;
	[sflag:s24] =	ssyncadd.s32 $0xFFFFFD80  }
0x41: {  	[spmem:s13] =	stream.linear.scatter [tilespmem:s1], [sflag:$0x1], $0x280, $0x38;
	[tilespmem:$0xB400] =	vst v63  }
0x42: {  	_ =	swait.ge [sflag:s24], $0x280  }
0x43: {  	[sflag:s24] =	ssyncset.done $0x0  }
0x44: {  	s1 =	simm.s32 $0x2A80;
	[sflag:s24] =	ssyncadd.s32 $0xFFFFFD80  }
0x45: {  	[spmem:s14] =	stream.linear.scatter [tilespmem:s1], [sflag:$0x1], $0x280, $0x38;
	[tilespmem:$0xB400] =	vst v63  }
0x46: {  	_ =	swait.ge [sflag:s24], $0x280  }
0x47: {  	[sflag:s24] =	ssyncset.done $0x0  }
0x48: {  	s1 =	simm.s32 $0x2D00;
	[sflag:s24] =	ssyncadd.s32 $0xFFFFFD80  }
0x49: {  	[spmem:s15] =	stream.linear.scatter [tilespmem:s1], [sflag:$0x1], $0x280, $0x38;
	[tilespmem:$0xB400] =	vst v63  }
0x4a: {  	_ =	swait.ge [sflag:s24], $0x280  }
0x4b: {  	[sflag:s24] =	ssyncset.done $0x0  }
0x4c: {  	s1 =	simm.s32 $0x2F80;
	[sflag:s24] =	ssyncadd.s32 $0xFFFFFD80  }
0x4d: {  	[spmem:s16] =	stream.linear.scatter [tilespmem:s1], [sflag:$0x1], $0x280, $0x38;
	[tilespmem:$0xB400] =	vst v63  }
0x4e: {  	_ =	swait.ge [sflag:s24], $0x280  }
0x4f: {  	[sflag:s24] =	ssyncset.done $0x0  }
0x50: {  	s1 =	simm.s32 $0x3200;
	[sflag:s24] =	ssyncadd.s32 $0xFFFFFD80  }
0x51: {  	[spmem:s17] =	stream.linear.scatter [tilespmem:s1], [sflag:$0x1], $0x280, $0x38;
	[tilespmem:$0xB400] =	vst v63  }
0x52: {  	_ =	swait.ge [sflag:s24], $0x280  }
0x53: {  	[sflag:s24] =	ssyncset.done $0x0  }
0x54: {  	s1 =	simm.s32 $0x3480;
	[sflag:s24] =	ssyncadd.s32 $0xFFFFFD80  }
0x55: {  	[spmem:s18] =	stream.linear.scatter [tilespmem:s1], [sflag:$0x1], $0x280, $0x38;
	[tilespmem:$0xB400] =	vst v63  }
0x56: {  	_ =	swait.ge [sflag:s24], $0x280  }
0x57: {  	[sflag:s24] =	ssyncset.done $0x0  }
0x58: {  	s1 =	simm.s32 $0x3700;
	[sflag:s24] =	ssyncadd.s32 $0xFFFFFD80  }
0x59: {  	[spmem:s19] =	stream.linear.scatter [tilespmem:s1], [sflag:$0x1], $0x280, $0x38;
	[tilespmem:$0xB400] =	vst v63  }
0x5a: {  	_ =	swait.ge [sflag:s24], $0x280  }
0x5b: {  	[sflag:s24] =	ssyncset.done $0x0  }
0x5c: {  	[sflag:s24] =	ssyncadd.s32 $0xFFFFFD80  }
0x5d: {  	[spmem:s20] =	stream.linear.scatter [tilespmem:s26], [sflag:$0x1], $0x280, $0x38;
	[tilespmem:$0xB400] =	vst v63  }
0x5e: {  	_ =	swait.ge [sflag:s24], $0x280  }
0x5f: {  	[sflag:s24] =	ssyncset.done $0x0  }
0x60: {  	[sflag:s24] =	ssyncadd.s32 $0xFFFFFD80  }
0x61: {  	[bflag:$0x0] =	sbarrier.arrive $0xFFFF  }
0x62: {  	[tilespmem:s28], [sflag:$0x1] =	stream.linear.gather [spmem:s21], $0x2800, $0x38;
	[tilespmem:$0xB400] =	vst v63  }
0x63: {  	_ =	swait.ge [sflag:s24], $0x2800  }
0x64: {  	[sflag:s24] =	ssyncset.done $0x0  }
0x65: {  	s1 =	simm.s32 $0x1180;
	[sflag:s24] =	ssyncadd.s32 $0xFFFFD800  }
0x66: {  	v1 =	vld [tilespmem:s1+$0x2A80];
	_ =	sdelay $0x1  }
0x67: {  	v2 =	vld [tilespmem:s1+$0x2D00];
	_ =	sdelay $0x1  }
0x68: {  	v3 =	vld [tilespmem:s1+$0x2F80]  }
0x69: {  	v1 =	vadd.f32 $0.0e+00, v1  }
0x6a: {  	v4 =	vld [tilespmem:s1+$0x3200]  }
0x6b: {  	v1 =	vadd.f32 v2, v1  }
0x6c: {  	v2 =	vld [tilespmem:s1+$0x3480]  }
0x6d: {  	v1 =	vadd.f32 v3, v1  }
0x6e: {  	v3 =	vld [tilespmem:s1+$0x3700]  }
0x6f: {  	v1 =	vadd.f32 v4, v1  }
0x70: {  	v56 =	vld [tilespmem:s1+$0x3980]  }
0x71: {  	v1 =	vadd.f32 v2, v1  }
0x72: {  	v2 =	vld [tilespmem:s1+$0x3C00]  }
0x73: {  	v1 =	vadd.f32 v3, v1  }
0x74: {  	v3 =	vld [tilespmem:s1+$0x3E80]  }
0x75: {  	v1 =	vadd.f32 v56, v1  }
0x76: {  	v57 =	vld [tilespmem:s1+$0x4100]  }
0x77: {  	v1 =	vadd.f32 v2, v1  }
0x78: {  	v2 =	vld [tilespmem:s1+$0x4380]  }
0x79: {  	v1 =	vadd.f32 v3, v1  }
0x7a: {  	v3 =	vld [tilespmem:s1+$0x4600]  }
0x7b: {  	v1 =	vadd.f32 v57, v1  }
0x7c: {  	v58 =	vld [tilespmem:s1+$0x4880]  }
0x7d: {  	v1 =	vadd.f32 v2, v1  }
0x7e: {  	v2 =	vld [tilespmem:s1+$0x4B00]  }
0x7f: {  	v1 =	vadd.f32 v3, v1  }
0x80: {  	v3 =	vld [tilespmem:s1+$0x4D80]  }
0x81: {  	v1 =	vadd.f32 v58, v1  }
0x82: {  	v59 =	vld [tilespmem:s1+$0x5000]  }
0x83: {  	v1 =	vadd.f32 v2, v1;
	_ =	sdelay $0x1  }
0x84: {  	v1 =	vadd.f32 v3, v1;
	_ =	sdelay $0x1  }
0x85: {  	v1 =	vadd.f32 v59, v1;
	_ =	sdelay $0x1  }
0x86: {  	v2 =	vbroadcast v1, $0xF  }
0x87: {  	s31 =	simm.s32 $0x6480;
	v3 =	vbroadcast v1, $0xE  }
0x88: {  	v4 =	vbroadcast v1, $0xD;
	[tilespmem:s31+$0x70] =	vst v2  }
0x89: {  	v60 =	vbroadcast v1, $0xA;
	[tilespmem:s31+$0x60] =	vst v3  }
0x8a: {  	v61 =	vbroadcast v1, $0x7;
	[tilespmem:s31+$0x50] =	vst v4  }
0x8b: {  	v62 =	vbroadcast v1, $0x4;
	[tilespmem:s31+$0x20] =	vst v60  }
0x8c: {  	v63 =	vbroadcast v1, $0x1;
	[tilespmem:s31+$0xFFFFFFF0] =	vst v61  }
0x8d: {  	v2 =	vbroadcast v1, $0xC;
	[tilespmem:s31+$0xFFFFFFC0] =	vst v62  }
0x8e: {  	v3 =	vbroadcast v1, $0xB;
	[tilespmem:s31+$0xFFFFFF90] =	vst v63  }
0x8f: {  	[tilespmem:s31+$0x40] =	vst v2;
	v2 =	vbroadcast v1, $0x9  }
0x90: {  	[tilespmem:s31+$0x30] =	vst v3;
	v3 =	vbroadcast v1, $0x8  }
0x91: {  	[tilespmem:s31+$0x10] =	vst v2;
	v2 =	vbroadcast v1, $0x6  }
0x92: {  	[tilespmem:s31+$0x0] =	vst v3;
	v3 =	vbroadcast v1, $0x5  }
0x93: {  	[tilespmem:s31+$0xFFFFFFE0] =	vst v2;
	v2 =	vbroadcast v1, $0x3  }
0x94: {  	[tilespmem:s31+$0xFFFFFFD0] =	vst v3;
	v3 =	vbroadcast v1, $0x2  }
0x95: {  	v1 =	vbroadcast v1, $0x0;
	[tilespmem:s31+$0xFFFFFFB0] =	vst v2  }
0x96: {  	[tilespmem:s31+$0xFFFFFFA0] =	vst v3  }
0x97: {  	s0 =	simm.s32 $0x1190;
	s1 =	simm.s32 $0x4680;
	[tilespmem:s31+$0xFFFFFF80] =	vst v1  }
.LBB2_4:
0x98: {  	p0 =	sne.s32 s1, $0x4FC0;
	v1 =	vld [tilespmem:s0+$0x2A80]  }
0x99: {  	v2 =	vld [tilespmem:s0+$0x2D00]  }
0x9a: {  	v3 =	vld [tilespmem:s0+$0x2F80]  }
0x9b: {  	v4 =	vld [tilespmem:s0+$0x3200]  }
0x9c: {  	v5 =	vld [tilespmem:s0+$0x3480]  }
0x9d: {  	v1 =	vadd.f32 $0.0e+00, v1;
	v6 =	vld [tilespmem:s0+$0x3700]  }
0x9e: {  	v7 =	vld [tilespmem:s0+$0x3980]  }
0x9f: {  	v1 =	vadd.f32 v2, v1;
	v2 =	vld [tilespmem:s0+$0x3C00]  }
0xa0: {  	v8 =	vld [tilespmem:s0+$0x3E80]  }
0xa1: {  	v1 =	vadd.f32 v3, v1;
	v3 =	vld [tilespmem:s0+$0x4100]  }
0xa2: {  	v9 =	vld [tilespmem:s0+$0x4380]  }
0xa3: {  	v1 =	vadd.f32 v4, v1;
	v4 =	vld [tilespmem:s0+$0x4600]  }
0xa4: {  	v10 =	vld [tilespmem:s0+$0x4880]  }
0xa5: {  	v1 =	vadd.f32 v5, v1;
	v5 =	vld [tilespmem:s0+$0x4B00]  }
0xa6: {  	v11 =	vld [tilespmem:s0+$0x4D80]  }
0xa7: {  	v1 =	vadd.f32 v6, v1;
	v6 =	vld [tilespmem:s0+$0x5000];
	_ =	sdelay $0x1  }
0xa8: {  	v1 =	vadd.f32 v7, v1;
	_ =	sdelay $0x1  }
0xa9: {  	v1 =	vadd.f32 v2, v1;
	_ =	sdelay $0x1  }
0xaa: {  	v1 =	vadd.f32 v8, v1;
	_ =	sdelay $0x1  }
0xab: {  	v1 =	vadd.f32 v3, v1;
	_ =	sdelay $0x1  }
0xac: {  	v1 =	vadd.f32 v9, v1;
	_ =	sdelay $0x1  }
0xad: {  	v1 =	vadd.f32 v4, v1;
	_ =	sdelay $0x1  }
0xae: {  	v1 =	vadd.f32 v10, v1;
	_ =	sdelay $0x1  }
0xaf: {  	v1 =	vadd.f32 v5, v1;
	_ =	sdelay $0x1  }
0xb0: {  	v1 =	vadd.f32 v11, v1;
	_ =	sdelay $0x1  }
0xb1: {  	v1 =	vadd.f32 v6, v1;
	_ =	sdelay $0x1  }
0xb2: {  	v2 =	vbroadcast v1, $0xE;
	v3 =	vbroadcast v1, $0xF  }
0xb3: {  	s31 =	sadd.s32 $0x100, s31;
	v4 =	vbroadcast v1, $0xC;
	v5 =	vbroadcast v1, $0xD  }
0xb4: {  	v6 =	vbroadcast v1, $0xA;
	v7 =	vbroadcast v1, $0xB;
	[tilespmem:s31+$0x70] =	vst v3  }
0xb5: {  	v8 =	vbroadcast v1, $0x9;
	v3 =	vbroadcast v1, $0x8;
	[tilespmem:s31+$0x60] =	vst v2  }
0xb6: {  	v9 =	vbroadcast v1, $0x7;
	v2 =	vbroadcast v1, $0x6;
	[tilespmem:s31+$0x50] =	vst v5  }
0xb7: {  	v10 =	vbroadcast v1, $0x5;
	v5 =	vbroadcast v1, $0x4;
	[tilespmem:s31+$0x40] =	vst v4  }
0xb8: {  	v11 =	vbroadcast v1, $0x3;
	v4 =	vbroadcast v1, $0x2;
	[tilespmem:s31+$0x30] =	vst v7  }
0xb9: {  	v7 =	vbroadcast v1, $0x0;
	v1 =	vbroadcast v1, $0x1;
	[tilespmem:s31+$0x20] =	vst v6  }
0xba: {  	[tilespmem:s31+$0x10] =	vst v8  }
0xbb: {  	[tilespmem:s31+$0x0] =	vst v3  }
0xbc: {  	[tilespmem:s31+$0xFFFFFFF0] =	vst v9  }
0xbd: {  	[tilespmem:s31+$0xFFFFFFE0] =	vst v2  }
0xbe: {  	[tilespmem:s31+$0xFFFFFFD0] =	vst v10  }
.Ltmp1:
0xbf: {  	[tilespmem:s31+$0xFFFFFFC0] =	vst v5;
	(pc) =	sbr.rel @p0 .LBB2_4-.Ltmp1, $4  }
0xc0: {  	[tilespmem:s31+$0xFFFFFFB0] =	vst v11  }
0xc1: {  	[tilespmem:s31+$0xFFFFFFA0] =	vst v4  }
0xc2: {  	[tilespmem:s31+$0xFFFFFF90] =	vst v1  }
0xc3: {  	s0 =	sshra.s32 s1, $0x2;
	s1 =	sadd.s32 $0x40, s1;
	[tilespmem:s31+$0xFFFFFF80] =	vst v7  }
0xc4: {  	v1 =	vld [tilespmem:s0+$0x2A80];
	_ =	sdelay $0x1  }
0xc5: {  	v2 =	vld [tilespmem:s0+$0x2D00];
	_ =	sdelay $0x1  }
0xc6: {  	v3 =	vld [tilespmem:s0+$0x2F80]  }
0xc7: {  	v1 =	vadd.f32 $0.0e+00, v1  }
0xc8: {  	v4 =	vld [tilespmem:s0+$0x3200]  }
0xc9: {  	v1 =	vadd.f32 v2, v1  }
0xca: {  	v2 =	vld [tilespmem:s0+$0x3480]  }
0xcb: {  	v1 =	vadd.f32 v3, v1  }
0xcc: {  	v3 =	vld [tilespmem:s0+$0x3700]  }
0xcd: {  	v1 =	vadd.f32 v4, v1  }
0xce: {  	v56 =	vld [tilespmem:s0+$0x3980]  }
0xcf: {  	v1 =	vadd.f32 v2, v1  }
0xd0: {  	v2 =	vld [tilespmem:s0+$0x3C00]  }
0xd1: {  	v1 =	vadd.f32 v3, v1  }
0xd2: {  	v3 =	vld [tilespmem:s0+$0x3E80]  }
0xd3: {  	v1 =	vadd.f32 v56, v1  }
0xd4: {  	v57 =	vld [tilespmem:s0+$0x4100]  }
0xd5: {  	v1 =	vadd.f32 v2, v1  }
0xd6: {  	v2 =	vld [tilespmem:s0+$0x4380]  }
0xd7: {  	v1 =	vadd.f32 v3, v1  }
0xd8: {  	v3 =	vld [tilespmem:s0+$0x4600]  }
0xd9: {  	v1 =	vadd.f32 v57, v1  }
0xda: {  	v58 =	vld [tilespmem:s0+$0x4880]  }
0xdb: {  	v1 =	vadd.f32 v2, v1  }
0xdc: {  	v2 =	vld [tilespmem:s0+$0x4B00]  }
0xdd: {  	v1 =	vadd.f32 v3, v1  }
0xde: {  	v3 =	vld [tilespmem:s0+$0x4D80]  }
0xdf: {  	v1 =	vadd.f32 v58, v1  }
0xe0: {  	v59 =	vld [tilespmem:s0+$0x5000]  }
0xe1: {  	v1 =	vadd.f32 v2, v1;
	_ =	sdelay $0x1  }
0xe2: {  	v1 =	vadd.f32 v3, v1;
	_ =	sdelay $0x1  }
0xe3: {  	v1 =	vadd.f32 v59, v1;
	_ =	sdelay $0x1  }
0xe4: {  	v2 =	vbroadcast v1, $0xF  }
0xe5: {  	s31 =	sadd.s32 $0x100, s31;
	v3 =	vbroadcast v1, $0xE  }
0xe6: {  	v4 =	vbroadcast v1, $0xD;
	[tilespmem:s31+$0x70] =	vst v2  }
0xe7: {  	v60 =	vbroadcast v1, $0xA;
	[tilespmem:s31+$0x60] =	vst v3  }
0xe8: {  	v61 =	vbroadcast v1, $0x7;
	[tilespmem:s31+$0x50] =	vst v4  }
0xe9: {  	v62 =	vbroadcast v1, $0x4;
	[tilespmem:s31+$0x20] =	vst v60  }
0xea: {  	v63 =	vbroadcast v1, $0x1;
	[tilespmem:s31+$0xFFFFFFF0] =	vst v61  }
0xeb: {  	v2 =	vbroadcast v1, $0xC;
	[tilespmem:s31+$0xFFFFFFC0] =	vst v62  }
0xec: {  	v3 =	vbroadcast v1, $0xB;
	[tilespmem:s31+$0xFFFFFF90] =	vst v63  }
0xed: {  	[tilespmem:s31+$0x40] =	vst v2;
	v2 =	vbroadcast v1, $0x9  }
0xee: {  	[tilespmem:s31+$0x30] =	vst v3;
	v3 =	vbroadcast v1, $0x8  }
0xef: {  	[tilespmem:s31+$0x10] =	vst v2;
	v2 =	vbroadcast v1, $0x6  }
0xf0: {  	[tilespmem:s31+$0x0] =	vst v3;
	v3 =	vbroadcast v1, $0x5  }
0xf1: {  	[tilespmem:s31+$0xFFFFFFE0] =	vst v2;
	v2 =	vbroadcast v1, $0x3  }
0xf2: {  	[tilespmem:s31+$0xFFFFFFD0] =	vst v3;
	v3 =	vbroadcast v1, $0x2  }
0xf3: {  	s30 =	sadd.s32 $0x1, s30;
	v1 =	vbroadcast v1, $0x0;
	[tilespmem:s31+$0xFFFFFFB0] =	vst v2  }
0xf4: {  	p0 =	sne.s32 s30, s23;
	[tilespmem:s31+$0xFFFFFFA0] =	vst v3  }
.Ltmp2:
0xf5: {  	[tilespmem:s31+$0xFFFFFF80] =	vst v1;
	(pc) =	sbr.rel @p0 .LBB2_1-.Ltmp2, $4  }
0xf6: {  	[hbm4b:s22+s2] =	stream.linear.scatter [tilespmem:s29], [sflag:$0x1], $0x2800, $0x38;
	[tilespmem:$0xB400] =	vst v63  }
0xf7: {  	_ =	swait.ge [sflag:s24], $0x2800  }
0xf8: {  	[sflag:s24] =	ssyncset.done $0x0  }
0xf9: {  	[sflag:s24] =	ssyncadd.s32 $0xFFFFD800  }
0xfa: {  	_ =	sfence.sel $0x180000  }
0xfb: {  	[bflag:$0x0] =	sbarrier.arrive $0xFFFF  }
0xfc: {  	_ =	strace $0x90000047  }
0xfd: {  	s0 =	stileid.u32;
	[bflag:$0x2] =	sbarrier.arrive $0xFFFF  }
0xfe: {  	p0 =	sne.s32 s0, $0x0;
	s0 =	rddreg [dreg:$0x2]  }
0xff: {  	s0 =	sadd.s32 @!p0 $0x100000, s0  }
0x100: {  	[sflag:s0] =	ssyncadd.tile.s32 @!p0 $0x1;
	_ =	shalt  }
.Lfunc_end2:
_tile_overlayer_lowered:
.L_overlay_start_2:
0x101: {  	(tag) =	ssettag $0x2  }
0x102: {  	s0 =	rddreg [dreg:$0x0];
	s2 =	stileid.u32  }
0x103: {  	s1 =	rddreg [dreg:$0x1];
	p0 =	sne.s32 s2, $0x0  }
0x104: {  	s3 =	rddreg [dreg:$0x2];
	[bflag:$0x3] =	sbarrier.arrive $0xFFFF;
	s2 =	simm.s32 @!p0 $0x1C01  }
0x105: {  	[timem:s3], [sflag:s2] =	dma.local @!p0 [hbm:s0], s1  }
0x106: {  	s0 =	simm.s32 @!p0 $0x1  }
0x107: {  	_ =	swait.ge @!p0 [sflag:s0], s1  }
0x108: {  	s1 =	ssub.s32 @!p0 $0x0, s1;
	[sflag:s0] =	ssyncset.done @!p0 $0x0  }
0x109: {  	[sflag:s0] =	ssyncadd.s32 @!p0 s1  }
0x10a: {  	[bflag:$0x3] =	sbarrier.arrive $0xFFFF  }
0x10b: {  	_ =	shalt  }

// kernel: kernel.13.cloned.1.call-start
scs
__scs_entry_jumppad:
0x0: {  	(pc) =	sbr.rel $0x88, $3  }
0x1: {  	(tag) =	ssettag $0x0;
	lr =	simm.s32 $0x1  }
0x2: {  	[smem:$0x3F99] =	sst lr;
	_ =	strace $0xD0000000  }
0x3: {  	_ = 	snop  }
0x4: {  	_ = 	snop  }
0x5: {  	_ = 	snop  }
0x6: {  	_ = 	snop  }
0x7: {  	_ = 	snop  }
__scs_overlays_trampoline_lowered:
0x8: {  	[smem:$0x3FA8] =	sst s0  }
0x9: {  	[smem:$0x3FA9] =	sst s1  }
0xa: {  	[smem:$0x3FAA] =	sst s2  }
0xb: {  	[smem:$0x3FAB] =	sst s3  }
0xc: {  	[smem:$0x3FAC] =	sst s4  }
0xd: {  	[smem:$0x3FAD] =	sst s5  }
0xe: {  	[smem:$0x3FAE] =	sst s6  }
0xf: {  	[smem:$0x3FAF] =	sst s7  }
0x10: {  	[smem:$0x3FB0] =	sst s8  }
0x11: {  	[smem:$0x3FB1] =	sst s9;
	s0 =	simm.s32 @!p0 $0x0  }
0x12: {  	s1 =	sld [smem:$0x3F97];
	s0 =	simm.s32 @p0 $0x1  }
0x13: {  	[smem:$0x3FB2] =	sst s0;
	s0 =	simm.s32 @!p1 $0x0  }
0x14: {  	s2 =	sld [smem:$0x3F96];
	s0 =	simm.s32 @p1 $0x1  }
0x15: {  	[smem:$0x3FB3] =	sst s0;
	s0 =	simm.s32 @!p2 $0x0  }
0x16: {  	s3 =	sld [smem:$0x3FDB];
	s0 =	simm.s32 @p2 $0x1  }
0x17: {  	s4 =	simm.s32 $0x1BF5;
	[smem:$0x3FB5] =	sst s0  }
0x18: {  	s0 =	sld [smem:$0x3F98];
	_ =	swait.ge [sflag:s4], $0x0  }
0x19: {  	s7 =	sld [smem:$0x3F99]  }
0x1a: {  	s8 =	sadd.s32 $0xFFFFE003, lr  }
0x1b: {  	s9 =	sadd.s32 $0xFFFFFEF7, lr;
	s5 =	simm.s32 $0xFFFFFFFF;
	p2 =	slt.u32 s8, $0xFFFFF086  }
0x1c: {  	p1 =	slt.u32 s9, $0xF7A;
	s5 =	simm.s32 @!p2 $0x0  }
0x1d: {  	s5 =	simm.s32 @p1 $0x1;
	p0 =	seq.s32 s7, s2  }
0x1e: {  	s7 =	smul.u32 @!p0 $0xF7A, s2;
	p2 =	seq.s32 @!p0 s5, $0x0  }
0x1f: {  	s9 =	smul.u32 $0xF7A, s1;
	s8 =	simm.s32 @!p0 $0x1BF5;
	p2 =	por !p2, p0  }
0x20: {  	[sflag:s8] =	ssyncset.s32 @!p0 $0xFFFFF086;
	s6 =	sadd.s32 @!p0 s3, s7;
	s7 =	simm.s32 @!p0 $0x108  }
0x21: {  	s3 =	sadd.s32 s3, s9;
	s6 =	sadd.s32 @!p0 $0x88, s6;
	s7 =	simm.s32 @p2 $0x1082  }
0x22: {  	[simem:s7], [sflag:s8] =	dma.local @!p0 [hbm:s6], $0xF7A  }
0x23: {  	s9 =	sor.u32 $0xD0000000, s2;
	s6 =	simm.s32 $0x108;
	_ =	swait.ge @!p0 [sflag:s8], $0x0  }
0x24: {  	s3 =	sadd.s32 $0x88, s3;
	s6 =	simm.s32 @!p1 $0x1082;
	[sflag:s4] =	ssyncset.s32 $0xFFFFF086  }
0x25: {  	[simem:s6], [sflag:s4] =	dma.local [hbm:s3], $0xF7A  }
0x26: {  	[smem:$0x3F99] =	sst s1;
	(tag) =	ssettag s2;
	_ =	strace s9  }
0x27: {  	s1 =	sld [smem:$0x3FA9]  }
0x28: {  	s2 =	sld [smem:$0x3FAA]  }
0x29: {  	s4 =	sld [smem:$0x3FAC]  }
0x2a: {  	p0 =	seq.s32 s5, $0x0;
	s5 =	sld [smem:$0x3FAD]  }
0x2b: {  	s6 =	sld [smem:$0x3FAE]  }
0x2c: {  	s7 =	sld [smem:$0x3FAF]  }
0x2d: {  	s3 =	simm.s32 $0x108;
	s8 =	sld [smem:$0x3FB0]  }
0x2e: {  	s3 =	simm.s32 @!p0 $0x1082;
	s9 =	sld [smem:$0x3FB1]  }
0x2f: {  	lr =	sadd.s32 s0, s3;
	s0 =	sld [smem:$0x3FA8]  }
0x30: {  	s3 =	sld [smem:$0x3FAB]  }
0x31: {  	[smem:$0x3FB4] =	sst s10  }
0x32: {  	s10 =	sld [smem:$0x3FB2];
	_ =	sdelay $0x3  }
0x33: {  	p0 =	seq.s32 s10, $0x1;
	s10 =	sld [smem:$0x3FB4];
	_ =	sdelay $0x3  }
0x34: {  	[smem:$0x3FB4] =	sst s10  }
0x35: {  	s10 =	sld [smem:$0x3FB3];
	_ =	sdelay $0x3  }
0x36: {  	p1 =	seq.s32 s10, $0x1;
	s10 =	sld [smem:$0x3FB4];
	_ =	sdelay $0x3  }
0x37: {  	[smem:$0x3FB4] =	sst s10  }
0x38: {  	s10 =	sld [smem:$0x3FB5]  }
0x39: {  	_ = 	snop;
	(pc) =	sbr.ind lr, $3  }
0x3a: {  	_ = 	snop  }
0x3b: {  	_ = 	snop  }
0x3c: {  	p2 =	seq.s32 s10, $0x1;
	s10 =	sld [smem:$0x3FB4]  }
0x3d: {  	_ =	shalt  }
0x3e: {  	_ =	shalt  }
0x3f: {  	_ =	shalt  }
0x40: {  	_ =	shalt  }
0x41: {  	_ =	shalt  }
0x42: {  	_ =	shalt  }
0x43: {  	_ =	shalt  }
0x44: {  	_ =	shalt  }
0x45: {  	_ =	shalt  }
0x46: {  	_ =	shalt  }
0x47: {  	_ =	shalt  }
0x48: {  	_ =	shalt  }
0x49: {  	_ =	shalt  }
0x4a: {  	_ =	shalt  }
0x4b: {  	_ =	shalt  }
0x4c: {  	_ =	shalt  }
0x4d: {  	_ =	shalt  }
0x4e: {  	_ =	shalt  }
0x4f: {  	_ =	shalt  }
0x50: {  	_ =	shalt  }
0x51: {  	_ =	shalt  }
0x52: {  	_ =	shalt  }
0x53: {  	_ =	shalt  }
0x54: {  	_ =	shalt  }
0x55: {  	_ =	shalt  }
0x56: {  	_ =	shalt  }
0x57: {  	_ =	shalt  }
0x58: {  	_ =	shalt  }
0x59: {  	_ =	shalt  }
0x5a: {  	_ =	shalt  }
0x5b: {  	_ =	shalt  }
0x5c: {  	_ =	shalt  }
0x5d: {  	_ =	shalt  }
0x5e: {  	_ =	shalt  }
0x5f: {  	_ =	shalt  }
0x60: {  	_ =	shalt  }
0x61: {  	_ =	shalt  }
0x62: {  	_ =	shalt  }
0x63: {  	_ =	shalt  }
0x64: {  	_ =	shalt  }
0x65: {  	_ =	shalt  }
0x66: {  	_ =	shalt  }
0x67: {  	_ =	shalt  }
0x68: {  	_ =	shalt  }
0x69: {  	_ =	shalt  }
0x6a: {  	_ =	shalt  }
0x6b: {  	_ =	shalt  }
0x6c: {  	_ =	shalt  }
0x6d: {  	_ =	shalt  }
0x6e: {  	_ =	shalt  }
0x6f: {  	_ =	shalt  }
0x70: {  	_ =	shalt  }
0x71: {  	_ =	shalt  }
0x72: {  	_ =	shalt  }
0x73: {  	_ =	shalt  }
0x74: {  	_ =	shalt  }
0x75: {  	_ =	shalt  }
0x76: {  	_ =	shalt  }
0x77: {  	_ =	shalt  }
0x78: {  	_ =	shalt  }
0x79: {  	_ =	shalt  }
0x7a: {  	_ =	shalt  }
0x7b: {  	_ =	shalt  }
0x7c: {  	_ =	shalt  }
0x7d: {  	_ =	shalt  }
0x7e: {  	_ =	shalt  }
0x7f: {  	_ =	shalt  }
0x80: {  	_ =	shalt  }
0x81: {  	_ =	shalt  }
0x82: {  	_ =	shalt  }
0x83: {  	_ =	shalt  }
0x84: {  	_ =	shalt  }
0x85: {  	_ =	shalt  }
0x86: {  	_ =	shalt  }
0x87: {  	_ =	shalt  }
.Lfunc_end0:
.L_simem_size_0:
called_computation.1_lowered:
.L_overlay_start_0:
0x88: {  	s2 =	sld [smem:$0x3FD9]  }
0x89: {  	s3 =	sld [smem:$0x3FFE];
	_ =	sdelay $0x1  }
0x8a: {  	s1 =	srdreg.scid  }
0x8b: {  	s0 =	sand.u32 $0x1, s1  }
0x8c: {  	s17 =	sshll.u32 s0, $0xA;
	s2 =	sadd.s32 s3, s2  }
0x8d: {  	s2 =	sadd.s32 s2, s17  }
0x8e: {  	[smem:$0x3FC0] =	sst s2  }
0x8f: {  	_ = 	snop  }
0x90: {  	s2 =	sld [smem:$0x3FD0];
	(tm) =	ssettm $0x1  }
0x91: {  	s18 =	sld [smem:$0x3FFB];
	_ =	sdelay $0x3  }
0x92: {  	_ =	strace s18  }
0x93: {  	s3 =	sld [smem:$0x3FFC];
	_ =	sdelay $0x3  }
0x94: {  	_ =	strace s3  }
0x95: {  	s3 =	sld [smem:$0x3FFD];
	_ =	sdelay $0x3  }
0x96: {  	_ =	strace s3  }
0x97: {  	_ =	strace $0x8FFFFFFF  }
0x98: {  	s19 =	sld [smem:$0x3FDB];
	_ =	sdelay $0x1  }
0x99: {  	s4 =	simm.s32 $_scs_section_size  }
0x9a: {  	s5 =	simm.s32 $_size__tile_overlayer_lowered;
	s6 =	simm.s32 $_tile_overlayer_lowered  }
0x9b: {  	s22 =	simm.s32 $0x1BFF;
	s21 =	sshll.u32 s6, $0x1;
	s3 =	sadd.s32 s4, s19  }
0x9c: {  	s7 =	simm.s32 $0x0;
	s20 =	sshll.u32 s5, $0x1;
	s5 =	sadd.s32 s21, s3  }
0x9d: {  	[timem:s7], [sflag:s22] =	dma.local [hbm:s5], s20  }
0x9e: {  	_ =	swait.ge [sflag:s22], s20  }
0x9f: {  	s4 =	ssub.s32 $0x0, s20;
	[sflag:s22] =	ssyncset.done $0x0  }
0xa0: {  	[sflag:s22] =	ssyncadd.s32 s4;
	_ =	sdelay $0x1  }
0xa1: {  	s23 =	simm.s32 $0x1B8B  }
0xa2: {  	_ =	swait.ge [sflag:s23], $0x1  }
0xa3: {  	[sflag:s23] =	ssyncset.done $0x0  }
0xa4: {  	s25 =	simm.s32 $0x1B8E;
	s24 =	sld [smem:$0x3FFE];
	[sflag:s23] =	ssyncadd.s32 $0xFFFFFFFF  }
0xa5: {  	s26 =	simm.s32 $execute0_lowered;
	[smem:$0x3FD2] =	sst s25  }
0xa6: {  	s5 =	sshll.u32 s26, $0x1;
	_ =	strace $0x80000049;
	[dreg:$0x1] =	wrdreg $0xFFFFFFFF  }
0xa7: {  	s28 =	simm.s32 $_size_execute0_lowered;
	s3 =	sadd.s32 s3, s5;
	[dreg:$0x0] =	wrdreg $0x0  }
0xa8: {  	s5 =	sshll.u32 s28, $0x1;
	[dreg:$0x2] =	wrdreg s3  }
0xa9: {  	[dreg:$0x3] =	wrdreg s5  }
0xaa: {  	[dreg:$0x4] =	wrdreg $0xC0  }
0xab: {  	_ =	task [dreg:s7], $0x5FFFF  }
0xac: {  	[dreg:$0x1] =	wrdreg $0xFFFFFFFF  }
0xad: {  	[dreg:$0x0] =	wrdreg $0x60  }
0xae: {  	[dreg:$0x2] =	wrdreg s24  }
0xaf: {  	[dreg:$0x3] =	wrdreg s2  }
0xb0: {  	[dreg:$0x4] =	wrdreg $0x90000  }
0xb1: {  	[dreg:$0x5] =	wrdreg $0x9  }
0xb2: {  	_ =	task.clear_ibuf [dreg:s7], $0x6FFFF;
	_ =	strace $0x90000049  }
0xb3: {  	s29 =	simm.s32 $0x9;
	_ =	strace $0x8000004B  }
0xb4: {  	_ =	swait.ge [sflag:s29], $0x1  }
0xb5: {  	[sflag:s29] =	ssyncadd.s32 $0xFFFFFFFF  }
0xb6: {  	_ =	strace $0x9000004B  }
0xb7: {  	_ =	sfence  }
0xb8: {  	s30 =	sld [smem:$0x0];
	_ =	sdelay $0x2  }
0xb9: {  	s31 =	sshll.u32 s1, $0xD;
	s1 =	sshrl.u32 s1, $0x2  }
0xba: {  	s3 =	sand.u32 $0x4000, s31;
	s1 =	sadd.s32 s1, s30  }
0xbb: {  	s0 =	sor.u32 s3, s0;
	s1 =	sshll.u32 s1, $0x11  }
0xbc: {  	s0 =	sor.u32 s1, s0  }
0xbd: {  	s0 =	sadd.s32 $0x8F2B, s0  }
0xbe: {  	[sflag:s0] =	ssyncadd.remote.s32 $0x1  }
0xbf: {  	_ =	sfence.sel $0xFFFF  }
0xc0: {  	[dreg:$0x0] =	wrdreg $0xFFFFFFFF;
	(pc) =	sbr.abs _section_cstart, $3  }
0xc1: {  	[dreg:$0x1] =	wrdreg $0xFFFFFFFF  }
0xc2: {  	_ =	task.clear_ibuf [dreg:s7], $0x2FFFF;
	_ =	strace $0x9FFFFFFF  }
0xc3: {  	(tm) =	ssettm $0x7FFFFFFF  }
tec
execute0_lowered:
.L_overlay_start_1:
0x0: {  	(tag) =	ssettag $0x1  }
0x1: {  	s6 =	rddreg [dreg:$0x0]  }
0x2: {  	s7 =	rddreg [dreg:$0x1];
	s0 =	stileid.u32  }
0x3: {  	s1 =	srdreg.scid;
	s2 =	rddreg [dreg:$0x2]  }
0x4: {  	s3 =	simm.s32 $0x0;
	s14 =	simm.s32 $0x80;
	s8 =	smul.u32 $0x2800, s0  }
0x5: {  	s15 =	simm.s32 $0x5000;
	s16 =	simm.s32 $0x0;
	s10 =	smul.u32 $0x14000, s0  }
0x6: {  	s9 =	sand.u32 $0x1, s1;
	s1 =	rddreg [dreg:$0x3];
	s28 =	smul.u32 $0x50000, s0  }
0x7: {  	[smem:$0x7FF] =	sst s3;
	s4 =	sadd.s32 $0x17000, s6;
	s5 =	smul.u32 $0x140000, s9  }
0x8: {  	s31 =	sshll.u32 s0, $0x6;
	s12 =	smul.u32 $0x28000, s9;
	s9 =	ssub.s32 $0x2, s9  }
0x9: {  	_ =	strace $0x8000004A;
	s11 =	sshrl.u32 s8, $0x3;
	s29 =	sshrl.u32 s9, $0x1  }
0xa: {  	s30 =	sshrl.u32 s28, $0x2;
	s10 =	sadd.s32 s10, s5;
	s11 =	sadd.s32 s11, s6  }
0xb: {  	s5 =	sadd.s32 $0x7A00, s6;
	s8 =	sadd.s32 s8, s12;
	s9 =	ssub.s32 s9, s29  }
0xc: {  	s13 =	sadd.s32 s30, s2;
	s12 =	sor.u32 $0x1C01, s31;
	s10 =	sshrl.u32 s10, $0x3  }
0xd: {  	s8 =	sshrl.u32 s8, $0x3;
	s9 =	smax.u32 s9, $0x1;
	s13 =	sshrl.u32 s13, $0x3  }
0xe: {  	s10 =	sadd.s32 s10, s6;
	s6 =	sadd.s32 s7, s8;
	s7 =	sadd.s32 $0x2A00, s11  }
0xf: {  	s11 =	simm.s32 $0x2800;
	s8 =	sadd.s32 $0x65200, s10;
	s10 =	simm.s32 $0x1  }
.LBB2_1:
0x10: {  	[tilespmem:s3], [sflag:$0x1] =	stream.linear.gather [hbm4b:s6+s3], $0x2800, $0x38;
	[tilespmem:$0x1D000] =	vst v63  }
0x11: {  	_ =	swait.ge [sflag:s10], $0x2800  }
0x12: {  	[sflag:s10] =	ssyncset.done $0x0  }
0x13: {  	[sflag:s10] =	ssyncadd.s32 $0xFFFFD800  }
0x14: {  	[tilespmem:s11], [sflag:$0x1] =	stream.linear.gather [hbm4b:s7+s3], $0x2800, $0x38;
	[tilespmem:$0x1D000] =	vst v63  }
0x15: {  	_ =	swait.ge [sflag:s10], $0x2800  }
0x16: {  	[sflag:s10] =	ssyncset.done $0x0  }
0x17: {  	[sflag:s10] =	ssyncadd.s32 $0xFFFFD800  }
0x18: {  	[spmem:s13], [sflag:s12] =	dma.local [hbm:s5], $0x2800  }
0x19: {  	_ =	swait.ge [sflag:s10], $0x2800  }
0x1a: {  	[sflag:s10] =	ssyncset.done $0x0  }
0x1b: {  	[sflag:s10] =	ssyncadd.s32 $0xFFFFD800  }
0x1c: {  	s17 =	simm.s32 $0x0;
	[bflag:$0x0] =	sbarrier.arrive $0xFFFF  }
0x1d: {  	[tilespmem:s15], [sflag:$0x1] =	stream.indirect.gather [hbm4b:s4+s14], $0x80, s17, s14, $0xb8;
	[tilespmem:$0x1D000] =	vst v63  }
0x1e: {  	_ =	swait.ge [sflag:s10], $0x4000  }
0x1f: {  	[sflag:s10] =	ssyncset.done $0x0  }
0x20: {  	s31 =	simm.s32 $0x2800;
	[sflag:s10] =	ssyncadd.s32 $0xFFFFC000  }
0x21: {  	[spmem:s2] =	stream.indirect.scatter.add.f32 [tilespmem:s15], [sflag:$0x1], $0x80, s31, s14, $0xb8;
	[tilespmem:$0x1D000] =	vst v63  }
0x22: {  	_ =	swait.ge [sflag:s10], $0x4000  }
0x23: {  	s18 =	simm.s32 $0x400;
	s17 =	simm.s32 $0x200;
	[sflag:s10] =	ssyncset.done $0x0  }
.LBB2_2:
0x24: {  	s19 =	sshra.s32 s17, $0x2  }
0x25: {  	[sflag:s10] =	ssyncadd.s32 $0xFFFFC000;
	s17 =	smov.u32 s18;
	s20 =	sadd.s32 $0x200, s18  }
0x26: {  	[tilespmem:s15], [sflag:$0x1] =	stream.indirect.gather [hbm4b:s4+s14], $0x80, s19, s14, $0xb8;
	[tilespmem:$0x1D000] =	vst v63  }
0x27: {  	p0 =	sne.s32 s18, $0x9E00;
	_ =	swait.ge [sflag:s10], $0x4000  }
.Ltmp0:
0x28: {  	[sflag:s10] =	ssyncset.done $0x0;
	(pc) =	sbr.rel @p0 .LBB2_2-.Ltmp0, $4  }
0x29: {  	s18 =	sadd.s32 $0x2800, s19;
	[sflag:s10] =	ssyncadd.s32 $0xFFFFC000  }
0x2a: {  	[spmem:s2] =	stream.indirect.scatter.add.f32 [tilespmem:s15], [sflag:$0x1], $0x80, s18, s14, $0xb8;
	[tilespmem:$0x1D000] =	vst v63  }
0x2b: {  	_ =	swait.ge [sflag:s10], $0x4000  }
0x2c: {  	s18 =	smov.u32 s20;
	[sflag:s10] =	ssyncset.done $0x0  }
0x2d: {  	s17 =	sshra.s32 s17, $0x2;
	[sflag:s10] =	ssyncadd.s32 $0xFFFFC000  }
0x2e: {  	[tilespmem:s15], [sflag:$0x1] =	stream.indirect.gather [hbm4b:s4+s14], $0x80, s17, s14, $0xb8;
	[tilespmem:$0x1D000] =	vst v63  }
0x2f: {  	_ =	swait.ge [sflag:s10], $0x4000  }
0x30: {  	[sflag:s10] =	ssyncset.done $0x0  }
0x31: {  	s17 =	sadd.s32 $0x2800, s17;
	[sflag:s10] =	ssyncadd.s32 $0xFFFFC000  }
0x32: {  	[spmem:s2] =	stream.indirect.scatter.add.f32 [tilespmem:s15], [sflag:$0x1], $0x80, s17, s14, $0xb8;
	[tilespmem:$0x1D000] =	vst v63  }
0x33: {  	_ =	swait.ge [sflag:s10], $0x4000  }
0x34: {  	s16 =	sadd.s32 $0x1, s16;
	[sflag:s10] =	ssyncset.done $0x0  }
0x35: {  	p0 =	sne.s32 s16, s9;
	[sflag:s10] =	ssyncadd.s32 $0xFFFFC000  }
.Ltmp1:
0x36: {  	[bflag:$0x0] =	sbarrier.arrive $0xFFFF;
	(pc) =	sbr.rel @p0 .LBB2_1-.Ltmp1, $4  }
0x37: {  	[hbm:s8], [sflag:s12] =	dma.local [spmem:s13], $0x2800  }
0x38: {  	_ =	swait.ge [sflag:s10], $0x2800  }
0x39: {  	[sflag:s10] =	ssyncset.done $0x0  }
0x3a: {  	[sflag:s10] =	ssyncadd.s32 $0xFFFFD800  }
0x3b: {  	_ =	sfence.sel $0x180000  }
0x3c: {  	[bflag:$0x0] =	sbarrier.arrive $0xFFFF  }
0x3d: {  	p0 =	sne.s32 s0, $0x0;
	_ =	strace $0x9000004A  }
0x3e: {  	s0 =	sadd.s32 @!p0 $0x100000, s1;
	[bflag:$0x2] =	sbarrier.arrive $0xFFFF  }
0x3f: {  	[sflag:s0] =	ssyncadd.tile.s32 @!p0 $0x1;
	_ =	shalt  }
.Lfunc_end2:
_tile_overlayer_lowered:
.L_overlay_start_2:
0x40: {  	(tag) =	ssettag $0x2  }
0x41: {  	s0 =	rddreg [dreg:$0x0];
	s2 =	stileid.u32  }
0x42: {  	s1 =	rddreg [dreg:$0x1];
	p0 =	sne.s32 s2, $0x0  }
0x43: {  	s3 =	rddreg [dreg:$0x2];
	[bflag:$0x3] =	sbarrier.arrive $0xFFFF;
	s2 =	simm.s32 @!p0 $0x1C01  }
0x44: {  	[timem:s3], [sflag:s2] =	dma.local @!p0 [hbm:s0], s1  }
0x45: {  	s0 =	simm.s32 @!p0 $0x1  }
0x46: {  	_ =	swait.ge @!p0 [sflag:s0], s1  }
0x47: {  	s1 =	ssub.s32 @!p0 $0x0, s1;
	[sflag:s0] =	ssyncset.done @!p0 $0x0  }
0x48: {  	[sflag:s0] =	ssyncadd.s32 @!p0 s1  }
0x49: {  	[bflag:$0x3] =	sbarrier.arrive $0xFFFF  }
0x4a: {  	_ =	shalt  }

// kernel: kernel.16.cloned.1.call-start
scs
__scs_entry_jumppad:
0x0: {  	(pc) =	sbr.rel $0x88, $3  }
0x1: {  	(tag) =	ssettag $0x0;
	lr =	simm.s32 $0x1  }
0x2: {  	[smem:$0x3F99] =	sst lr;
	_ =	strace $0xD0000000  }
0x3: {  	_ = 	snop  }
0x4: {  	_ = 	snop  }
0x5: {  	_ = 	snop  }
0x6: {  	_ = 	snop  }
0x7: {  	_ = 	snop  }
__scs_overlays_trampoline_lowered:
0x8: {  	[smem:$0x3FA8] =	sst s0  }
0x9: {  	[smem:$0x3FA9] =	sst s1  }
0xa: {  	[smem:$0x3FAA] =	sst s2  }
0xb: {  	[smem:$0x3FAB] =	sst s3  }
0xc: {  	[smem:$0x3FAC] =	sst s4  }
0xd: {  	[smem:$0x3FAD] =	sst s5  }
0xe: {  	[smem:$0x3FAE] =	sst s6  }
0xf: {  	[smem:$0x3FAF] =	sst s7  }
0x10: {  	[smem:$0x3FB0] =	sst s8  }
0x11: {  	[smem:$0x3FB1] =	sst s9;
	s0 =	simm.s32 @!p0 $0x0  }
0x12: {  	s1 =	sld [smem:$0x3F97];
	s0 =	simm.s32 @p0 $0x1  }
0x13: {  	[smem:$0x3FB2] =	sst s0;
	s0 =	simm.s32 @!p1 $0x0  }
0x14: {  	s2 =	sld [smem:$0x3F96];
	s0 =	simm.s32 @p1 $0x1  }
0x15: {  	[smem:$0x3FB3] =	sst s0;
	s0 =	simm.s32 @!p2 $0x0  }
0x16: {  	s3 =	sld [smem:$0x3FDB];
	s0 =	simm.s32 @p2 $0x1  }
0x17: {  	s4 =	simm.s32 $0x1BF5;
	[smem:$0x3FB5] =	sst s0  }
0x18: {  	s0 =	sld [smem:$0x3F98];
	_ =	swait.ge [sflag:s4], $0x0  }
0x19: {  	s7 =	sld [smem:$0x3F99]  }
0x1a: {  	s8 =	sadd.s32 $0xFFFFE003, lr  }
0x1b: {  	s9 =	sadd.s32 $0xFFFFFEF7, lr;
	s5 =	simm.s32 $0xFFFFFFFF;
	p2 =	slt.u32 s8, $0xFFFFF086  }
0x1c: {  	p1 =	slt.u32 s9, $0xF7A;
	s5 =	simm.s32 @!p2 $0x0  }
0x1d: {  	s5 =	simm.s32 @p1 $0x1;
	p0 =	seq.s32 s7, s2  }
0x1e: {  	s7 =	smul.u32 @!p0 $0xF7A, s2;
	p2 =	seq.s32 @!p0 s5, $0x0  }
0x1f: {  	s9 =	smul.u32 $0xF7A, s1;
	s8 =	simm.s32 @!p0 $0x1BF5;
	p2 =	por !p2, p0  }
0x20: {  	[sflag:s8] =	ssyncset.s32 @!p0 $0xFFFFF086;
	s6 =	sadd.s32 @!p0 s3, s7;
	s7 =	simm.s32 @!p0 $0x108  }
0x21: {  	s3 =	sadd.s32 s3, s9;
	s6 =	sadd.s32 @!p0 $0x88, s6;
	s7 =	simm.s32 @p2 $0x1082  }
0x22: {  	[simem:s7], [sflag:s8] =	dma.local @!p0 [hbm:s6], $0xF7A  }
0x23: {  	s9 =	sor.u32 $0xD0000000, s2;
	s6 =	simm.s32 $0x108;
	_ =	swait.ge @!p0 [sflag:s8], $0x0  }
0x24: {  	s3 =	sadd.s32 $0x88, s3;
	s6 =	simm.s32 @!p1 $0x1082;
	[sflag:s4] =	ssyncset.s32 $0xFFFFF086  }
0x25: {  	[simem:s6], [sflag:s4] =	dma.local [hbm:s3], $0xF7A  }
0x26: {  	[smem:$0x3F99] =	sst s1;
	(tag) =	ssettag s2;
	_ =	strace s9  }
0x27: {  	s1 =	sld [smem:$0x3FA9]  }
0x28: {  	s2 =	sld [smem:$0x3FAA]  }
0x29: {  	s4 =	sld [smem:$0x3FAC]  }
0x2a: {  	p0 =	seq.s32 s5, $0x0;
	s5 =	sld [smem:$0x3FAD]  }
0x2b: {  	s6 =	sld [smem:$0x3FAE]  }
0x2c: {  	s7 =	sld [smem:$0x3FAF]  }
0x2d: {  	s3 =	simm.s32 $0x108;
	s8 =	sld [smem:$0x3FB0]  }
0x2e: {  	s3 =	simm.s32 @!p0 $0x1082;
	s9 =	sld [smem:$0x3FB1]  }
0x2f: {  	lr =	sadd.s32 s0, s3;
	s0 =	sld [smem:$0x3FA8]  }
0x30: {  	s3 =	sld [smem:$0x3FAB]  }
0x31: {  	[smem:$0x3FB4] =	sst s10  }
0x32: {  	s10 =	sld [smem:$0x3FB2];
	_ =	sdelay $0x3  }
0x33: {  	p0 =	seq.s32 s10, $0x1;
	s10 =	sld [smem:$0x3FB4];
	_ =	sdelay $0x3  }
0x34: {  	[smem:$0x3FB4] =	sst s10  }
0x35: {  	s10 =	sld [smem:$0x3FB3];
	_ =	sdelay $0x3  }
0x36: {  	p1 =	seq.s32 s10, $0x1;
	s10 =	sld [smem:$0x3FB4];
	_ =	sdelay $0x3  }
0x37: {  	[smem:$0x3FB4] =	sst s10  }
0x38: {  	s10 =	sld [smem:$0x3FB5]  }
0x39: {  	_ = 	snop;
	(pc) =	sbr.ind lr, $3  }
0x3a: {  	_ = 	snop  }
0x3b: {  	_ = 	snop  }
0x3c: {  	p2 =	seq.s32 s10, $0x1;
	s10 =	sld [smem:$0x3FB4]  }
0x3d: {  	_ =	shalt  }
0x3e: {  	_ =	shalt  }
0x3f: {  	_ =	shalt  }
0x40: {  	_ =	shalt  }
0x41: {  	_ =	shalt  }
0x42: {  	_ =	shalt  }
0x43: {  	_ =	shalt  }
0x44: {  	_ =	shalt  }
0x45: {  	_ =	shalt  }
0x46: {  	_ =	shalt  }
0x47: {  	_ =	shalt  }
0x48: {  	_ =	shalt  }
0x49: {  	_ =	shalt  }
0x4a: {  	_ =	shalt  }
0x4b: {  	_ =	shalt  }
0x4c: {  	_ =	shalt  }
0x4d: {  	_ =	shalt  }
0x4e: {  	_ =	shalt  }
0x4f: {  	_ =	shalt  }
0x50: {  	_ =	shalt  }
0x51: {  	_ =	shalt  }
0x52: {  	_ =	shalt  }
0x53: {  	_ =	shalt  }
0x54: {  	_ =	shalt  }
0x55: {  	_ =	shalt  }
0x56: {  	_ =	shalt  }
0x57: {  	_ =	shalt  }
0x58: {  	_ =	shalt  }
0x59: {  	_ =	shalt  }
0x5a: {  	_ =	shalt  }
0x5b: {  	_ =	shalt  }
0x5c: {  	_ =	shalt  }
0x5d: {  	_ =	shalt  }
0x5e: {  	_ =	shalt  }
0x5f: {  	_ =	shalt  }
0x60: {  	_ =	shalt  }
0x61: {  	_ =	shalt  }
0x62: {  	_ =	shalt  }
0x63: {  	_ =	shalt  }
0x64: {  	_ =	shalt  }
0x65: {  	_ =	shalt  }
0x66: {  	_ =	shalt  }
0x67: {  	_ =	shalt  }
0x68: {  	_ =	shalt  }
0x69: {  	_ =	shalt  }
0x6a: {  	_ =	shalt  }
0x6b: {  	_ =	shalt  }
0x6c: {  	_ =	shalt  }
0x6d: {  	_ =	shalt  }
0x6e: {  	_ =	shalt  }
0x6f: {  	_ =	shalt  }
0x70: {  	_ =	shalt  }
0x71: {  	_ =	shalt  }
0x72: {  	_ =	shalt  }
0x73: {  	_ =	shalt  }
0x74: {  	_ =	shalt  }
0x75: {  	_ =	shalt  }
0x76: {  	_ =	shalt  }
0x77: {  	_ =	shalt  }
0x78: {  	_ =	shalt  }
0x79: {  	_ =	shalt  }
0x7a: {  	_ =	shalt  }
0x7b: {  	_ =	shalt  }
0x7c: {  	_ =	shalt  }
0x7d: {  	_ =	shalt  }
0x7e: {  	_ =	shalt  }
0x7f: {  	_ =	shalt  }
0x80: {  	_ =	shalt  }
0x81: {  	_ =	shalt  }
0x82: {  	_ =	shalt  }
0x83: {  	_ =	shalt  }
0x84: {  	_ =	shalt  }
0x85: {  	_ =	shalt  }
0x86: {  	_ =	shalt  }
0x87: {  	_ =	shalt  }
.Lfunc_end0:
.L_simem_size_0:
called_computation.2_lowered:
.L_overlay_start_0:
0x88: {  	s2 =	sld [smem:$0x3FD9]  }
0x89: {  	s3 =	sld [smem:$0x3FFE];
	_ =	sdelay $0x1  }
0x8a: {  	s1 =	srdreg.scid  }
0x8b: {  	s0 =	sand.u32 $0x1, s1  }
0x8c: {  	s17 =	sshll.u32 s0, $0xA;
	s2 =	sadd.s32 s3, s2  }
0x8d: {  	s2 =	sadd.s32 s2, s17  }
0x8e: {  	[smem:$0x3FC0] =	sst s2  }
0x8f: {  	_ = 	snop  }
0x90: {  	s2 =	sld [smem:$0x3FD0];
	(tm) =	ssettm $0x1  }
0x91: {  	s18 =	sld [smem:$0x3FFB];
	_ =	sdelay $0x3  }
0x92: {  	_ =	strace s18  }
0x93: {  	s3 =	sld [smem:$0x3FFC];
	_ =	sdelay $0x3  }
0x94: {  	_ =	strace s3  }
0x95: {  	s3 =	sld [smem:$0x3FFD];
	_ =	sdelay $0x3  }
0x96: {  	_ =	strace s3  }
0x97: {  	_ =	strace $0x8FFFFFFF  }
0x98: {  	s19 =	sld [smem:$0x3FDB];
	_ =	sdelay $0x1  }
0x99: {  	s4 =	simm.s32 $_scs_section_size  }
0x9a: {  	s5 =	simm.s32 $_size__tile_overlayer_lowered;
	s6 =	simm.s32 $_tile_overlayer_lowered  }
0x9b: {  	s22 =	simm.s32 $0x1BFF;
	s21 =	sshll.u32 s6, $0x1;
	s3 =	sadd.s32 s4, s19  }
0x9c: {  	s7 =	simm.s32 $0x0;
	s20 =	sshll.u32 s5, $0x1;
	s5 =	sadd.s32 s21, s3  }
0x9d: {  	[timem:s7], [sflag:s22] =	dma.local [hbm:s5], s20  }
0x9e: {  	_ =	swait.ge [sflag:s22], s20  }
0x9f: {  	s4 =	ssub.s32 $0x0, s20;
	[sflag:s22] =	ssyncset.done $0x0  }
0xa0: {  	[sflag:s22] =	ssyncadd.s32 s4;
	_ =	sdelay $0x1  }
0xa1: {  	s23 =	simm.s32 $0x1B8B  }
0xa2: {  	_ =	swait.ge [sflag:s23], $0x1  }
0xa3: {  	[sflag:s23] =	ssyncset.done $0x0  }
0xa4: {  	s25 =	simm.s32 $0x1B8E;
	s24 =	sld [smem:$0x3FFE];
	[sflag:s23] =	ssyncadd.s32 $0xFFFFFFFF  }
0xa5: {  	s26 =	simm.s32 $execute0_lowered;
	[smem:$0x3FD2] =	sst s25  }
0xa6: {  	s5 =	sshll.u32 s26, $0x1;
	_ =	strace $0x8000004C;
	[dreg:$0x1] =	wrdreg $0xFFFFFFFF  }
0xa7: {  	s28 =	simm.s32 $_size_execute0_lowered;
	s3 =	sadd.s32 s3, s5;
	[dreg:$0x0] =	wrdreg $0x0  }
0xa8: {  	s5 =	sshll.u32 s28, $0x1;
	[dreg:$0x2] =	wrdreg s3  }
0xa9: {  	[dreg:$0x3] =	wrdreg s5  }
0xaa: {  	[dreg:$0x4] =	wrdreg $0xC0  }
0xab: {  	_ =	task [dreg:s7], $0x5FFFF  }
0xac: {  	[dreg:$0x1] =	wrdreg $0xFFFFFFFF  }
0xad: {  	[dreg:$0x0] =	wrdreg $0x60  }
0xae: {  	[dreg:$0x2] =	wrdreg s24  }
0xaf: {  	[dreg:$0x3] =	wrdreg s2  }
0xb0: {  	[dreg:$0x4] =	wrdreg $0x90000  }
0xb1: {  	[dreg:$0x5] =	wrdreg $0x9  }
0xb2: {  	_ =	task.clear_ibuf [dreg:s7], $0x6FFFF;
	_ =	strace $0x9000004C  }
0xb3: {  	s29 =	simm.s32 $0x9;
	_ =	strace $0x8000004E  }
0xb4: {  	_ =	swait.ge [sflag:s29], $0x1  }
0xb5: {  	[sflag:s29] =	ssyncadd.s32 $0xFFFFFFFF  }
0xb6: {  	_ =	strace $0x9000004E  }
0xb7: {  	_ =	sfence  }
0xb8: {  	s30 =	sld [smem:$0x0];
	_ =	sdelay $0x2  }
0xb9: {  	s31 =	sshll.u32 s1, $0xD;
	s1 =	sshrl.u32 s1, $0x2  }
0xba: {  	s3 =	sand.u32 $0x4000, s31;
	s1 =	sadd.s32 s1, s30  }
0xbb: {  	s0 =	sor.u32 s3, s0;
	s1 =	sshll.u32 s1, $0x11  }
0xbc: {  	s0 =	sor.u32 s1, s0  }
0xbd: {  	s0 =	sadd.s32 $0x8F2B, s0  }
0xbe: {  	[sflag:s0] =	ssyncadd.remote.s32 $0x1  }
0xbf: {  	_ =	sfence.sel $0xFFFF  }
0xc0: {  	[dreg:$0x0] =	wrdreg $0xFFFFFFFF;
	(pc) =	sbr.abs _section_cstart, $3  }
0xc1: {  	[dreg:$0x1] =	wrdreg $0xFFFFFFFF  }
0xc2: {  	_ =	task.clear_ibuf [dreg:s7], $0x2FFFF;
	_ =	strace $0x9FFFFFFF  }
0xc3: {  	(tm) =	ssettm $0x7FFFFFFF  }
tec
execute0_lowered:
.L_overlay_start_1:
0x0: {  	(tag) =	ssettag $0x1  }
0x1: {  	s6 =	rddreg [dreg:$0x0]  }
0x2: {  	s7 =	rddreg [dreg:$0x1];
	s0 =	stileid.u32  }
0x3: {  	s1 =	srdreg.scid;
	s2 =	rddreg [dreg:$0x2]  }
0x4: {  	s3 =	simm.s32 $0x0;
	s14 =	simm.s32 $0x80;
	s8 =	smul.u32 $0x2800, s0  }
0x5: {  	s15 =	simm.s32 $0x5000;
	s16 =	simm.s32 $0x0;
	s10 =	smul.u32 $0x14000, s0  }
0x6: {  	s9 =	sand.u32 $0x1, s1;
	s1 =	rddreg [dreg:$0x3];
	s28 =	smul.u32 $0x50000, s0  }
0x7: {  	[smem:$0x7FF] =	sst s3;
	s4 =	sadd.s32 $0x17000, s6;
	s5 =	smul.u32 $0x140000, s9  }
0x8: {  	s31 =	sshll.u32 s0, $0x6;
	s12 =	smul.u32 $0x28000, s9;
	s9 =	ssub.s32 $0x2, s9  }
0x9: {  	_ =	strace $0x8000004D;
	s11 =	sshrl.u32 s8, $0x3;
	s29 =	sshrl.u32 s9, $0x1  }
0xa: {  	s30 =	sshrl.u32 s28, $0x2;
	s10 =	sadd.s32 s10, s5;
	s11 =	sadd.s32 s11, s6  }
0xb: {  	s5 =	sadd.s32 $0x7A00, s6;
	s8 =	sadd.s32 s8, s12;
	s9 =	ssub.s32 s9, s29  }
0xc: {  	s13 =	sadd.s32 s30, s2;
	s12 =	sor.u32 $0x1C01, s31;
	s10 =	sshrl.u32 s10, $0x3  }
0xd: {  	s8 =	sshrl.u32 s8, $0x3;
	s9 =	smax.u32 s9, $0x1;
	s13 =	sshrl.u32 s13, $0x3  }
0xe: {  	s10 =	sadd.s32 s10, s6;
	s6 =	sadd.s32 s7, s8;
	s7 =	sadd.s32 $0x2A00, s11  }
0xf: {  	s11 =	simm.s32 $0x2800;
	s8 =	sadd.s32 $0x65200, s10;
	s10 =	simm.s32 $0x1  }
.LBB2_1:
0x10: {  	[tilespmem:s3], [sflag:$0x1] =	stream.linear.gather [hbm4b:s6+s3], $0x2800, $0x38;
	[tilespmem:$0x1D000] =	vst v63  }
0x11: {  	_ =	swait.ge [sflag:s10], $0x2800  }
0x12: {  	[sflag:s10] =	ssyncset.done $0x0  }
0x13: {  	[sflag:s10] =	ssyncadd.s32 $0xFFFFD800  }
0x14: {  	[tilespmem:s11], [sflag:$0x1] =	stream.linear.gather [hbm4b:s7+s3], $0x2800, $0x38;
	[tilespmem:$0x1D000] =	vst v63  }
0x15: {  	_ =	swait.ge [sflag:s10], $0x2800  }
0x16: {  	[sflag:s10] =	ssyncset.done $0x0  }
0x17: {  	[sflag:s10] =	ssyncadd.s32 $0xFFFFD800  }
0x18: {  	[spmem:s13], [sflag:s12] =	dma.local [hbm:s5], $0x2800  }
0x19: {  	_ =	swait.ge [sflag:s10], $0x2800  }
0x1a: {  	[sflag:s10] =	ssyncset.done $0x0  }
0x1b: {  	[sflag:s10] =	ssyncadd.s32 $0xFFFFD800  }
0x1c: {  	s17 =	simm.s32 $0x0;
	[bflag:$0x0] =	sbarrier.arrive $0xFFFF  }
0x1d: {  	[tilespmem:s15], [sflag:$0x1] =	stream.indirect.gather [hbm4b:s4+s14], $0x80, s17, s14, $0xb8;
	[tilespmem:$0x1D000] =	vst v63  }
0x1e: {  	_ =	swait.ge [sflag:s10], $0x4000  }
0x1f: {  	[sflag:s10] =	ssyncset.done $0x0  }
0x20: {  	s31 =	simm.s32 $0x2800;
	[sflag:s10] =	ssyncadd.s32 $0xFFFFC000  }
0x21: {  	[spmem:s2] =	stream.indirect.scatter.add.f32 [tilespmem:s15], [sflag:$0x1], $0x80, s31, s14, $0xb8;
	[tilespmem:$0x1D000] =	vst v63  }
0x22: {  	_ =	swait.ge [sflag:s10], $0x4000  }
0x23: {  	s18 =	simm.s32 $0x400;
	s17 =	simm.s32 $0x200;
	[sflag:s10] =	ssyncset.done $0x0  }
.LBB2_2:
0x24: {  	s19 =	sshra.s32 s17, $0x2  }
0x25: {  	[sflag:s10] =	ssyncadd.s32 $0xFFFFC000;
	s17 =	smov.u32 s18;
	s20 =	sadd.s32 $0x200, s18  }
0x26: {  	[tilespmem:s15], [sflag:$0x1] =	stream.indirect.gather [hbm4b:s4+s14], $0x80, s19, s14, $0xb8;
	[tilespmem:$0x1D000] =	vst v63  }
0x27: {  	p0 =	sne.s32 s18, $0x9E00;
	_ =	swait.ge [sflag:s10], $0x4000  }
.Ltmp0:
0x28: {  	[sflag:s10] =	ssyncset.done $0x0;
	(pc) =	sbr.rel @p0 .LBB2_2-.Ltmp0, $4  }
0x29: {  	s18 =	sadd.s32 $0x2800, s19;
	[sflag:s10] =	ssyncadd.s32 $0xFFFFC000  }
0x2a: {  	[spmem:s2] =	stream.indirect.scatter.add.f32 [tilespmem:s15], [sflag:$0x1], $0x80, s18, s14, $0xb8;
	[tilespmem:$0x1D000] =	vst v63  }
0x2b: {  	_ =	swait.ge [sflag:s10], $0x4000  }
0x2c: {  	s18 =	smov.u32 s20;
	[sflag:s10] =	ssyncset.done $0x0  }
0x2d: {  	s17 =	sshra.s32 s17, $0x2;
	[sflag:s10] =	ssyncadd.s32 $0xFFFFC000  }
0x2e: {  	[tilespmem:s15], [sflag:$0x1] =	stream.indirect.gather [hbm4b:s4+s14], $0x80, s17, s14, $0xb8;
	[tilespmem:$0x1D000] =	vst v63  }
0x2f: {  	_ =	swait.ge [sflag:s10], $0x4000  }
0x30: {  	[sflag:s10] =	ssyncset.done $0x0  }
0x31: {  	s17 =	sadd.s32 $0x2800, s17;
	[sflag:s10] =	ssyncadd.s32 $0xFFFFC000  }
0x32: {  	[spmem:s2] =	stream.indirect.scatter.add.f32 [tilespmem:s15], [sflag:$0x1], $0x80, s17, s14, $0xb8;
	[tilespmem:$0x1D000] =	vst v63  }
0x33: {  	_ =	swait.ge [sflag:s10], $0x4000  }
0x34: {  	s16 =	sadd.s32 $0x1, s16;
	[sflag:s10] =	ssyncset.done $0x0  }
0x35: {  	p0 =	sne.s32 s16, s9;
	[sflag:s10] =	ssyncadd.s32 $0xFFFFC000  }
.Ltmp1:
0x36: {  	[bflag:$0x0] =	sbarrier.arrive $0xFFFF;
	(pc) =	sbr.rel @p0 .LBB2_1-.Ltmp1, $4  }
0x37: {  	[hbm:s8], [sflag:s12] =	dma.local [spmem:s13], $0x2800  }
0x38: {  	_ =	swait.ge [sflag:s10], $0x2800  }
0x39: {  	[sflag:s10] =	ssyncset.done $0x0  }
0x3a: {  	[sflag:s10] =	ssyncadd.s32 $0xFFFFD800  }
0x3b: {  	_ =	sfence.sel $0x180000  }
0x3c: {  	[bflag:$0x0] =	sbarrier.arrive $0xFFFF  }
0x3d: {  	p0 =	sne.s32 s0, $0x0;
	_ =	strace $0x9000004D  }
0x3e: {  	s0 =	sadd.s32 @!p0 $0x100000, s1;
	[bflag:$0x2] =	sbarrier.arrive $0xFFFF  }
0x3f: {  	[sflag:s0] =	ssyncadd.tile.s32 @!p0 $0x1;
	_ =	shalt  }
.Lfunc_end2:
_tile_overlayer_lowered:
.L_overlay_start_2:
0x40: {  	(tag) =	ssettag $0x2  }
0x41: {  	s0 =	rddreg [dreg:$0x0];
	s2 =	stileid.u32  }
0x42: {  	s1 =	rddreg [dreg:$0x1];
	p0 =	sne.s32 s2, $0x0  }
0x43: {  	s3 =	rddreg [dreg:$0x2];
	[bflag:$0x3] =	sbarrier.arrive $0xFFFF;
	s2 =	simm.s32 @!p0 $0x1C01  }
0x44: {  	[timem:s3], [sflag:s2] =	dma.local @!p0 [hbm:s0], s1  }
0x45: {  	s0 =	simm.s32 @!p0 $0x1  }
0x46: {  	_ =	swait.ge @!p0 [sflag:s0], s1  }
0x47: {  	s1 =	ssub.s32 @!p0 $0x0, s1;
	[sflag:s0] =	ssyncset.done @!p0 $0x0  }
0x48: {  	[sflag:s0] =	ssyncadd.s32 @!p0 s1  }
0x49: {  	[bflag:$0x3] =	sbarrier.arrive $0xFFFF  }
0x4a: {  	_ =	shalt  }

// kernel: kernel.19.cloned.1.call-start
scs
__scs_entry_jumppad:
0x0: {  	(pc) =	sbr.rel $0x88, $3  }
0x1: {  	(tag) =	ssettag $0x0;
	lr =	simm.s32 $0x1  }
0x2: {  	[smem:$0x3F99] =	sst lr;
	_ =	strace $0xD0000000  }
0x3: {  	_ = 	snop  }
0x4: {  	_ = 	snop  }
0x5: {  	_ = 	snop  }
0x6: {  	_ = 	snop  }
0x7: {  	_ = 	snop  }
__scs_overlays_trampoline_lowered:
0x8: {  	[smem:$0x3FA8] =	sst s0  }
0x9: {  	[smem:$0x3FA9] =	sst s1  }
0xa: {  	[smem:$0x3FAA] =	sst s2  }
0xb: {  	[smem:$0x3FAB] =	sst s3  }
0xc: {  	[smem:$0x3FAC] =	sst s4  }
0xd: {  	[smem:$0x3FAD] =	sst s5  }
0xe: {  	[smem:$0x3FAE] =	sst s6  }
0xf: {  	[smem:$0x3FAF] =	sst s7  }
0x10: {  	[smem:$0x3FB0] =	sst s8  }
0x11: {  	[smem:$0x3FB1] =	sst s9;
	s0 =	simm.s32 @!p0 $0x0  }
0x12: {  	s1 =	sld [smem:$0x3F97];
	s0 =	simm.s32 @p0 $0x1  }
0x13: {  	[smem:$0x3FB2] =	sst s0;
	s0 =	simm.s32 @!p1 $0x0  }
0x14: {  	s2 =	sld [smem:$0x3F96];
	s0 =	simm.s32 @p1 $0x1  }
0x15: {  	[smem:$0x3FB3] =	sst s0;
	s0 =	simm.s32 @!p2 $0x0  }
0x16: {  	s3 =	sld [smem:$0x3FDB];
	s0 =	simm.s32 @p2 $0x1  }
0x17: {  	s4 =	simm.s32 $0x1BF5;
	[smem:$0x3FB5] =	sst s0  }
0x18: {  	s0 =	sld [smem:$0x3F98];
	_ =	swait.ge [sflag:s4], $0x0  }
0x19: {  	s7 =	sld [smem:$0x3F99]  }
0x1a: {  	s8 =	sadd.s32 $0xFFFFE003, lr  }
0x1b: {  	s9 =	sadd.s32 $0xFFFFFEF7, lr;
	s5 =	simm.s32 $0xFFFFFFFF;
	p2 =	slt.u32 s8, $0xFFFFF086  }
0x1c: {  	p1 =	slt.u32 s9, $0xF7A;
	s5 =	simm.s32 @!p2 $0x0  }
0x1d: {  	s5 =	simm.s32 @p1 $0x1;
	p0 =	seq.s32 s7, s2  }
0x1e: {  	s7 =	smul.u32 @!p0 $0xF7A, s2;
	p2 =	seq.s32 @!p0 s5, $0x0  }
0x1f: {  	s9 =	smul.u32 $0xF7A, s1;
	s8 =	simm.s32 @!p0 $0x1BF5;
	p2 =	por !p2, p0  }
0x20: {  	[sflag:s8] =	ssyncset.s32 @!p0 $0xFFFFF086;
	s6 =	sadd.s32 @!p0 s3, s7;
	s7 =	simm.s32 @!p0 $0x108  }
0x21: {  	s3 =	sadd.s32 s3, s9;
	s6 =	sadd.s32 @!p0 $0x88, s6;
	s7 =	simm.s32 @p2 $0x1082  }
0x22: {  	[simem:s7], [sflag:s8] =	dma.local @!p0 [hbm:s6], $0xF7A  }
0x23: {  	s9 =	sor.u32 $0xD0000000, s2;
	s6 =	simm.s32 $0x108;
	_ =	swait.ge @!p0 [sflag:s8], $0x0  }
0x24: {  	s3 =	sadd.s32 $0x88, s3;
	s6 =	simm.s32 @!p1 $0x1082;
	[sflag:s4] =	ssyncset.s32 $0xFFFFF086  }
0x25: {  	[simem:s6], [sflag:s4] =	dma.local [hbm:s3], $0xF7A  }
0x26: {  	[smem:$0x3F99] =	sst s1;
	(tag) =	ssettag s2;
	_ =	strace s9  }
0x27: {  	s1 =	sld [smem:$0x3FA9]  }
0x28: {  	s2 =	sld [smem:$0x3FAA]  }
0x29: {  	s4 =	sld [smem:$0x3FAC]  }
0x2a: {  	p0 =	seq.s32 s5, $0x0;
	s5 =	sld [smem:$0x3FAD]  }
0x2b: {  	s6 =	sld [smem:$0x3FAE]  }
0x2c: {  	s7 =	sld [smem:$0x3FAF]  }
0x2d: {  	s3 =	simm.s32 $0x108;
	s8 =	sld [smem:$0x3FB0]  }
0x2e: {  	s3 =	simm.s32 @!p0 $0x1082;
	s9 =	sld [smem:$0x3FB1]  }
0x2f: {  	lr =	sadd.s32 s0, s3;
	s0 =	sld [smem:$0x3FA8]  }
0x30: {  	s3 =	sld [smem:$0x3FAB]  }
0x31: {  	[smem:$0x3FB4] =	sst s10  }
0x32: {  	s10 =	sld [smem:$0x3FB2];
	_ =	sdelay $0x3  }
0x33: {  	p0 =	seq.s32 s10, $0x1;
	s10 =	sld [smem:$0x3FB4];
	_ =	sdelay $0x3  }
0x34: {  	[smem:$0x3FB4] =	sst s10  }
0x35: {  	s10 =	sld [smem:$0x3FB3];
	_ =	sdelay $0x3  }
0x36: {  	p1 =	seq.s32 s10, $0x1;
	s10 =	sld [smem:$0x3FB4];
	_ =	sdelay $0x3  }
0x37: {  	[smem:$0x3FB4] =	sst s10  }
0x38: {  	s10 =	sld [smem:$0x3FB5]  }
0x39: {  	_ = 	snop;
	(pc) =	sbr.ind lr, $3  }
0x3a: {  	_ = 	snop  }
0x3b: {  	_ = 	snop  }
0x3c: {  	p2 =	seq.s32 s10, $0x1;
	s10 =	sld [smem:$0x3FB4]  }
0x3d: {  	_ =	shalt  }
0x3e: {  	_ =	shalt  }
0x3f: {  	_ =	shalt  }
0x40: {  	_ =	shalt  }
0x41: {  	_ =	shalt  }
0x42: {  	_ =	shalt  }
0x43: {  	_ =	shalt  }
0x44: {  	_ =	shalt  }
0x45: {  	_ =	shalt  }
0x46: {  	_ =	shalt  }
0x47: {  	_ =	shalt  }
0x48: {  	_ =	shalt  }
0x49: {  	_ =	shalt  }
0x4a: {  	_ =	shalt  }
0x4b: {  	_ =	shalt  }
0x4c: {  	_ =	shalt  }
0x4d: {  	_ =	shalt  }
0x4e: {  	_ =	shalt  }
0x4f: {  	_ =	shalt  }
0x50: {  	_ =	shalt  }
0x51: {  	_ =	shalt  }
0x52: {  	_ =	shalt  }
0x53: {  	_ =	shalt  }
0x54: {  	_ =	shalt  }
0x55: {  	_ =	shalt  }
0x56: {  	_ =	shalt  }
0x57: {  	_ =	shalt  }
0x58: {  	_ =	shalt  }
0x59: {  	_ =	shalt  }
0x5a: {  	_ =	shalt  }
0x5b: {  	_ =	shalt  }
0x5c: {  	_ =	shalt  }
0x5d: {  	_ =	shalt  }
0x5e: {  	_ =	shalt  }
0x5f: {  	_ =	shalt  }
0x60: {  	_ =	shalt  }
0x61: {  	_ =	shalt  }
0x62: {  	_ =	shalt  }
0x63: {  	_ =	shalt  }
0x64: {  	_ =	shalt  }
0x65: {  	_ =	shalt  }
0x66: {  	_ =	shalt  }
0x67: {  	_ =	shalt  }
0x68: {  	_ =	shalt  }
0x69: {  	_ =	shalt  }
0x6a: {  	_ =	shalt  }
0x6b: {  	_ =	shalt  }
0x6c: {  	_ =	shalt  }
0x6d: {  	_ =	shalt  }
0x6e: {  	_ =	shalt  }
0x6f: {  	_ =	shalt  }
0x70: {  	_ =	shalt  }
0x71: {  	_ =	shalt  }
0x72: {  	_ =	shalt  }
0x73: {  	_ =	shalt  }
0x74: {  	_ =	shalt  }
0x75: {  	_ =	shalt  }
0x76: {  	_ =	shalt  }
0x77: {  	_ =	shalt  }
0x78: {  	_ =	shalt  }
0x79: {  	_ =	shalt  }
0x7a: {  	_ =	shalt  }
0x7b: {  	_ =	shalt  }
0x7c: {  	_ =	shalt  }
0x7d: {  	_ =	shalt  }
0x7e: {  	_ =	shalt  }
0x7f: {  	_ =	shalt  }
0x80: {  	_ =	shalt  }
0x81: {  	_ =	shalt  }
0x82: {  	_ =	shalt  }
0x83: {  	_ =	shalt  }
0x84: {  	_ =	shalt  }
0x85: {  	_ =	shalt  }
0x86: {  	_ =	shalt  }
0x87: {  	_ =	shalt  }
.Lfunc_end0:
.L_simem_size_0:
called_computation.3_lowered:
.L_overlay_start_0:
0x88: {  	s2 =	sld [smem:$0x3FD9]  }
0x89: {  	s3 =	sld [smem:$0x3FFE];
	_ =	sdelay $0x1  }
0x8a: {  	s1 =	srdreg.scid  }
0x8b: {  	s0 =	sand.u32 $0x1, s1  }
0x8c: {  	s17 =	sshll.u32 s0, $0xA;
	s2 =	sadd.s32 s3, s2  }
0x8d: {  	s2 =	sadd.s32 s2, s17  }
0x8e: {  	[smem:$0x3FC0] =	sst s2  }
0x8f: {  	_ = 	snop  }
0x90: {  	s2 =	sld [smem:$0x3FD0];
	(tm) =	ssettm $0x1  }
0x91: {  	s18 =	sld [smem:$0x3FFB];
	_ =	sdelay $0x3  }
0x92: {  	_ =	strace s18  }
0x93: {  	s3 =	sld [smem:$0x3FFC];
	_ =	sdelay $0x3  }
0x94: {  	_ =	strace s3  }
0x95: {  	s3 =	sld [smem:$0x3FFD];
	_ =	sdelay $0x3  }
0x96: {  	_ =	strace s3  }
0x97: {  	_ =	strace $0x8FFFFFFF  }
0x98: {  	s19 =	sld [smem:$0x3FDB];
	_ =	sdelay $0x1  }
0x99: {  	s4 =	simm.s32 $_scs_section_size  }
0x9a: {  	s5 =	simm.s32 $_size__tile_overlayer_lowered;
	s6 =	simm.s32 $_tile_overlayer_lowered  }
0x9b: {  	s22 =	simm.s32 $0x1BFF;
	s21 =	sshll.u32 s6, $0x1;
	s3 =	sadd.s32 s4, s19  }
0x9c: {  	s7 =	simm.s32 $0x0;
	s20 =	sshll.u32 s5, $0x1;
	s5 =	sadd.s32 s21, s3  }
0x9d: {  	[timem:s7], [sflag:s22] =	dma.local [hbm:s5], s20  }
0x9e: {  	_ =	swait.ge [sflag:s22], s20  }
0x9f: {  	s4 =	ssub.s32 $0x0, s20;
	[sflag:s22] =	ssyncset.done $0x0  }
0xa0: {  	[sflag:s22] =	ssyncadd.s32 s4;
	_ =	sdelay $0x1  }
0xa1: {  	s23 =	simm.s32 $0x1B8B  }
0xa2: {  	_ =	swait.ge [sflag:s23], $0x1  }
0xa3: {  	[sflag:s23] =	ssyncset.done $0x0  }
0xa4: {  	s25 =	simm.s32 $0x1B8E;
	s24 =	sld [smem:$0x3FFE];
	[sflag:s23] =	ssyncadd.s32 $0xFFFFFFFF  }
0xa5: {  	s26 =	simm.s32 $execute0_lowered;
	[smem:$0x3FD2] =	sst s25  }
0xa6: {  	s5 =	sshll.u32 s26, $0x1;
	_ =	strace $0x8000004F;
	[dreg:$0x1] =	wrdreg $0xFFFFFFFF  }
0xa7: {  	s28 =	simm.s32 $_size_execute0_lowered;
	s3 =	sadd.s32 s3, s5;
	[dreg:$0x0] =	wrdreg $0x0  }
0xa8: {  	s5 =	sshll.u32 s28, $0x1;
	[dreg:$0x2] =	wrdreg s3  }
0xa9: {  	[dreg:$0x3] =	wrdreg s5  }
0xaa: {  	[dreg:$0x4] =	wrdreg $0xC0  }
0xab: {  	_ =	task [dreg:s7], $0x5FFFF  }
0xac: {  	[dreg:$0x1] =	wrdreg $0xFFFFFFFF  }
0xad: {  	[dreg:$0x0] =	wrdreg $0x60  }
0xae: {  	[dreg:$0x2] =	wrdreg s2  }
0xaf: {  	[dreg:$0x3] =	wrdreg s24  }
0xb0: {  	[dreg:$0x4] =	wrdreg $0x48000  }
0xb1: {  	[dreg:$0x5] =	wrdreg $0x9  }
0xb2: {  	_ =	task.clear_ibuf [dreg:s7], $0x6FFFF;
	_ =	strace $0x9000004F  }
0xb3: {  	s29 =	simm.s32 $0x9;
	_ =	strace $0x80000051  }
0xb4: {  	_ =	swait.ge [sflag:s29], $0x1  }
0xb5: {  	[sflag:s29] =	ssyncadd.s32 $0xFFFFFFFF  }
0xb6: {  	_ =	strace $0x90000051  }
0xb7: {  	_ =	sfence  }
0xb8: {  	s30 =	sld [smem:$0x0];
	_ =	sdelay $0x2  }
0xb9: {  	s31 =	sshll.u32 s1, $0xD;
	s1 =	sshrl.u32 s1, $0x2  }
0xba: {  	s3 =	sand.u32 $0x4000, s31;
	s1 =	sadd.s32 s1, s30  }
0xbb: {  	s0 =	sor.u32 s3, s0;
	s1 =	sshll.u32 s1, $0x11  }
0xbc: {  	s0 =	sor.u32 s1, s0  }
0xbd: {  	s0 =	sadd.s32 $0x8F2B, s0  }
0xbe: {  	[sflag:s0] =	ssyncadd.remote.s32 $0x1  }
0xbf: {  	_ =	sfence.sel $0xFFFF  }
0xc0: {  	[dreg:$0x0] =	wrdreg $0xFFFFFFFF;
	(pc) =	sbr.abs _section_cstart, $3  }
0xc1: {  	[dreg:$0x1] =	wrdreg $0xFFFFFFFF  }
0xc2: {  	_ =	task.clear_ibuf [dreg:s7], $0x2FFFF;
	_ =	strace $0x9FFFFFFF  }
0xc3: {  	(tm) =	ssettm $0x7FFFFFFF  }
tec
execute0_lowered:
.L_overlay_start_1:
0x0: {  	(tag) =	ssettag $0x1  }
0x1: {  	s1 =	rddreg [dreg:$0x0]  }
0x2: {  	s2 =	srdreg.scid;
	s6 =	rddreg [dreg:$0x1]  }
0x3: {  	s0 =	stileid.u32;
	s3 =	rddreg [dreg:$0x2];
	s4 =	simm.s32 $0x0  }
0x4: {  	s14 =	simm.s32 $0x80;
	s15 =	simm.s32 $0x2800;
	s16 =	simm.s32 $0x0  }
0x5: {  	s5 =	sand.u32 $0x1, s2;
	s31 =	sshll.u32 s0, $0x1;
	s8 =	smul.u32 $0xA000, s0  }
0x6: {  	[smem:$0x7FF] =	sst s4;
	s12 =	sshll.u32 s0, $0x6;
	s2 =	sor.u32 s5, s31  }
0x7: {  	s9 =	smul.u32 $0xA0000, s5;
	s10 =	ssub.s32 $0x2, s5;
	s5 =	sadd.s32 $0x7A00, s6  }
0x8: {  	s12 =	sor.u32 $0x1C01, s12;
	s7 =	smul.u32 $0x280, s2;
	s2 =	rddreg [dreg:$0x3]  }
0x9: {  	_ =	strace $0x80000050;
	s11 =	sshrl.u32 s10, $0x1;
	s13 =	sadd.s32 s8, s3  }
0xa: {  	s9 =	sadd.s32 s8, s9;
	s10 =	ssub.s32 s10, s11;
	s11 =	simm.s32 $0x1400  }
0xb: {  	s13 =	sshrl.u32 s13, $0x3;
	s7 =	sadd.s32 s7, s6;
	s9 =	sshrl.u32 s9, $0x3  }
0xc: {  	s9 =	sadd.s32 s9, s6;
	s6 =	sadd.s32 $0x12000, s7;
	s7 =	sadd.s32 $0x2A00, s7  }
0xd: {  	s8 =	sadd.s32 $0x17000, s9;
	s9 =	smax.u32 s10, $0x1;
	s10 =	simm.s32 $0x1  }
.LBB2_1:
0xe: {  	[tilespmem:s4], [sflag:$0x1] =	stream.linear.gather [hbm4b:s6+s4], $0x1400, $0x38;
	[tilespmem:$0xE800] =	vst v63  }
0xf: {  	_ =	swait.ge [sflag:s10], $0x1400  }
0x10: {  	[sflag:s10] =	ssyncset.done $0x0  }
0x11: {  	[sflag:s10] =	ssyncadd.s32 $0xFFFFEC00  }
0x12: {  	[tilespmem:s11], [sflag:$0x1] =	stream.linear.gather [hbm4b:s7+s4], $0x1400, $0x38;
	[tilespmem:$0xE800] =	vst v63  }
0x13: {  	_ =	swait.ge [sflag:s10], $0x1400  }
0x14: {  	[sflag:s10] =	ssyncset.done $0x0  }
0x15: {  	[sflag:s10] =	ssyncadd.s32 $0xFFFFEC00  }
0x16: {  	[spmem:s13], [sflag:s12] =	dma.local [hbm:s5], $0x1400  }
0x17: {  	_ =	swait.ge [sflag:s10], $0x1400  }
0x18: {  	[sflag:s10] =	ssyncset.done $0x0  }
0x19: {  	[sflag:s10] =	ssyncadd.s32 $0xFFFFEC00  }
0x1a: {  	s17 =	simm.s32 $0x0;
	[bflag:$0x0] =	sbarrier.arrive $0xFFFF  }
0x1b: {  	[tilespmem:s15], [sflag:$0x1] =	stream.indirect.gather [hbm4b:s1+s14], $0x40, s17, s14, $0xb8;
	[tilespmem:$0xE800] =	vst v63  }
0x1c: {  	_ =	swait.ge [sflag:s10], $0x2000  }
0x1d: {  	[sflag:s10] =	ssyncset.done $0x0  }
0x1e: {  	s31 =	simm.s32 $0x1400;
	[sflag:s10] =	ssyncadd.s32 $0xFFFFE000  }
0x1f: {  	[spmem:s3] =	stream.indirect.scatter.add.f32 [tilespmem:s15], [sflag:$0x1], $0x40, s31, s14, $0xb8;
	[tilespmem:$0xE800] =	vst v63  }
0x20: {  	_ =	swait.ge [sflag:s10], $0x2000  }
0x21: {  	s18 =	simm.s32 $0x400;
	s17 =	simm.s32 $0x200;
	[sflag:s10] =	ssyncset.done $0x0  }
.LBB2_2:
0x22: {  	s19 =	sshra.s32 s17, $0x2  }
0x23: {  	[sflag:s10] =	ssyncadd.s32 $0xFFFFE000;
	s17 =	smov.u32 s18;
	s20 =	sadd.s32 $0x200, s18  }
0x24: {  	[tilespmem:s15], [sflag:$0x1] =	stream.indirect.gather [hbm4b:s1+s14], $0x40, s19, s14, $0xb8;
	[tilespmem:$0xE800] =	vst v63  }
0x25: {  	p0 =	sne.s32 s18, $0x4E00;
	_ =	swait.ge [sflag:s10], $0x2000  }
.Ltmp0:
0x26: {  	[sflag:s10] =	ssyncset.done $0x0;
	(pc) =	sbr.rel @p0 .LBB2_2-.Ltmp0, $4  }
0x27: {  	s18 =	sadd.s32 $0x1400, s19;
	[sflag:s10] =	ssyncadd.s32 $0xFFFFE000  }
0x28: {  	[spmem:s3] =	stream.indirect.scatter.add.f32 [tilespmem:s15], [sflag:$0x1], $0x40, s18, s14, $0xb8;
	[tilespmem:$0xE800] =	vst v63  }
0x29: {  	_ =	swait.ge [sflag:s10], $0x2000  }
0x2a: {  	s18 =	smov.u32 s20;
	[sflag:s10] =	ssyncset.done $0x0  }
0x2b: {  	s17 =	sshra.s32 s17, $0x2;
	[sflag:s10] =	ssyncadd.s32 $0xFFFFE000  }
0x2c: {  	[tilespmem:s15], [sflag:$0x1] =	stream.indirect.gather [hbm4b:s1+s14], $0x40, s17, s14, $0xb8;
	[tilespmem:$0xE800] =	vst v63  }
0x2d: {  	_ =	swait.ge [sflag:s10], $0x2000  }
0x2e: {  	[sflag:s10] =	ssyncset.done $0x0  }
0x2f: {  	s17 =	sadd.s32 $0x1400, s17;
	[sflag:s10] =	ssyncadd.s32 $0xFFFFE000  }
0x30: {  	[spmem:s3] =	stream.indirect.scatter.add.f32 [tilespmem:s15], [sflag:$0x1], $0x40, s17, s14, $0xb8;
	[tilespmem:$0xE800] =	vst v63  }
0x31: {  	_ =	swait.ge [sflag:s10], $0x2000  }
0x32: {  	s16 =	sadd.s32 $0x1, s16;
	[sflag:s10] =	ssyncset.done $0x0  }
0x33: {  	p0 =	sne.s32 s16, s9;
	[sflag:s10] =	ssyncadd.s32 $0xFFFFE000  }
.Ltmp1:
0x34: {  	[bflag:$0x0] =	sbarrier.arrive $0xFFFF;
	(pc) =	sbr.rel @p0 .LBB2_1-.Ltmp1, $4  }
0x35: {  	[hbm:s8], [sflag:s12] =	dma.local [spmem:s13], $0x1400  }
0x36: {  	_ =	swait.ge [sflag:s10], $0x1400  }
0x37: {  	[sflag:s10] =	ssyncset.done $0x0  }
0x38: {  	[sflag:s10] =	ssyncadd.s32 $0xFFFFEC00  }
0x39: {  	_ =	sfence.sel $0x180000  }
0x3a: {  	[bflag:$0x0] =	sbarrier.arrive $0xFFFF  }
0x3b: {  	p0 =	sne.s32 s0, $0x0;
	_ =	strace $0x90000050  }
0x3c: {  	s0 =	sadd.s32 @!p0 $0x100000, s2;
	[bflag:$0x2] =	sbarrier.arrive $0xFFFF  }
0x3d: {  	[sflag:s0] =	ssyncadd.tile.s32 @!p0 $0x1;
	_ =	shalt  }
.Lfunc_end2:
_tile_overlayer_lowered:
.L_overlay_start_2:
0x3e: {  	(tag) =	ssettag $0x2  }
0x3f: {  	s0 =	rddreg [dreg:$0x0];
	s2 =	stileid.u32  }
0x40: {  	s1 =	rddreg [dreg:$0x1];
	p0 =	sne.s32 s2, $0x0  }
0x41: {  	s3 =	rddreg [dreg:$0x2];
	[bflag:$0x3] =	sbarrier.arrive $0xFFFF;
	s2 =	simm.s32 @!p0 $0x1C01  }
0x42: {  	[timem:s3], [sflag:s2] =	dma.local @!p0 [hbm:s0], s1  }
0x43: {  	s0 =	simm.s32 @!p0 $0x1  }
0x44: {  	_ =	swait.ge @!p0 [sflag:s0], s1  }
0x45: {  	s1 =	ssub.s32 @!p0 $0x0, s1;
	[sflag:s0] =	ssyncset.done @!p0 $0x0  }
0x46: {  	[sflag:s0] =	ssyncadd.s32 @!p0 s1  }
0x47: {  	[bflag:$0x3] =	sbarrier.arrive $0xFFFF  }
0x48: {  	_ =	shalt  }

</sc_bundles>
